<compile_context>
chip_gen: v7x
topology: tpu7x:2x2x1
jax: 0.10.2.dev20260603
libtpu: 0.0.44.dev20260713+nightly
codegen_flags: <defaults>
</compile_context>

<pallas_src>
import functools

import jax
import jax.numpy as jnp
from jax import lax
from jax.experimental import pallas as pl
from jax.experimental.pallas import tpu as pltpu
from jax.experimental.pallas import tpu_sc as plsc

N_NODES = 10000
N_EDGES = 320000
IN_FEATS = 128
NUM_CLASSES = 16

N_PAD = 10240
NW = 32
LANES = 128
E_ROWS = N_EDGES // LANES
BASE_STEPS = E_ROWS // NW
TAIL_ROWS = E_ROWS - BASE_STEPS * NW
ROWS_PER_TILE = N_PAD // 16
NODES_PER_TILE = N_PAD // NW
NBUF = 16

_mesh = plsc.VectorSubcoreMesh(core_axis_name="c", subcore_axis_name="s")
_sc_params = pltpu.CompilerParams(use_tc_tiling_on_sc=False)

_PART = jax.ShapeDtypeStruct((N_PAD, NUM_CLASSES), jnp.float32)


def _wid(cid, sid):
    return cid * 16 + sid


def _load_idx(edge_hbm, which, gid, idx):
    pltpu.sync_copy(edge_hbm.at[which, pl.ds(gid * BASE_STEPS, BASE_STEPS)],
                    idx.at[pl.ds(0, BASE_STEPS)])

    @pl.when(gid < TAIL_ROWS)
    def _():
        pltpu.sync_copy(
            edge_hbm.at[which, pl.ds(NW * BASE_STEPS + gid, 1)],
            idx.at[pl.ds(BASE_STEPS, 1)])


def _rsqrt_norm(d16):
    x = jnp.maximum(d16, 1.0)
    t = x
    r = jnp.full((16,), 1.0, jnp.float32)
    for j in range(9, 0, -1):
        c = t >= float(4 ** j)
        t = jnp.where(c, t * float(4.0 ** (-j)), t)
        r = jnp.where(c, r * float(2.0 ** (-j)), r)
    c = t >= 2.0
    t = jnp.where(c, t * 0.5, t)
    r = jnp.where(c, r * 0.7071067811865476, r)
    s = jnp.full((16,), 0.85, jnp.float32)
    for _ in range(4):
        s = s * (1.5 - 0.5 * t * s * s)
    return jnp.where(d16 > 0, s * r, 0.0)


@functools.partial(
    pl.kernel,
    mesh=_mesh,
    out_type=[_PART, _PART],
    scratch_types=[
        pltpu.VMEM((BASE_STEPS + 1, LANES), jnp.int32),
        pltpu.VMEM((LANES, NUM_CLASSES), jnp.float32),
        pltpu.VMEM((ROWS_PER_TILE, NUM_CLASSES), jnp.float32),
        pltpu.VMEM_SHARED((N_PAD, NUM_CLASSES), jnp.float32),
    ],
    compiler_params=_sc_params,
)
def _deg(edge_hbm, out_s0, out_s1, idx_s, ones_v, zeros_v, hist_s):
    cid = lax.axis_index("c")
    sid = lax.axis_index("s")
    gid = _wid(cid, sid)
    nsteps = BASE_STEPS + jnp.where(gid < TAIL_ROWS, 1, 0)

    def fill(i, _):
        ones_v[i] = jnp.ones((16,), jnp.float32)
        zeros_v[i] = jnp.zeros((16,), jnp.float32)
        return 0
    lax.fori_loop(0, LANES, fill, 0)

    def fillz(i, _):
        zeros_v[i] = jnp.zeros((16,), jnp.float32)
        return 0
    lax.fori_loop(LANES, ROWS_PER_TILE, fillz, 0)

    base = pl.multiple_of(sid * ROWS_PER_TILE, 128)
    pltpu.sync_copy(zeros_v, hist_s.at[pl.ds(base, ROWS_PER_TILE)])
    _load_idx(edge_hbm, 0, gid, idx_s)
    plsc.subcore_barrier()

    def body(s, _):
        pltpu.sync_copy(ones_v, hist_s.at[idx_s.at[s]], add=True)
        return 0
    lax.fori_loop(0, nsteps, body, 0)

    plsc.subcore_barrier()

    @pl.when(cid == 0)
    def _():
        pltpu.sync_copy(hist_s.at[pl.ds(base, ROWS_PER_TILE)],
                        out_s0.at[pl.ds(base, ROWS_PER_TILE)])

    @pl.when(cid == 1)
    def _():
        pltpu.sync_copy(hist_s.at[pl.ds(base, ROWS_PER_TILE)],
                        out_s1.at[pl.ds(base, ROWS_PER_TILE)])


def _mm_body(x_ref, w_ref, y_ref):
    y_ref[...] = jnp.dot(x_ref[...], w_ref[...],
                         preferred_element_type=jnp.float32)


@functools.partial(
    pl.kernel,
    mesh=_mesh,
    out_type=_PART,
    scratch_types=[
        pltpu.VMEM((NODES_PER_TILE, NUM_CLASSES), jnp.float32),
        pltpu.VMEM((NODES_PER_TILE, NUM_CLASSES), jnp.float32),
        pltpu.VMEM((NODES_PER_TILE, NUM_CLASSES), jnp.float32),
        pltpu.VMEM((NODES_PER_TILE, NUM_CLASSES), jnp.float32),
    ],
    compiler_params=_sc_params,
)
def _scale(xw_hbm, ds0_hbm, ds1_hbm, y_hbm, xv, d0v, d1v, yv):
    cid = lax.axis_index("c")
    sid = lax.axis_index("s")
    gid = _wid(cid, sid)
    start = pl.multiple_of(gid * NODES_PER_TILE, 128)
    pltpu.sync_copy(xw_hbm.at[pl.ds(start, NODES_PER_TILE)], xv)
    pltpu.sync_copy(ds0_hbm.at[pl.ds(start, NODES_PER_TILE)], d0v)
    pltpu.sync_copy(ds1_hbm.at[pl.ds(start, NODES_PER_TILE)], d1v)

    def body(i, _):
        norm = _rsqrt_norm(d0v[i] + d1v[i])
        yv[i] = xv[i] * norm
        return 0
    lax.fori_loop(0, NODES_PER_TILE, body, 0)

    pltpu.sync_copy(yv, y_hbm.at[pl.ds(start, NODES_PER_TILE)])


@functools.partial(
    pl.kernel,
    mesh=_mesh,
    out_type=[_PART, _PART, _PART, _PART],
    scratch_types=[
        pltpu.VMEM((BASE_STEPS + 1, LANES), jnp.int32),
        pltpu.VMEM((BASE_STEPS + 1, LANES), jnp.int32),
        pltpu.VMEM((NBUF, LANES, NUM_CLASSES), jnp.float32),
        pltpu.VMEM((LANES, NUM_CLASSES), jnp.float32),
        pltpu.VMEM((ROWS_PER_TILE, NUM_CLASSES), jnp.float32),
        pltpu.VMEM_SHARED((N_PAD, NUM_CLASSES), jnp.float32),
        pltpu.VMEM_SHARED((N_PAD, NUM_CLASSES), jnp.float32),
        pltpu.SemaphoreType.DMA,
        pltpu.SemaphoreType.DMA,
    ],
    compiler_params=_sc_params,
)
def _agg(y_hbm, edge_hbm, out_a0, out_a1, out_d0, out_d1, idx_s, idx_d, rows,
         ones_v, zeros_v, agg, hist_d, sem, dsem):
    cid = lax.axis_index("c")
    sid = lax.axis_index("s")
    gid = _wid(cid, sid)
    nsteps = BASE_STEPS + jnp.where(gid < TAIL_ROWS, 1, 0)

    def fill(i, _):
        ones_v[i] = jnp.ones((16,), jnp.float32)
        zeros_v[i] = jnp.zeros((16,), jnp.float32)
        return 0
    lax.fori_loop(0, LANES, fill, 0)

    def fillz(i, _):
        zeros_v[i] = jnp.zeros((16,), jnp.float32)
        return 0
    lax.fori_loop(LANES, ROWS_PER_TILE, fillz, 0)

    base = pl.multiple_of(sid * ROWS_PER_TILE, 128)
    pltpu.sync_copy(zeros_v, agg.at[pl.ds(base, ROWS_PER_TILE)])
    pltpu.sync_copy(zeros_v, hist_d.at[pl.ds(base, ROWS_PER_TILE)])
    _load_idx(edge_hbm, 0, gid, idx_s)
    _load_idx(edge_hbm, 1, gid, idx_d)
    plsc.subcore_barrier()

    for d in range(NBUF):
        pltpu.async_copy(y_hbm.at[idx_s.at[d]], rows.at[d], sem)

    def body(s, _):
        buf = lax.rem(s, NBUF)
        pltpu.make_async_copy(y_hbm.at[idx_s.at[s]], rows.at[buf], sem).wait()
        d1 = pltpu.async_copy(ones_v, hist_d.at[idx_d.at[s]], dsem, add=True)
        pltpu.sync_copy(rows.at[buf], agg.at[idx_d.at[s]], add=True)

        @pl.when(s + NBUF < nsteps)
        def _():
            pltpu.async_copy(y_hbm.at[idx_s.at[s + NBUF]], rows.at[buf], sem)
        d1.wait()
        return 0
    lax.fori_loop(0, nsteps, body, 0)

    plsc.subcore_barrier()

    @pl.when(cid == 0)
    def _():
        pltpu.sync_copy(agg.at[pl.ds(base, ROWS_PER_TILE)],
                        out_a0.at[pl.ds(base, ROWS_PER_TILE)])
        pltpu.sync_copy(hist_d.at[pl.ds(base, ROWS_PER_TILE)],
                        out_d0.at[pl.ds(base, ROWS_PER_TILE)])

    @pl.when(cid == 1)
    def _():
        pltpu.sync_copy(agg.at[pl.ds(base, ROWS_PER_TILE)],
                        out_a1.at[pl.ds(base, ROWS_PER_TILE)])
        pltpu.sync_copy(hist_d.at[pl.ds(base, ROWS_PER_TILE)],
                        out_d1.at[pl.ds(base, ROWS_PER_TILE)])


@functools.partial(
    pl.kernel,
    mesh=_mesh,
    out_type=jax.ShapeDtypeStruct((N_PAD, NUM_CLASSES), jnp.float32),
    scratch_types=[
        pltpu.VMEM((NODES_PER_TILE, NUM_CLASSES), jnp.float32),
        pltpu.VMEM((NODES_PER_TILE, NUM_CLASSES), jnp.float32),
        pltpu.VMEM((NODES_PER_TILE, NUM_CLASSES), jnp.float32),
        pltpu.VMEM((NODES_PER_TILE, NUM_CLASSES), jnp.float32),
        pltpu.VMEM((NODES_PER_TILE, NUM_CLASSES), jnp.float32),
        pltpu.VMEM((NUM_CLASSES,), jnp.float32),
    ],
    compiler_params=_sc_params,
)
def _comb(a0_hbm, a1_hbm, d0_hbm, d1_hbm, b_hbm, h_hbm,
          a0v, a1v, d0v, d1v, hv, bv):
    cid = lax.axis_index("c")
    sid = lax.axis_index("s")
    gid = _wid(cid, sid)
    start = pl.multiple_of(gid * NODES_PER_TILE, 128)
    pltpu.sync_copy(a0_hbm.at[pl.ds(start, NODES_PER_TILE)], a0v)
    pltpu.sync_copy(a1_hbm.at[pl.ds(start, NODES_PER_TILE)], a1v)
    pltpu.sync_copy(d0_hbm.at[pl.ds(start, NODES_PER_TILE)], d0v)
    pltpu.sync_copy(d1_hbm.at[pl.ds(start, NODES_PER_TILE)], d1v)
    pltpu.sync_copy(b_hbm, bv)
    b16 = bv[...]

    def body(i, _):
        norm = _rsqrt_norm(d0v[i] + d1v[i])
        hv[i] = jnp.maximum((a0v[i] + a1v[i]) * norm + b16, 0.0)
        return 0
    lax.fori_loop(0, NODES_PER_TILE, body, 0)

    pltpu.sync_copy(hv, h_hbm.at[pl.ds(start, NODES_PER_TILE)])


_BLK = 1280
_GRID = N_PAD // _BLK


def kernel(in_feat, edge_index, W, b):
    edge3 = edge_index.reshape(2, E_ROWS, LANES)

    ds0, ds1 = _deg(edge3)

    xw = pl.pallas_call(
        _mm_body,
        grid=(_GRID,),
        in_specs=[
            pl.BlockSpec((_BLK, IN_FEATS), lambda i: (i, 0)),
            pl.BlockSpec((IN_FEATS, NUM_CLASSES), lambda i: (0, 0)),
        ],
        out_specs=pl.BlockSpec((_BLK, NUM_CLASSES), lambda i: (i, 0)),
        out_shape=jax.ShapeDtypeStruct((N_PAD, NUM_CLASSES), jnp.float32),
    )(in_feat, W)

    y = _scale(xw, ds0, ds1)
    a0, a1, d0, d1 = _agg(y, edge3)
    return _comb(a0, a1, d0, d1, b)[:N_NODES]

# --- scband reference (transcript-rebuilt; emitter-appended) ---
"""Pipeline reference for scband-gcn-2-23459111371162 (READ-ONLY COPY).

The authoritative reference and input builder live on the scoring server;
editing this copy changes nothing except your own understanding.
"""

import jax, jax.numpy as jnp
import numpy as np

N_NODES = 10000
N_EDGES = 320000
IN_FEATS = 128
NUM_CLASSES = 16

def setup_inputs(seed: int = 0) -> dict:
    key = jax.random.key(seed)
    k1, k2, k3 = jax.random.split(key, 3)
    in_feat = jax.random.normal(k1, (N_NODES, IN_FEATS), dtype=jnp.float32)
    edge_index = jax.random.randint(k2, (2, N_EDGES), 0, N_NODES, dtype=jnp.int32)
    # GraphConv learned params (glorot-ish init)
    W = jax.random.normal(k3, (IN_FEATS, NUM_CLASSES), dtype=jnp.float32) * (1.0 / np.sqrt(IN_FEATS))
    b = jnp.zeros((NUM_CLASSES,), dtype=jnp.float32)
    return {"in_feat": in_feat, "edge_index": edge_index, "W": W, "b": b}

def reference(in_feat, edge_index, W, b):
    # DGL GraphConv with norm='both': h = D_dst^{-1/2} * A * (D_src^{-1/2} * X W) + b, then ReLU
    src = edge_index[0]
    dst = edge_index[1]
    deg_out = jnp.zeros((N_NODES,), dtype=jnp.float32).at[src].add(1.0)
    deg_in = jnp.zeros((N_NODES,), dtype=jnp.float32).at[dst].add(1.0)
    norm_src = jnp.where(deg_out > 0, jax.lax.rsqrt(jnp.maximum(deg_out, 1.0)), 0.0)
    norm_dst = jnp.where(deg_in > 0, jax.lax.rsqrt(jnp.maximum(deg_in, 1.0)), 0.0)
    # in_feats > num_classes, so project first (matches DGL's mult-first path)
    xw = in_feat @ W
    msg = jnp.take(xw, src, axis=0) * norm_src[src][:, None]
    agg = jax.ops.segment_sum(msg, dst, num_segments=N_NODES)
    h = agg * norm_dst[:, None] + b
    return jax.nn.relu(h)

if __name__ == "__main__":
    import jax
    _d = setup_inputs()
    print(jax.jit(kernel)(*tuple(_d.values())))

</pallas_src>

<mosaic_0001>
#map = affine_map<(d0, d1) -> (0, 0, 0)>
#map1 = affine_map<(d0, d1) -> (0, 0)>
module attributes {stable_mosaic.version = 14 : i64} {
  func.func @_deg(%arg0: i32, %arg1: i32, %arg2: memref<2x2500x128xi32, #tpu.memory_space<hbm>>, %arg3: memref<10240x16xf32, #tpu.memory_space<hbm>>, %arg4: memref<10240x16xf32, #tpu.memory_space<hbm>>, %arg5: memref<79x128xi32, #tpu.memory_space<vmem>>, %arg6: memref<128x16xf32, #tpu.memory_space<vmem>>, %arg7: memref<640x16xf32, #tpu.memory_space<vmem>>, %arg8: memref<10240x16xf32, #tpu.memory_space<vmem_shared>>) attributes {dimension_semantics = [#tpu.dimension_semantics<core_parallel>, #tpu.dimension_semantics<subcore_parallel>], iteration_bounds = array<i64: 2, 16>, scalar_prefetch = 0 : i64, scratch_operands = 4 : i64, tpu.core_type = #tpu.core_type<sc_vector_subcore>, window_params = [{transform_indices = #map}, {transform_indices = #map1}, {transform_indices = #map1}]} {
    %mul3A = arith.constant 16 : i32
    %mul3A_0 = arith.muli %arg0, %mul3A : i32
    %add3A = arith.addi %mul3A_0, %arg1 : i32
    %lt3A = arith.constant 4 : i32
    %lt3A_1 = arith.cmpi slt, %add3A, %lt3A : i32
    %jit3A = arith.constant 1 : i32
    %jit3A_2 = arith.constant 0 : i32
    %select_n3A = arith.select %lt3A_1, %jit3A, %jit3A_2 : i32
    %add3A_3 = arith.constant 78 : i32
    %add3A_4 = arith.addi %add3A_3, %select_n3A : i32
    %scan3A = arith.constant 0 : i32
    %scan3A_5 = arith.constant 0 : i32
    %scan3A_6 = arith.constant 128 : i32
    %scan3A_7 = arith.addi %scan3A_5, %scan3A_6 : i32
    %scan3A_8 = arith.constant 1 : i32
    %scan3A_9 = scf.for %scan3A_46 = %scan3A_5 to %scan3A_7 step %scan3A_8 iter_args(%scan3A_47 = %scan3A) -> (i32)  : i32 {
      %broadcast_in_dim3A = arith.constant 1.000000e+00 : f32
      %broadcast_in_dim3A_48 = vector.broadcast %broadcast_in_dim3A : f32 to vector<16xf32>
      %swap3A = arith.index_cast %scan3A_46 : i32 to index
      %swap3A_49 = arith.constant 0 : index
      %swap3A_50 = tpu.vector_load %arg6[%swap3A, %swap3A_49] {strides = array<i32>} : memref<128x16xf32, #tpu.memory_space<vmem>>, vector<1x16xf32>,
      %swap3A_51 = vector.shape_cast %swap3A_50 : vector<1x16xf32> to vector<16xf32>
      %swap3A_52 = vector.shape_cast %broadcast_in_dim3A_48 : vector<16xf32> to vector<1x16xf32>
      tpu.vector_store %arg6[%swap3A, %swap3A_49], %swap3A_52 {strides = array<i32>} : memref<128x16xf32, #tpu.memory_space<vmem>>, vector<1x16xf32>,
      %broadcast_in_dim3A_53 = arith.constant 0.000000e+00 : f32
      %broadcast_in_dim3A_54 = vector.broadcast %broadcast_in_dim3A_53 : f32 to vector<16xf32>
      %swap3A_55 = arith.index_cast %scan3A_46 : i32 to index
      %swap3A_56 = arith.constant 0 : index
      %swap3A_57 = tpu.vector_load %arg7[%swap3A_55, %swap3A_56] {strides = array<i32>} : memref<640x16xf32, #tpu.memory_space<vmem>>, vector<1x16xf32>,
      %swap3A_58 = vector.shape_cast %swap3A_57 : vector<1x16xf32> to vector<16xf32>
      %swap3A_59 = vector.shape_cast %broadcast_in_dim3A_54 : vector<16xf32> to vector<1x16xf32>
      tpu.vector_store %arg7[%swap3A_55, %swap3A_56], %swap3A_59 {strides = array<i32>} : memref<640x16xf32, #tpu.memory_space<vmem>>, vector<1x16xf32>,
      %scan3A_60 = arith.constant 0 : i32
      scf.yield %scan3A_60 : i32
    }
    %scan3A_10 = arith.constant 128 : i32
    %scan3A_11 = arith.constant 0 : i32
    %scan3A_12 = arith.constant 128 : i32
    %scan3A_13 = arith.constant 512 : i32
    %scan3A_14 = arith.addi %scan3A_12, %scan3A_13 : i32
    %scan3A_15 = arith.constant 1 : i32
    %scan3A_16 = scf.for %scan3A_46 = %scan3A_12 to %scan3A_14 step %scan3A_15 iter_args(%scan3A_47 = %scan3A_11) -> (i32)  : i32 {
      %broadcast_in_dim3A = arith.constant 0.000000e+00 : f32
      %broadcast_in_dim3A_48 = vector.broadcast %broadcast_in_dim3A : f32 to vector<16xf32>
      %swap3A = arith.index_cast %scan3A_46 : i32 to index
      %swap3A_49 = arith.constant 0 : index
      %swap3A_50 = tpu.vector_load %arg7[%swap3A, %swap3A_49] {strides = array<i32>} : memref<640x16xf32, #tpu.memory_space<vmem>>, vector<1x16xf32>,
      %swap3A_51 = vector.shape_cast %swap3A_50 : vector<1x16xf32> to vector<16xf32>
      %swap3A_52 = vector.shape_cast %broadcast_in_dim3A_48 : vector<16xf32> to vector<1x16xf32>
      tpu.vector_store %arg7[%swap3A, %swap3A_49], %swap3A_52 {strides = array<i32>} : memref<640x16xf32, #tpu.memory_space<vmem>>, vector<1x16xf32>,
      %scan3A_53 = arith.constant 0 : i32
      scf.yield %scan3A_53 : i32
    }
    %scan3A_17 = arith.constant 512 : i32
    %mul3A_18 = arith.constant 640 : i32
    %mul3A_19 = arith.muli %arg1, %mul3A_18 : i32
    %multiple_of3A = tpu.assume_multiple %mul3A_19, 128 : i32
    "tpu.region"() ({
      %run_scoped3A_46 = tpu.sem_alloc : memref<!tpu.dma_semaphore, #tpu.memory_space<semaphore_mem>>
      %dma_start3A = arith.constant 0 : i32
      %dma_start3A_47 = tpu.memref_slice %arg8[%multiple_of3A, %dma_start3A] : memref<10240x16xf32, #tpu.memory_space<vmem_shared>> -> memref<640x16xf32, #tpu.memory_space<vmem_shared>>
      %dma_start3A_48 = arith.constant 0 : i32
      %dma_start3A_49 = tpu.memref_slice %arg8[%multiple_of3A, %dma_start3A_48] : memref<10240x16xf32, #tpu.memory_space<vmem_shared>> -> memref<640x16xf32, #tpu.memory_space<vmem_shared>>
      tpu.enqueue_dma source(%arg7 : memref<640x16xf32, #tpu.memory_space<vmem>>) target(%dma_start3A_49 : memref<640x16xf32, #tpu.memory_space<vmem_shared>>) target_semaphore(%run_scoped3A_46 : memref<!tpu.dma_semaphore, #tpu.memory_space<semaphore_mem>>)
      %dma_wait3A = arith.constant 0 : i32
      %dma_wait3A_50 = tpu.memref_slice %arg8[%multiple_of3A, %dma_wait3A] : memref<10240x16xf32, #tpu.memory_space<vmem_shared>> -> memref<640x16xf32, #tpu.memory_space<vmem_shared>>
      %dma_wait3A_51 = arith.constant 0 : i32
      %dma_wait3A_52 = tpu.memref_slice %arg8[%multiple_of3A, %dma_wait3A_51] : memref<10240x16xf32, #tpu.memory_space<vmem_shared>> -> memref<640x16xf32, #tpu.memory_space<vmem_shared>>
      tpu.wait_dma2 semaphore(%run_scoped3A_46 : memref<!tpu.dma_semaphore, #tpu.memory_space<semaphore_mem>>) src(%arg7 : memref<640x16xf32, #tpu.memory_space<vmem>>) dst(%dma_wait3A_52 : memref<640x16xf32, #tpu.memory_space<vmem_shared>>)
      tpu.yield
    }) : () -> ()
    %mul3A_20 = arith.constant 78 : i32
    %mul3A_21 = arith.muli %add3A, %mul3A_20 : i32
    %run_scoped3A = arith.constant 0 : i32
    "tpu.region"() ({
      %run_scoped3A_46 = tpu.sem_alloc : memref<!tpu.dma_semaphore, #tpu.memory_space<semaphore_mem>>
      %dma_start3A = arith.constant 0 : i32
      %dma_start3A_47 = arith.constant 0 : i32
      %dma_start3A_48 = tpu.memref_slice %arg5[%dma_start3A, %dma_start3A_47] : memref<79x128xi32, #tpu.memory_space<vmem>> -> memref<78x128xi32, #tpu.memory_space<vmem>>
      %dma_start3A_49 = arith.constant 0 : i32
      %dma_start3A_50 = tpu.memref_slice %arg2[%run_scoped3A, %mul3A_21, %dma_start3A_49] : memref<2x2500x128xi32, #tpu.memory_space<hbm>> -> memref<1x78x128xi32, #tpu.memory_space<hbm>>
      %dma_start3A_51 = tpu.memref_squeeze %dma_start3A_50 : memref<1x78x128xi32, #tpu.memory_space<hbm>> -> memref<78x128xi32, #tpu.memory_space<hbm>>
      %dma_start3A_52 = arith.constant 0 : i32
      %dma_start3A_53 = arith.constant 0 : i32
      %dma_start3A_54 = tpu.memref_slice %arg5[%dma_start3A_52, %dma_start3A_53] : memref<79x128xi32, #tpu.memory_space<vmem>> -> memref<78x128xi32, #tpu.memory_space<vmem>>
      %dma_start3A_55 = arith.constant 0 : i32
      %dma_start3A_56 = tpu.memref_slice %arg2[%run_scoped3A, %mul3A_21, %dma_start3A_55] : memref<2x2500x128xi32, #tpu.memory_space<hbm>> -> memref<1x78x128xi32, #tpu.memory_space<hbm>>
      %dma_start3A_57 = tpu.memref_squeeze %dma_start3A_56 : memref<1x78x128xi32, #tpu.memory_space<hbm>> -> memref<78x128xi32, #tpu.memory_space<hbm>>
      tpu.enqueue_dma source(%dma_start3A_57 : memref<78x128xi32, #tpu.memory_space<hbm>>) target(%dma_start3A_54 : memref<78x128xi32, #tpu.memory_space<vmem>>) target_semaphore(%run_scoped3A_46 : memref<!tpu.dma_semaphore, #tpu.memory_space<semaphore_mem>>)
      %dma_wait3A = arith.constant 0 : i32
      %dma_wait3A_58 = arith.constant 0 : i32
      %dma_wait3A_59 = tpu.memref_slice %arg5[%dma_wait3A, %dma_wait3A_58] : memref<79x128xi32, #tpu.memory_space<vmem>> -> memref<78x128xi32, #tpu.memory_space<vmem>>
      %dma_wait3A_60 = arith.constant 0 : i32
      %dma_wait3A_61 = tpu.memref_slice %arg2[%run_scoped3A, %mul3A_21, %dma_wait3A_60] : memref<2x2500x128xi32, #tpu.memory_space<hbm>> -> memref<1x78x128xi32, #tpu.memory_space<hbm>>
      %dma_wait3A_62 = tpu.memref_squeeze %dma_wait3A_61 : memref<1x78x128xi32, #tpu.memory_space<hbm>> -> memref<78x128xi32, #tpu.memory_space<hbm>>
      %dma_wait3A_63 = arith.constant 0 : i32
      %dma_wait3A_64 = arith.constant 0 : i32
      %dma_wait3A_65 = tpu.memref_slice %arg5[%dma_wait3A_63, %dma_wait3A_64] : memref<79x128xi32, #tpu.memory_space<vmem>> -> memref<78x128xi32, #tpu.memory_space<vmem>>
      %dma_wait3A_66 = arith.constant 0 : i32
      %dma_wait3A_67 = tpu.memref_slice %arg2[%run_scoped3A, %mul3A_21, %dma_wait3A_66] : memref<2x2500x128xi32, #tpu.memory_space<hbm>> -> memref<1x78x128xi32, #tpu.memory_space<hbm>>
      %dma_wait3A_68 = tpu.memref_squeeze %dma_wait3A_67 : memref<1x78x128xi32, #tpu.memory_space<hbm>> -> memref<78x128xi32, #tpu.memory_space<hbm>>
      tpu.wait_dma2 semaphore(%run_scoped3A_46 : memref<!tpu.dma_semaphore, #tpu.memory_space<semaphore_mem>>) src(%dma_wait3A_68 : memref<78x128xi32, #tpu.memory_space<hbm>>) dst(%dma_wait3A_65 : memref<78x128xi32, #tpu.memory_space<vmem>>)
      tpu.yield
    }) : () -> ()
    %lt3A_22 = arith.constant 4 : i32
    %lt3A_23 = arith.cmpi slt, %add3A, %lt3A_22 : i32
    %convert_element_type3A = arith.extui %lt3A_23 : i1 to i32
    %cond3A = arith.constant 0 : i32
    %cond3A_24 = arith.cmpi ne, %convert_element_type3A, %cond3A : i32
    scf.if %cond3A_24 {
      %add3A_46 = arith.constant 2496 : i32
      %add3A_47 = arith.addi %add3A_46, %add3A : i32
      %run_scoped3A_48 = arith.constant 0 : i32
      "tpu.region"() ({
        %run_scoped3A_49 = tpu.sem_alloc : memref<!tpu.dma_semaphore, #tpu.memory_space<semaphore_mem>>
        %dma_start3A = arith.constant 78 : i32
        %dma_start3A_50 = arith.constant 0 : i32
        %dma_start3A_51 = tpu.memref_slice %arg5[%dma_start3A, %dma_start3A_50] : memref<79x128xi32, #tpu.memory_space<vmem>> -> memref<1x128xi32, #tpu.memory_space<vmem>>
        %dma_start3A_52 = arith.constant 0 : i32
        %dma_start3A_53 = tpu.memref_slice %arg2[%run_scoped3A_48, %add3A_47, %dma_start3A_52] : memref<2x2500x128xi32, #tpu.memory_space<hbm>> -> memref<1x1x128xi32, #tpu.memory_space<hbm>>
        %dma_start3A_54 = tpu.memref_squeeze %dma_start3A_53 : memref<1x1x128xi32, #tpu.memory_space<hbm>> -> memref<1x128xi32, #tpu.memory_space<hbm>>
        %dma_start3A_55 = arith.constant 78 : i32
        %dma_start3A_56 = arith.constant 0 : i32
        %dma_start3A_57 = tpu.memref_slice %arg5[%dma_start3A_55, %dma_start3A_56] : memref<79x128xi32, #tpu.memory_space<vmem>> -> memref<1x128xi32, #tpu.memory_space<vmem>>
        %dma_start3A_58 = arith.constant 0 : i32
        %dma_start3A_59 = tpu.memref_slice %arg2[%run_scoped3A_48, %add3A_47, %dma_start3A_58] : memref<2x2500x128xi32, #tpu.memory_space<hbm>> -> memref<1x1x128xi32, #tpu.memory_space<hbm>>
        %dma_start3A_60 = tpu.memref_squeeze %dma_start3A_59 : memref<1x1x128xi32, #tpu.memory_space<hbm>> -> memref<1x128xi32, #tpu.memory_space<hbm>>
        tpu.enqueue_dma source(%dma_start3A_60 : memref<1x128xi32, #tpu.memory_space<hbm>>) target(%dma_start3A_57 : memref<1x128xi32, #tpu.memory_space<vmem>>) target_semaphore(%run_scoped3A_49 : memref<!tpu.dma_semaphore, #tpu.memory_space<semaphore_mem>>)
        %dma_wait3A = arith.constant 78 : i32
        %dma_wait3A_61 = arith.constant 0 : i32
        %dma_wait3A_62 = tpu.memref_slice %arg5[%dma_wait3A, %dma_wait3A_61] : memref<79x128xi32, #tpu.memory_space<vmem>> -> memref<1x128xi32, #tpu.memory_space<vmem>>
        %dma_wait3A_63 = arith.constant 0 : i32
        %dma_wait3A_64 = tpu.memref_slice %arg2[%run_scoped3A_48, %add3A_47, %dma_wait3A_63] : memref<2x2500x128xi32, #tpu.memory_space<hbm>> -> memref<1x1x128xi32, #tpu.memory_space<hbm>>
        %dma_wait3A_65 = tpu.memref_squeeze %dma_wait3A_64 : memref<1x1x128xi32, #tpu.memory_space<hbm>> -> memref<1x128xi32, #tpu.memory_space<hbm>>
        %dma_wait3A_66 = arith.constant 78 : i32
        %dma_wait3A_67 = arith.constant 0 : i32
        %dma_wait3A_68 = tpu.memref_slice %arg5[%dma_wait3A_66, %dma_wait3A_67] : memref<79x128xi32, #tpu.memory_space<vmem>> -> memref<1x128xi32, #tpu.memory_space<vmem>>
        %dma_wait3A_69 = arith.constant 0 : i32
        %dma_wait3A_70 = tpu.memref_slice %arg2[%run_scoped3A_48, %add3A_47, %dma_wait3A_69] : memref<2x2500x128xi32, #tpu.memory_space<hbm>> -> memref<1x1x128xi32, #tpu.memory_space<hbm>>
        %dma_wait3A_71 = tpu.memref_squeeze %dma_wait3A_70 : memref<1x1x128xi32, #tpu.memory_space<hbm>> -> memref<1x128xi32, #tpu.memory_space<hbm>>
        tpu.wait_dma2 semaphore(%run_scoped3A_49 : memref<!tpu.dma_semaphore, #tpu.memory_space<semaphore_mem>>) src(%dma_wait3A_71 : memref<1x128xi32, #tpu.memory_space<hbm>>) dst(%dma_wait3A_68 : memref<1x128xi32, #tpu.memory_space<vmem>>)
        tpu.yield
      }) : () -> ()
    } else {
    }
    %barrier3A = arith.constant 0 : index
    tpu.barrier barrier_id(%barrier3A)
    %while3A = arith.constant 0 : i32
    %while3A_25 = arith.constant 0 : i32
    %while3A_26 = arith.subi %add3A_4, %while3A : i32
    %while3A_27 = arith.addi %while3A, %while3A_26 : i32
    %while3A_28 = arith.constant 1 : i32
    %while3A_29 = arith.divsi %while3A_26, %while3A_28 : i32
    %while3A_30 = arith.muli %while3A_29, %while3A_28 : i32
    %while3A_31 = arith.addi %while3A, %while3A_30 : i32
    %while3A_32 = arith.constant 1 : i32
    %while3A_33 = scf.for %while3A_46 = %while3A to %while3A_31 step %while3A_32 iter_args(%while3A_47 = %while3A_25) -> (i32)  : i32 {
      "tpu.region"() ({
        %run_scoped3A_49 = tpu.sem_alloc : memref<!tpu.dma_semaphore, #tpu.memory_space<semaphore_mem>>
        %dma_start3A = arith.constant 0 : i32
        %dma_start3A_50 = tpu.memref_slice %arg5[%while3A_46, %dma_start3A] : memref<79x128xi32, #tpu.memory_space<vmem>> -> memref<1x128xi32, #tpu.memory_space<vmem>>
        %dma_start3A_51 = tpu.memref_squeeze %dma_start3A_50 : memref<1x128xi32, #tpu.memory_space<vmem>> -> memref<128xi32, #tpu.memory_space<vmem>>
        %dma_start3A_52 = arith.constant 0 : i32
        %dma_start3A_53 = arith.constant 0 : i32
        %dma_start3A_54 = tpu.memref_slice %arg8[%dma_start3A_52, %dma_start3A_53] : memref<10240x16xf32, #tpu.memory_space<vmem_shared>> -> memref<10240x16xf32, #tpu.memory_space<vmem_shared>>
        tpu.enqueue_indirect_dma source(%arg6 : memref<128x16xf32, #tpu.memory_space<vmem>>) target(%dma_start3A_54 : memref<10240x16xf32, #tpu.memory_space<vmem_shared>>) offsets(%dma_start3A_51 : memref<128xi32, #tpu.memory_space<vmem>>) semaphore(%run_scoped3A_49 : memref<!tpu.dma_semaphore, #tpu.memory_space<semaphore_mem>>) {add = true}
        %dma_wait3A = arith.constant 0 : i32
        %dma_wait3A_55 = tpu.memref_slice %arg5[%while3A_46, %dma_wait3A] : memref<79x128xi32, #tpu.memory_space<vmem>> -> memref<1x128xi32, #tpu.memory_space<vmem>>
        %dma_wait3A_56 = tpu.memref_squeeze %dma_wait3A_55 : memref<1x128xi32, #tpu.memory_space<vmem>> -> memref<128xi32, #tpu.memory_space<vmem>>
        %dma_wait3A_57 = arith.constant 0 : i32
        %dma_wait3A_58 = arith.constant 0 : i32
        %dma_wait3A_59 = tpu.memref_slice %arg8[%dma_wait3A_57, %dma_wait3A_58] : memref<10240x16xf32, #tpu.memory_space<vmem_shared>> -> memref<10240x16xf32, #tpu.memory_space<vmem_shared>>
        tpu.wait_indirect_dma semaphore(%run_scoped3A_49 : memref<!tpu.dma_semaphore, #tpu.memory_space<semaphore_mem>>) src(%arg6 : memref<128x16xf32, #tpu.memory_space<vmem>>) dst(%dma_wait3A_59 : memref<10240x16xf32, #tpu.memory_space<vmem_shared>>)
        tpu.yield
      }) : () -> ()
      %while3A_48 = arith.constant 0 : i32
      scf.yield %while3A_48 : i32
    }
    %while3A_34 = arith.constant 1 : i32
    %while3A_35 = scf.for %while3A_46 = %while3A_31 to %while3A_27 step %while3A_34 iter_args(%while3A_47 = %while3A_33) -> (i32)  : i32 {
      "tpu.region"() ({
        %run_scoped3A_49 = tpu.sem_alloc : memref<!tpu.dma_semaphore, #tpu.memory_space<semaphore_mem>>
        %dma_start3A = arith.constant 0 : i32
        %dma_start3A_50 = tpu.memref_slice %arg5[%while3A_46, %dma_start3A] : memref<79x128xi32, #tpu.memory_space<vmem>> -> memref<1x128xi32, #tpu.memory_space<vmem>>
        %dma_start3A_51 = tpu.memref_squeeze %dma_start3A_50 : memref<1x128xi32, #tpu.memory_space<vmem>> -> memref<128xi32, #tpu.memory_space<vmem>>
        %dma_start3A_52 = arith.constant 0 : i32
        %dma_start3A_53 = arith.constant 0 : i32
        %dma_start3A_54 = tpu.memref_slice %arg8[%dma_start3A_52, %dma_start3A_53] : memref<10240x16xf32, #tpu.memory_space<vmem_shared>> -> memref<10240x16xf32, #tpu.memory_space<vmem_shared>>
        tpu.enqueue_indirect_dma source(%arg6 : memref<128x16xf32, #tpu.memory_space<vmem>>) target(%dma_start3A_54 : memref<10240x16xf32, #tpu.memory_space<vmem_shared>>) offsets(%dma_start3A_51 : memref<128xi32, #tpu.memory_space<vmem>>) semaphore(%run_scoped3A_49 : memref<!tpu.dma_semaphore, #tpu.memory_space<semaphore_mem>>) {add = true}
        %dma_wait3A = arith.constant 0 : i32
        %dma_wait3A_55 = tpu.memref_slice %arg5[%while3A_46, %dma_wait3A] : memref<79x128xi32, #tpu.memory_space<vmem>> -> memref<1x128xi32, #tpu.memory_space<vmem>>
        %dma_wait3A_56 = tpu.memref_squeeze %dma_wait3A_55 : memref<1x128xi32, #tpu.memory_space<vmem>> -> memref<128xi32, #tpu.memory_space<vmem>>
        %dma_wait3A_57 = arith.constant 0 : i32
        %dma_wait3A_58 = arith.constant 0 : i32
        %dma_wait3A_59 = tpu.memref_slice %arg8[%dma_wait3A_57, %dma_wait3A_58] : memref<10240x16xf32, #tpu.memory_space<vmem_shared>> -> memref<10240x16xf32, #tpu.memory_space<vmem_shared>>
        tpu.wait_indirect_dma semaphore(%run_scoped3A_49 : memref<!tpu.dma_semaphore, #tpu.memory_space<semaphore_mem>>) src(%arg6 : memref<128x16xf32, #tpu.memory_space<vmem>>) dst(%dma_wait3A_59 : memref<10240x16xf32, #tpu.memory_space<vmem_shared>>)
        tpu.yield
      }) : () -> ()
      %while3A_48 = arith.constant 0 : i32
      scf.yield %while3A_48 : i32
    }
    %barrier3A_36 = arith.constant 0 : index
    tpu.barrier barrier_id(%barrier3A_36)
    %eq3A = arith.constant 0 : i32
    %eq3A_37 = arith.cmpi eq, %arg0, %eq3A : i32
    %convert_element_type3A_38 = arith.extui %eq3A_37 : i1 to i32
    %cond3A_39 = arith.constant 0 : i32
    %cond3A_40 = arith.cmpi ne, %convert_element_type3A_38, %cond3A_39 : i32
    scf.if %cond3A_40 {
      "tpu.region"() ({
        %run_scoped3A_46 = tpu.sem_alloc : memref<!tpu.dma_semaphore, #tpu.memory_space<semaphore_mem>>
        %dma_start3A = arith.constant 0 : i32
        %dma_start3A_47 = tpu.memref_slice %arg3[%multiple_of3A, %dma_start3A] : memref<10240x16xf32, #tpu.memory_space<hbm>> -> memref<640x16xf32, #tpu.memory_space<hbm>>
        %dma_start3A_48 = arith.constant 0 : i32
        %dma_start3A_49 = tpu.memref_slice %arg8[%multiple_of3A, %dma_start3A_48] : memref<10240x16xf32, #tpu.memory_space<vmem_shared>> -> memref<640x16xf32, #tpu.memory_space<vmem_shared>>
        tpu.enqueue_dma source(%dma_start3A_49 : memref<640x16xf32, #tpu.memory_space<vmem_shared>>) target(%dma_start3A_47 : memref<640x16xf32, #tpu.memory_space<hbm>>) target_semaphore(%run_scoped3A_46 : memref<!tpu.dma_semaphore, #tpu.memory_space<semaphore_mem>>)
        %dma_wait3A = arith.constant 0 : i32
        %dma_wait3A_50 = tpu.memref_slice %arg3[%multiple_of3A, %dma_wait3A] : memref<10240x16xf32, #tpu.memory_space<hbm>> -> memref<640x16xf32, #tpu.memory_space<hbm>>
        %dma_wait3A_51 = arith.constant 0 : i32
        %dma_wait3A_52 = tpu.memref_slice %arg8[%multiple_of3A, %dma_wait3A_51] : memref<10240x16xf32, #tpu.memory_space<vmem_shared>> -> memref<640x16xf32, #tpu.memory_space<vmem_shared>>
        tpu.wait_dma2 semaphore(%run_scoped3A_46 : memref<!tpu.dma_semaphore, #tpu.memory_space<semaphore_mem>>) src(%dma_wait3A_52 : memref<640x16xf32, #tpu.memory_space<vmem_shared>>) dst(%dma_wait3A_50 : memref<640x16xf32, #tpu.memory_space<hbm>>)
        tpu.yield
      }) : () -> ()
    } else {
    }
    %eq3A_41 = arith.constant 1 : i32
    %eq3A_42 = arith.cmpi eq, %arg0, %eq3A_41 : i32
    %convert_element_type3A_43 = arith.extui %eq3A_42 : i1 to i32
    %cond3A_44 = arith.constant 0 : i32
    %cond3A_45 = arith.cmpi ne, %convert_element_type3A_43, %cond3A_44 : i32
    scf.if %cond3A_45 {
      "tpu.region"() ({
        %run_scoped3A_46 = tpu.sem_alloc : memref<!tpu.dma_semaphore, #tpu.memory_space<semaphore_mem>>
        %dma_start3A = arith.constant 0 : i32
        %dma_start3A_47 = tpu.memref_slice %arg4[%multiple_of3A, %dma_start3A] : memref<10240x16xf32, #tpu.memory_space<hbm>> -> memref<640x16xf32, #tpu.memory_space<hbm>>
        %dma_start3A_48 = arith.constant 0 : i32
        %dma_start3A_49 = tpu.memref_slice %arg8[%multiple_of3A, %dma_start3A_48] : memref<10240x16xf32, #tpu.memory_space<vmem_shared>> -> memref<640x16xf32, #tpu.memory_space<vmem_shared>>
        tpu.enqueue_dma source(%dma_start3A_49 : memref<640x16xf32, #tpu.memory_space<vmem_shared>>) target(%dma_start3A_47 : memref<640x16xf32, #tpu.memory_space<hbm>>) target_semaphore(%run_scoped3A_46 : memref<!tpu.dma_semaphore, #tpu.memory_space<semaphore_mem>>)
        %dma_wait3A = arith.constant 0 : i32
        %dma_wait3A_50 = tpu.memref_slice %arg4[%multiple_of3A, %dma_wait3A] : memref<10240x16xf32, #tpu.memory_space<hbm>> -> memref<640x16xf32, #tpu.memory_space<hbm>>
        %dma_wait3A_51 = arith.constant 0 : i32
        %dma_wait3A_52 = tpu.memref_slice %arg8[%multiple_of3A, %dma_wait3A_51] : memref<10240x16xf32, #tpu.memory_space<vmem_shared>> -> memref<640x16xf32, #tpu.memory_space<vmem_shared>>
        tpu.wait_dma2 semaphore(%run_scoped3A_46 : memref<!tpu.dma_semaphore, #tpu.memory_space<semaphore_mem>>) src(%dma_wait3A_52 : memref<640x16xf32, #tpu.memory_space<vmem_shared>>) dst(%dma_wait3A_50 : memref<640x16xf32, #tpu.memory_space<hbm>>)
        tpu.yield
      }) : () -> ()
    } else {
    }
    return
  }
}

#map = affine_map<(d0, d1) -> (0, 0)>
#map1 = affine_map<(d0, d1) -> (0)>
module attributes {stable_mosaic.version = 14 : i64} {
  func.func @_comb(%arg0: i32, %arg1: i32, %arg2: memref<10240x16xf32, #tpu.memory_space<hbm>>, %arg3: memref<10240x16xf32, #tpu.memory_space<hbm>>, %arg4: memref<10240x16xf32, #tpu.memory_space<hbm>>, %arg5: memref<10240x16xf32, #tpu.memory_space<hbm>>, %arg6: memref<16xf32, #tpu.memory_space<hbm>>, %arg7: memref<10240x16xf32, #tpu.memory_space<hbm>>, %arg8: memref<320x16xf32, #tpu.memory_space<vmem>>, %arg9: memref<320x16xf32, #tpu.memory_space<vmem>>, %arg10: memref<320x16xf32, #tpu.memory_space<vmem>>, %arg11: memref<320x16xf32, #tpu.memory_space<vmem>>, %arg12: memref<320x16xf32, #tpu.memory_space<vmem>>, %arg13: memref<16xf32, #tpu.memory_space<vmem>>) attributes {dimension_semantics = [#tpu.dimension_semantics<core_parallel>, #tpu.dimension_semantics<subcore_parallel>], iteration_bounds = array<i64: 2, 16>, scalar_prefetch = 0 : i64, scratch_operands = 6 : i64, tpu.core_type = #tpu.core_type<sc_vector_subcore>, window_params = [{transform_indices = #map}, {transform_indices = #map}, {transform_indices = #map}, {transform_indices = #map}, {transform_indices = #map1}, {transform_indices = #map}]} {
    %mul3A = arith.constant 16 : i32
    %mul3A_0 = arith.muli %arg0, %mul3A : i32
    %add3A = arith.addi %mul3A_0, %arg1 : i32
    %mul3A_1 = arith.constant 320 : i32
    %mul3A_2 = arith.muli %add3A, %mul3A_1 : i32
    %multiple_of3A = tpu.assume_multiple %mul3A_2, 128 : i32
    "tpu.region"() ({
      %run_scoped3A = tpu.sem_alloc : memref<!tpu.dma_semaphore, #tpu.memory_space<semaphore_mem>>
      %dma_start3A = arith.constant 0 : i32
      %dma_start3A_11 = tpu.memref_slice %arg2[%multiple_of3A, %dma_start3A] : memref<10240x16xf32, #tpu.memory_space<hbm>> -> memref<320x16xf32, #tpu.memory_space<hbm>>
      %dma_start3A_12 = arith.constant 0 : i32
      %dma_start3A_13 = tpu.memref_slice %arg2[%multiple_of3A, %dma_start3A_12] : memref<10240x16xf32, #tpu.memory_space<hbm>> -> memref<320x16xf32, #tpu.memory_space<hbm>>
      tpu.enqueue_dma source(%dma_start3A_13 : memref<320x16xf32, #tpu.memory_space<hbm>>) target(%arg8 : memref<320x16xf32, #tpu.memory_space<vmem>>) target_semaphore(%run_scoped3A : memref<!tpu.dma_semaphore, #tpu.memory_space<semaphore_mem>>)
      %dma_wait3A = arith.constant 0 : i32
      %dma_wait3A_14 = tpu.memref_slice %arg2[%multiple_of3A, %dma_wait3A] : memref<10240x16xf32, #tpu.memory_space<hbm>> -> memref<320x16xf32, #tpu.memory_space<hbm>>
      %dma_wait3A_15 = arith.constant 0 : i32
      %dma_wait3A_16 = tpu.memref_slice %arg2[%multiple_of3A, %dma_wait3A_15] : memref<10240x16xf32, #tpu.memory_space<hbm>> -> memref<320x16xf32, #tpu.memory_space<hbm>>
      tpu.wait_dma2 semaphore(%run_scoped3A : memref<!tpu.dma_semaphore, #tpu.memory_space<semaphore_mem>>) src(%dma_wait3A_16 : memref<320x16xf32, #tpu.memory_space<hbm>>) dst(%arg8 : memref<320x16xf32, #tpu.memory_space<vmem>>)
      tpu.yield
    }) : () -> ()
    "tpu.region"() ({
      %run_scoped3A = tpu.sem_alloc : memref<!tpu.dma_semaphore, #tpu.memory_space<semaphore_mem>>
      %dma_start3A = arith.constant 0 : i32
      %dma_start3A_11 = tpu.memref_slice %arg3[%multiple_of3A, %dma_start3A] : memref<10240x16xf32, #tpu.memory_space<hbm>> -> memref<320x16xf32, #tpu.memory_space<hbm>>
      %dma_start3A_12 = arith.constant 0 : i32
      %dma_start3A_13 = tpu.memref_slice %arg3[%multiple_of3A, %dma_start3A_12] : memref<10240x16xf32, #tpu.memory_space<hbm>> -> memref<320x16xf32, #tpu.memory_space<hbm>>
      tpu.enqueue_dma source(%dma_start3A_13 : memref<320x16xf32, #tpu.memory_space<hbm>>) target(%arg9 : memref<320x16xf32, #tpu.memory_space<vmem>>) target_semaphore(%run_scoped3A : memref<!tpu.dma_semaphore, #tpu.memory_space<semaphore_mem>>)
      %dma_wait3A = arith.constant 0 : i32
      %dma_wait3A_14 = tpu.memref_slice %arg3[%multiple_of3A, %dma_wait3A] : memref<10240x16xf32, #tpu.memory_space<hbm>> -> memref<320x16xf32, #tpu.memory_space<hbm>>
      %dma_wait3A_15 = arith.constant 0 : i32
      %dma_wait3A_16 = tpu.memref_slice %arg3[%multiple_of3A, %dma_wait3A_15] : memref<10240x16xf32, #tpu.memory_space<hbm>> -> memref<320x16xf32, #tpu.memory_space<hbm>>
      tpu.wait_dma2 semaphore(%run_scoped3A : memref<!tpu.dma_semaphore, #tpu.memory_space<semaphore_mem>>) src(%dma_wait3A_16 : memref<320x16xf32, #tpu.memory_space<hbm>>) dst(%arg9 : memref<320x16xf32, #tpu.memory_space<vmem>>)
      tpu.yield
    }) : () -> ()
    "tpu.region"() ({
      %run_scoped3A = tpu.sem_alloc : memref<!tpu.dma_semaphore, #tpu.memory_space<semaphore_mem>>
      %dma_start3A = arith.constant 0 : i32
      %dma_start3A_11 = tpu.memref_slice %arg4[%multiple_of3A, %dma_start3A] : memref<10240x16xf32, #tpu.memory_space<hbm>> -> memref<320x16xf32, #tpu.memory_space<hbm>>
      %dma_start3A_12 = arith.constant 0 : i32
      %dma_start3A_13 = tpu.memref_slice %arg4[%multiple_of3A, %dma_start3A_12] : memref<10240x16xf32, #tpu.memory_space<hbm>> -> memref<320x16xf32, #tpu.memory_space<hbm>>
      tpu.enqueue_dma source(%dma_start3A_13 : memref<320x16xf32, #tpu.memory_space<hbm>>) target(%arg10 : memref<320x16xf32, #tpu.memory_space<vmem>>) target_semaphore(%run_scoped3A : memref<!tpu.dma_semaphore, #tpu.memory_space<semaphore_mem>>)
      %dma_wait3A = arith.constant 0 : i32
      %dma_wait3A_14 = tpu.memref_slice %arg4[%multiple_of3A, %dma_wait3A] : memref<10240x16xf32, #tpu.memory_space<hbm>> -> memref<320x16xf32, #tpu.memory_space<hbm>>
      %dma_wait3A_15 = arith.constant 0 : i32
      %dma_wait3A_16 = tpu.memref_slice %arg4[%multiple_of3A, %dma_wait3A_15] : memref<10240x16xf32, #tpu.memory_space<hbm>> -> memref<320x16xf32, #tpu.memory_space<hbm>>
      tpu.wait_dma2 semaphore(%run_scoped3A : memref<!tpu.dma_semaphore, #tpu.memory_space<semaphore_mem>>) src(%dma_wait3A_16 : memref<320x16xf32, #tpu.memory_space<hbm>>) dst(%arg10 : memref<320x16xf32, #tpu.memory_space<vmem>>)
      tpu.yield
    }) : () -> ()
    "tpu.region"() ({
      %run_scoped3A = tpu.sem_alloc : memref<!tpu.dma_semaphore, #tpu.memory_space<semaphore_mem>>
      %dma_start3A = arith.constant 0 : i32
      %dma_start3A_11 = tpu.memref_slice %arg5[%multiple_of3A, %dma_start3A] : memref<10240x16xf32, #tpu.memory_space<hbm>> -> memref<320x16xf32, #tpu.memory_space<hbm>>
      %dma_start3A_12 = arith.constant 0 : i32
      %dma_start3A_13 = tpu.memref_slice %arg5[%multiple_of3A, %dma_start3A_12] : memref<10240x16xf32, #tpu.memory_space<hbm>> -> memref<320x16xf32, #tpu.memory_space<hbm>>
      tpu.enqueue_dma source(%dma_start3A_13 : memref<320x16xf32, #tpu.memory_space<hbm>>) target(%arg11 : memref<320x16xf32, #tpu.memory_space<vmem>>) target_semaphore(%run_scoped3A : memref<!tpu.dma_semaphore, #tpu.memory_space<semaphore_mem>>)
      %dma_wait3A = arith.constant 0 : i32
      %dma_wait3A_14 = tpu.memref_slice %arg5[%multiple_of3A, %dma_wait3A] : memref<10240x16xf32, #tpu.memory_space<hbm>> -> memref<320x16xf32, #tpu.memory_space<hbm>>
      %dma_wait3A_15 = arith.constant 0 : i32
      %dma_wait3A_16 = tpu.memref_slice %arg5[%multiple_of3A, %dma_wait3A_15] : memref<10240x16xf32, #tpu.memory_space<hbm>> -> memref<320x16xf32, #tpu.memory_space<hbm>>
      tpu.wait_dma2 semaphore(%run_scoped3A : memref<!tpu.dma_semaphore, #tpu.memory_space<semaphore_mem>>) src(%dma_wait3A_16 : memref<320x16xf32, #tpu.memory_space<hbm>>) dst(%arg11 : memref<320x16xf32, #tpu.memory_space<vmem>>)
      tpu.yield
    }) : () -> ()
    "tpu.region"() ({
      %run_scoped3A = tpu.sem_alloc : memref<!tpu.dma_semaphore, #tpu.memory_space<semaphore_mem>>
      tpu.enqueue_dma source(%arg6 : memref<16xf32, #tpu.memory_space<hbm>>) target(%arg13 : memref<16xf32, #tpu.memory_space<vmem>>) target_semaphore(%run_scoped3A : memref<!tpu.dma_semaphore, #tpu.memory_space<semaphore_mem>>)
      tpu.wait_dma2 semaphore(%run_scoped3A : memref<!tpu.dma_semaphore, #tpu.memory_space<semaphore_mem>>) src(%arg6 : memref<16xf32, #tpu.memory_space<hbm>>) dst(%arg13 : memref<16xf32, #tpu.memory_space<vmem>>)
      tpu.yield
    }) : () -> ()
    %get3A = arith.constant 0 : index
    %get3A_3 = tpu.vector_load %arg13[%get3A] {strides = array<i32>} : memref<16xf32, #tpu.memory_space<vmem>>, vector<16xf32>,
    %get3A_4 = vector.shape_cast %get3A_3 : vector<16xf32> to vector<16xf32>
    %scan3A = arith.constant 0 : i32
    %scan3A_5 = arith.constant 0 : i32
    %scan3A_6 = arith.constant 320 : i32
    %scan3A_7 = arith.addi %scan3A_5, %scan3A_6 : i32
    %scan3A_8 = arith.constant 1 : i32
    %scan3A_9 = scf.for %scan3A_11 = %scan3A_5 to %scan3A_7 step %scan3A_8 iter_args(%scan3A_12 = %scan3A) -> (i32)  : i32 {
      %get3A_13 = arith.index_cast %scan3A_11 : i32 to index
      %get3A_14 = arith.constant 0 : index
      %get3A_15 = tpu.vector_load %arg10[%get3A_13, %get3A_14] {strides = array<i32>} : memref<320x16xf32, #tpu.memory_space<vmem>>, vector<1x16xf32>,
      %get3A_16 = vector.shape_cast %get3A_15 : vector<1x16xf32> to vector<16xf32>
      %get3A_17 = arith.index_cast %scan3A_11 : i32 to index
      %get3A_18 = arith.constant 0 : index
      %get3A_19 = tpu.vector_load %arg11[%get3A_17, %get3A_18] {strides = array<i32>} : memref<320x16xf32, #tpu.memory_space<vmem>>, vector<1x16xf32>,
      %get3A_20 = vector.shape_cast %get3A_19 : vector<1x16xf32> to vector<16xf32>
      %add3A_21 = arith.addf %get3A_16, %get3A_20 : vector<16xf32>
      %max3A = arith.constant 1.000000e+00 : f32
      %max3A_22 = vector.broadcast %max3A : f32 to vector<16xf32>
      %max3A_23 = arith.maximumf %add3A_21, %max3A_22 : vector<16xf32>
      %broadcast_in_dim3A = arith.constant 1.000000e+00 : f32
      %broadcast_in_dim3A_24 = vector.broadcast %broadcast_in_dim3A : f32 to vector<16xf32>
      %ge3A = arith.constant 2.621440e+05 : f32
      %ge3A_25 = vector.broadcast %ge3A : f32 to vector<16xf32>
      %ge3A_26 = arith.cmpf oge, %max3A_23, %ge3A_25 : vector<16xf32>
      %mul3A_27 = arith.constant 3.81469727E-6 : f32
      %mul3A_28 = vector.broadcast %mul3A_27 : f32 to vector<16xf32>
      %mul3A_29 = arith.mulf %max3A_23, %mul3A_28 : vector<16xf32>
      %select_n3A = arith.select %ge3A_26, %mul3A_29, %max3A_23 : vector<16xi1>, vector<16xf32>
      %mul3A_30 = arith.constant 0.001953125 : f32
      %mul3A_31 = vector.broadcast %mul3A_30 : f32 to vector<16xf32>
      %mul3A_32 = arith.mulf %broadcast_in_dim3A_24, %mul3A_31 : vector<16xf32>
      %select_n3A_33 = arith.select %ge3A_26, %mul3A_32, %broadcast_in_dim3A_24 : vector<16xi1>, vector<16xf32>
      %ge3A_34 = arith.constant 6.553600e+04 : f32
      %ge3A_35 = vector.broadcast %ge3A_34 : f32 to vector<16xf32>
      %ge3A_36 = arith.cmpf oge, %select_n3A, %ge3A_35 : vector<16xf32>
      %mul3A_37 = arith.constant 1.52587891E-5 : f32
      %mul3A_38 = vector.broadcast %mul3A_37 : f32 to vector<16xf32>
      %mul3A_39 = arith.mulf %select_n3A, %mul3A_38 : vector<16xf32>
      %select_n3A_40 = arith.select %ge3A_36, %mul3A_39, %select_n3A : vector<16xi1>, vector<16xf32>
      %mul3A_41 = arith.constant 3.906250e-03 : f32
      %mul3A_42 = vector.broadcast %mul3A_41 : f32 to vector<16xf32>
      %mul3A_43 = arith.mulf %select_n3A_33, %mul3A_42 : vector<16xf32>
      %select_n3A_44 = arith.select %ge3A_36, %mul3A_43, %select_n3A_33 : vector<16xi1>, vector<16xf32>
      %ge3A_45 = arith.constant 1.638400e+04 : f32
      %ge3A_46 = vector.broadcast %ge3A_45 : f32 to vector<16xf32>
      %ge3A_47 = arith.cmpf oge, %select_n3A_40, %ge3A_46 : vector<16xf32>
      %mul3A_48 = arith.constant 6.10351563E-5 : f32
      %mul3A_49 = vector.broadcast %mul3A_48 : f32 to vector<16xf32>
      %mul3A_50 = arith.mulf %select_n3A_40, %mul3A_49 : vector<16xf32>
      %select_n3A_51 = arith.select %ge3A_47, %mul3A_50, %select_n3A_40 : vector<16xi1>, vector<16xf32>
      %mul3A_52 = arith.constant 7.812500e-03 : f32
      %mul3A_53 = vector.broadcast %mul3A_52 : f32 to vector<16xf32>
      %mul3A_54 = arith.mulf %select_n3A_44, %mul3A_53 : vector<16xf32>
      %select_n3A_55 = arith.select %ge3A_47, %mul3A_54, %select_n3A_44 : vector<16xi1>, vector<16xf32>
      %ge3A_56 = arith.constant 4.096000e+03 : f32
      %ge3A_57 = vector.broadcast %ge3A_56 : f32 to vector<16xf32>
      %ge3A_58 = arith.cmpf oge, %select_n3A_51, %ge3A_57 : vector<16xf32>
      %mul3A_59 = arith.constant 2.44140625E-4 : f32
      %mul3A_60 = vector.broadcast %mul3A_59 : f32 to vector<16xf32>
      %mul3A_61 = arith.mulf %select_n3A_51, %mul3A_60 : vector<16xf32>
      %select_n3A_62 = arith.select %ge3A_58, %mul3A_61, %select_n3A_51 : vector<16xi1>, vector<16xf32>
      %mul3A_63 = arith.constant 1.562500e-02 : f32
      %mul3A_64 = vector.broadcast %mul3A_63 : f32 to vector<16xf32>
      %mul3A_65 = arith.mulf %select_n3A_55, %mul3A_64 : vector<16xf32>
      %select_n3A_66 = arith.select %ge3A_58, %mul3A_65, %select_n3A_55 : vector<16xi1>, vector<16xf32>
      %ge3A_67 = arith.constant 1.024000e+03 : f32
      %ge3A_68 = vector.broadcast %ge3A_67 : f32 to vector<16xf32>
      %ge3A_69 = arith.cmpf oge, %select_n3A_62, %ge3A_68 : vector<16xf32>
      %mul3A_70 = arith.constant 9.765625E-4 : f32
      %mul3A_71 = vector.broadcast %mul3A_70 : f32 to vector<16xf32>
      %mul3A_72 = arith.mulf %select_n3A_62, %mul3A_71 : vector<16xf32>
      %select_n3A_73 = arith.select %ge3A_69, %mul3A_72, %select_n3A_62 : vector<16xi1>, vector<16xf32>
      %mul3A_74 = arith.constant 3.125000e-02 : f32
      %mul3A_75 = vector.broadcast %mul3A_74 : f32 to vector<16xf32>
      %mul3A_76 = arith.mulf %select_n3A_66, %mul3A_75 : vector<16xf32>
      %select_n3A_77 = arith.select %ge3A_69, %mul3A_76, %select_n3A_66 : vector<16xi1>, vector<16xf32>
      %ge3A_78 = arith.constant 2.560000e+02 : f32
      %ge3A_79 = vector.broadcast %ge3A_78 : f32 to vector<16xf32>
      %ge3A_80 = arith.cmpf oge, %select_n3A_73, %ge3A_79 : vector<16xf32>
      %mul3A_81 = arith.constant 3.906250e-03 : f32
      %mul3A_82 = vector.broadcast %mul3A_81 : f32 to vector<16xf32>
      %mul3A_83 = arith.mulf %select_n3A_73, %mul3A_82 : vector<16xf32>
      %select_n3A_84 = arith.select %ge3A_80, %mul3A_83, %select_n3A_73 : vector<16xi1>, vector<16xf32>
      %mul3A_85 = arith.constant 6.250000e-02 : f32
      %mul3A_86 = vector.broadcast %mul3A_85 : f32 to vector<16xf32>
      %mul3A_87 = arith.mulf %select_n3A_77, %mul3A_86 : vector<16xf32>
      %select_n3A_88 = arith.select %ge3A_80, %mul3A_87, %select_n3A_77 : vector<16xi1>, vector<16xf32>
      %ge3A_89 = arith.constant 6.400000e+01 : f32
      %ge3A_90 = vector.broadcast %ge3A_89 : f32 to vector<16xf32>
      %ge3A_91 = arith.cmpf oge, %select_n3A_84, %ge3A_90 : vector<16xf32>
      %mul3A_92 = arith.constant 1.562500e-02 : f32
      %mul3A_93 = vector.broadcast %mul3A_92 : f32 to vector<16xf32>
      %mul3A_94 = arith.mulf %select_n3A_84, %mul3A_93 : vector<16xf32>
      %select_n3A_95 = arith.select %ge3A_91, %mul3A_94, %select_n3A_84 : vector<16xi1>, vector<16xf32>
      %mul3A_96 = arith.constant 1.250000e-01 : f32
      %mul3A_97 = vector.broadcast %mul3A_96 : f32 to vector<16xf32>
      %mul3A_98 = arith.mulf %select_n3A_88, %mul3A_97 : vector<16xf32>
      %select_n3A_99 = arith.select %ge3A_91, %mul3A_98, %select_n3A_88 : vector<16xi1>, vector<16xf32>
      %ge3A_100 = arith.constant 1.600000e+01 : f32
      %ge3A_101 = vector.broadcast %ge3A_100 : f32 to vector<16xf32>
      %ge3A_102 = arith.cmpf oge, %select_n3A_95, %ge3A_101 : vector<16xf32>
      %mul3A_103 = arith.constant 6.250000e-02 : f32
      %mul3A_104 = vector.broadcast %mul3A_103 : f32 to vector<16xf32>
      %mul3A_105 = arith.mulf %select_n3A_95, %mul3A_104 : vector<16xf32>
      %select_n3A_106 = arith.select %ge3A_102, %mul3A_105, %select_n3A_95 : vector<16xi1>, vector<16xf32>
      %mul3A_107 = arith.constant 2.500000e-01 : f32
      %mul3A_108 = vector.broadcast %mul3A_107 : f32 to vector<16xf32>
      %mul3A_109 = arith.mulf %select_n3A_99, %mul3A_108 : vector<16xf32>
      %select_n3A_110 = arith.select %ge3A_102, %mul3A_109, %select_n3A_99 : vector<16xi1>, vector<16xf32>
      %ge3A_111 = arith.constant 4.000000e+00 : f32
      %ge3A_112 = vector.broadcast %ge3A_111 : f32 to vector<16xf32>
      %ge3A_113 = arith.cmpf oge, %select_n3A_106, %ge3A_112 : vector<16xf32>
      %mul3A_114 = arith.constant 2.500000e-01 : f32
      %mul3A_115 = vector.broadcast %mul3A_114 : f32 to vector<16xf32>
      %mul3A_116 = arith.mulf %select_n3A_106, %mul3A_115 : vector<16xf32>
      %select_n3A_117 = arith.select %ge3A_113, %mul3A_116, %select_n3A_106 : vector<16xi1>, vector<16xf32>
      %mul3A_118 = arith.constant 5.000000e-01 : f32
      %mul3A_119 = vector.broadcast %mul3A_118 : f32 to vector<16xf32>
      %mul3A_120 = arith.mulf %select_n3A_110, %mul3A_119 : vector<16xf32>
      %select_n3A_121 = arith.select %ge3A_113, %mul3A_120, %select_n3A_110 : vector<16xi1>, vector<16xf32>
      %ge3A_122 = arith.constant 2.000000e+00 : f32
      %ge3A_123 = vector.broadcast %ge3A_122 : f32 to vector<16xf32>
      %ge3A_124 = arith.cmpf oge, %select_n3A_117, %ge3A_123 : vector<16xf32>
      %mul3A_125 = arith.constant 5.000000e-01 : f32
      %mul3A_126 = vector.broadcast %mul3A_125 : f32 to vector<16xf32>
      %mul3A_127 = arith.mulf %select_n3A_117, %mul3A_126 : vector<16xf32>
      %select_n3A_128 = arith.select %ge3A_124, %mul3A_127, %select_n3A_117 : vector<16xi1>, vector<16xf32>
      %mul3A_129 = arith.constant 0.707106769 : f32
      %mul3A_130 = vector.broadcast %mul3A_129 : f32 to vector<16xf32>
      %mul3A_131 = arith.mulf %select_n3A_121, %mul3A_130 : vector<16xf32>
      %select_n3A_132 = arith.select %ge3A_124, %mul3A_131, %select_n3A_121 : vector<16xi1>, vector<16xf32>
      %broadcast_in_dim3A_133 = arith.constant 8.500000e-01 : f32
      %broadcast_in_dim3A_134 = vector.broadcast %broadcast_in_dim3A_133 : f32 to vector<16xf32>
      %mul3A_135 = arith.constant 5.000000e-01 : f32
      %mul3A_136 = vector.broadcast %mul3A_135 : f32 to vector<16xf32>
      %mul3A_137 = arith.mulf %mul3A_136, %select_n3A_128 : vector<16xf32>
      %mul3A_138 = arith.mulf %mul3A_137, %broadcast_in_dim3A_134 : vector<16xf32>
      %mul3A_139 = arith.mulf %mul3A_138, %broadcast_in_dim3A_134 : vector<16xf32>
      %sub3A = arith.constant 1.500000e+00 : f32
      %sub3A_140 = vector.broadcast %sub3A : f32 to vector<16xf32>
      %sub3A_141 = arith.subf %sub3A_140, %mul3A_139 : vector<16xf32>
      %mul3A_142 = arith.mulf %broadcast_in_dim3A_134, %sub3A_141 : vector<16xf32>
      %mul3A_143 = arith.constant 5.000000e-01 : f32
      %mul3A_144 = vector.broadcast %mul3A_143 : f32 to vector<16xf32>
      %mul3A_145 = arith.mulf %mul3A_144, %select_n3A_128 : vector<16xf32>
      %mul3A_146 = arith.mulf %mul3A_145, %mul3A_142 : vector<16xf32>
      %mul3A_147 = arith.mulf %mul3A_146, %mul3A_142 : vector<16xf32>
      %sub3A_148 = arith.constant 1.500000e+00 : f32
      %sub3A_149 = vector.broadcast %sub3A_148 : f32 to vector<16xf32>
      %sub3A_150 = arith.subf %sub3A_149, %mul3A_147 : vector<16xf32>
      %mul3A_151 = arith.mulf %mul3A_142, %sub3A_150 : vector<16xf32>
      %mul3A_152 = arith.constant 5.000000e-01 : f32
      %mul3A_153 = vector.broadcast %mul3A_152 : f32 to vector<16xf32>
      %mul3A_154 = arith.mulf %mul3A_153, %select_n3A_128 : vector<16xf32>
      %mul3A_155 = arith.mulf %mul3A_154, %mul3A_151 : vector<16xf32>
      %mul3A_156 = arith.mulf %mul3A_155, %mul3A_151 : vector<16xf32>
      %sub3A_157 = arith.constant 1.500000e+00 : f32
      %sub3A_158 = vector.broadcast %sub3A_157 : f32 to vector<16xf32>
      %sub3A_159 = arith.subf %sub3A_158, %mul3A_156 : vector<16xf32>
      %mul3A_160 = arith.mulf %mul3A_151, %sub3A_159 : vector<16xf32>
      %mul3A_161 = arith.constant 5.000000e-01 : f32
      %mul3A_162 = vector.broadcast %mul3A_161 : f32 to vector<16xf32>
      %mul3A_163 = arith.mulf %mul3A_162, %select_n3A_128 : vector<16xf32>
      %mul3A_164 = arith.mulf %mul3A_163, %mul3A_160 : vector<16xf32>
      %mul3A_165 = arith.mulf %mul3A_164, %mul3A_160 : vector<16xf32>
      %sub3A_166 = arith.constant 1.500000e+00 : f32
      %sub3A_167 = vector.broadcast %sub3A_166 : f32 to vector<16xf32>
      %sub3A_168 = arith.subf %sub3A_167, %mul3A_165 : vector<16xf32>
      %mul3A_169 = arith.mulf %mul3A_160, %sub3A_168 : vector<16xf32>
      %gt3A = arith.constant 0.000000e+00 : f32
      %gt3A_170 = vector.broadcast %gt3A : f32 to vector<16xf32>
      %gt3A_171 = arith.cmpf ogt, %add3A_21, %gt3A_170 : vector<16xf32>
      %mul3A_172 = arith.mulf %mul3A_169, %select_n3A_132 : vector<16xf32>
      %jit3A = arith.constant 0.000000e+00 : f32
      %broadcast_in_dim3A_173 = vector.broadcast %jit3A : f32 to vector<16xf32>
      %select_n3A_174 = arith.select %gt3A_171, %mul3A_172, %broadcast_in_dim3A_173 : vector<16xi1>, vector<16xf32>
      %get3A_175 = arith.index_cast %scan3A_11 : i32 to index
      %get3A_176 = arith.constant 0 : index
      %get3A_177 = tpu.vector_load %arg8[%get3A_175, %get3A_176] {strides = array<i32>} : memref<320x16xf32, #tpu.memory_space<vmem>>, vector<1x16xf32>,
      %get3A_178 = vector.shape_cast %get3A_177 : vector<1x16xf32> to vector<16xf32>
      %get3A_179 = arith.index_cast %scan3A_11 : i32 to index
      %get3A_180 = arith.constant 0 : index
      %get3A_181 = tpu.vector_load %arg9[%get3A_179, %get3A_180] {strides = array<i32>} : memref<320x16xf32, #tpu.memory_space<vmem>>, vector<1x16xf32>,
      %get3A_182 = vector.shape_cast %get3A_181 : vector<1x16xf32> to vector<16xf32>
      %add3A_183 = arith.addf %get3A_178, %get3A_182 : vector<16xf32>
      %mul3A_184 = arith.mulf %add3A_183, %select_n3A_174 : vector<16xf32>
      %add3A_185 = arith.addf %mul3A_184, %get3A_4 : vector<16xf32>
      %max3A_186 = arith.constant 0.000000e+00 : f32
      %max3A_187 = vector.broadcast %max3A_186 : f32 to vector<16xf32>
      %max3A_188 = arith.maximumf %add3A_185, %max3A_187 : vector<16xf32>
      %swap3A = arith.index_cast %scan3A_11 : i32 to index
      %swap3A_189 = arith.constant 0 : index
      %swap3A_190 = tpu.vector_load %arg12[%swap3A, %swap3A_189] {strides = array<i32>} : memref<320x16xf32, #tpu.memory_space<vmem>>, vector<1x16xf32>,
      %swap3A_191 = vector.shape_cast %swap3A_190 : vector<1x16xf32> to vector<16xf32>
      %swap3A_192 = vector.shape_cast %max3A_188 : vector<16xf32> to vector<1x16xf32>
      tpu.vector_store %arg12[%swap3A, %swap3A_189], %swap3A_192 {strides = array<i32>} : memref<320x16xf32, #tpu.memory_space<vmem>>, vector<1x16xf32>,
      %scan3A_193 = arith.constant 0 : i32
      scf.yield %scan3A_193 : i32
    }
    %scan3A_10 = arith.constant 320 : i32
    "tpu.region"() ({
      %run_scoped3A = tpu.sem_alloc : memref<!tpu.dma_semaphore, #tpu.memory_space<semaphore_mem>>
      %dma_start3A = arith.constant 0 : i32
      %dma_start3A_11 = tpu.memref_slice %arg7[%multiple_of3A, %dma_start3A] : memref<10240x16xf32, #tpu.memory_space<hbm>> -> memref<320x16xf32, #tpu.memory_space<hbm>>
      %dma_start3A_12 = arith.constant 0 : i32
      %dma_start3A_13 = tpu.memref_slice %arg7[%multiple_of3A, %dma_start3A_12] : memref<10240x16xf32, #tpu.memory_space<hbm>> -> memref<320x16xf32, #tpu.memory_space<hbm>>
      tpu.enqueue_dma source(%arg12 : memref<320x16xf32, #tpu.memory_space<vmem>>) target(%dma_start3A_13 : memref<320x16xf32, #tpu.memory_space<hbm>>) target_semaphore(%run_scoped3A : memref<!tpu.dma_semaphore, #tpu.memory_space<semaphore_mem>>)
      %dma_wait3A = arith.constant 0 : i32
      %dma_wait3A_14 = tpu.memref_slice %arg7[%multiple_of3A, %dma_wait3A] : memref<10240x16xf32, #tpu.memory_space<hbm>> -> memref<320x16xf32, #tpu.memory_space<hbm>>
      %dma_wait3A_15 = arith.constant 0 : i32
      %dma_wait3A_16 = tpu.memref_slice %arg7[%multiple_of3A, %dma_wait3A_15] : memref<10240x16xf32, #tpu.memory_space<hbm>> -> memref<320x16xf32, #tpu.memory_space<hbm>>
      tpu.wait_dma2 semaphore(%run_scoped3A : memref<!tpu.dma_semaphore, #tpu.memory_space<semaphore_mem>>) src(%arg12 : memref<320x16xf32, #tpu.memory_space<vmem>>) dst(%dma_wait3A_16 : memref<320x16xf32, #tpu.memory_space<hbm>>)
      tpu.yield
    }) : () -> ()
    return
  }
}

#map = affine_map<(d0, d1) -> (0, 0)>
#map1 = affine_map<(d0, d1) -> (0, 0, 0)>
module attributes {stable_mosaic.version = 14 : i64} {
  func.func @_agg(%arg0: i32, %arg1: i32, %arg2: memref<10240x16xf32, #tpu.memory_space<hbm>>, %arg3: memref<2x2500x128xi32, #tpu.memory_space<hbm>>, %arg4: memref<10240x16xf32, #tpu.memory_space<hbm>>, %arg5: memref<10240x16xf32, #tpu.memory_space<hbm>>, %arg6: memref<10240x16xf32, #tpu.memory_space<hbm>>, %arg7: memref<10240x16xf32, #tpu.memory_space<hbm>>, %arg8: memref<79x128xi32, #tpu.memory_space<vmem>>, %arg9: memref<79x128xi32, #tpu.memory_space<vmem>>, %arg10: memref<16x128x16xf32, #tpu.memory_space<vmem>>, %arg11: memref<128x16xf32, #tpu.memory_space<vmem>>, %arg12: memref<640x16xf32, #tpu.memory_space<vmem>>, %arg13: memref<10240x16xf32, #tpu.memory_space<vmem_shared>>, %arg14: memref<10240x16xf32, #tpu.memory_space<vmem_shared>>, %arg15: memref<!tpu.dma_semaphore, #tpu.memory_space<semaphore_mem>>, %arg16: memref<!tpu.dma_semaphore, #tpu.memory_space<semaphore_mem>>) attributes {dimension_semantics = [#tpu.dimension_semantics<core_parallel>, #tpu.dimension_semantics<subcore_parallel>], iteration_bounds = array<i64: 2, 16>, scalar_prefetch = 0 : i64, scratch_operands = 9 : i64, tpu.core_type = #tpu.core_type<sc_vector_subcore>, window_params = [{transform_indices = #map}, {transform_indices = #map1}, {transform_indices = #map}, {transform_indices = #map}, {transform_indices = #map}, {transform_indices = #map}]} {
    %mul3A = arith.constant 16 : i32
    %mul3A_0 = arith.muli %arg0, %mul3A : i32
    %add3A = arith.addi %mul3A_0, %arg1 : i32
    %lt3A = arith.constant 4 : i32
    %lt3A_1 = arith.cmpi slt, %add3A, %lt3A : i32
    %jit3A = arith.constant 1 : i32
    %jit3A_2 = arith.constant 0 : i32
    %select_n3A = arith.select %lt3A_1, %jit3A, %jit3A_2 : i32
    %add3A_3 = arith.constant 78 : i32
    %add3A_4 = arith.addi %add3A_3, %select_n3A : i32
    %scan3A = arith.constant 0 : i32
    %scan3A_5 = arith.constant 0 : i32
    %scan3A_6 = arith.constant 128 : i32
    %scan3A_7 = arith.addi %scan3A_5, %scan3A_6 : i32
    %scan3A_8 = arith.constant 1 : i32
    %scan3A_9 = scf.for %scan3A_245 = %scan3A_5 to %scan3A_7 step %scan3A_8 iter_args(%scan3A_246 = %scan3A) -> (i32)  : i32 {
      %broadcast_in_dim3A = arith.constant 1.000000e+00 : f32
      %broadcast_in_dim3A_247 = vector.broadcast %broadcast_in_dim3A : f32 to vector<16xf32>
      %swap3A = arith.index_cast %scan3A_245 : i32 to index
      %swap3A_248 = arith.constant 0 : index
      %swap3A_249 = tpu.vector_load %arg11[%swap3A, %swap3A_248] {strides = array<i32>} : memref<128x16xf32, #tpu.memory_space<vmem>>, vector<1x16xf32>,
      %swap3A_250 = vector.shape_cast %swap3A_249 : vector<1x16xf32> to vector<16xf32>
      %swap3A_251 = vector.shape_cast %broadcast_in_dim3A_247 : vector<16xf32> to vector<1x16xf32>
      tpu.vector_store %arg11[%swap3A, %swap3A_248], %swap3A_251 {strides = array<i32>} : memref<128x16xf32, #tpu.memory_space<vmem>>, vector<1x16xf32>,
      %broadcast_in_dim3A_252 = arith.constant 0.000000e+00 : f32
      %broadcast_in_dim3A_253 = vector.broadcast %broadcast_in_dim3A_252 : f32 to vector<16xf32>
      %swap3A_254 = arith.index_cast %scan3A_245 : i32 to index
      %swap3A_255 = arith.constant 0 : index
      %swap3A_256 = tpu.vector_load %arg12[%swap3A_254, %swap3A_255] {strides = array<i32>} : memref<640x16xf32, #tpu.memory_space<vmem>>, vector<1x16xf32>,
      %swap3A_257 = vector.shape_cast %swap3A_256 : vector<1x16xf32> to vector<16xf32>
      %swap3A_258 = vector.shape_cast %broadcast_in_dim3A_253 : vector<16xf32> to vector<1x16xf32>
      tpu.vector_store %arg12[%swap3A_254, %swap3A_255], %swap3A_258 {strides = array<i32>} : memref<640x16xf32, #tpu.memory_space<vmem>>, vector<1x16xf32>,
      %scan3A_259 = arith.constant 0 : i32
      scf.yield %scan3A_259 : i32
    }
    %scan3A_10 = arith.constant 128 : i32
    %scan3A_11 = arith.constant 0 : i32
    %scan3A_12 = arith.constant 128 : i32
    %scan3A_13 = arith.constant 512 : i32
    %scan3A_14 = arith.addi %scan3A_12, %scan3A_13 : i32
    %scan3A_15 = arith.constant 1 : i32
    %scan3A_16 = scf.for %scan3A_245 = %scan3A_12 to %scan3A_14 step %scan3A_15 iter_args(%scan3A_246 = %scan3A_11) -> (i32)  : i32 {
      %broadcast_in_dim3A = arith.constant 0.000000e+00 : f32
      %broadcast_in_dim3A_247 = vector.broadcast %broadcast_in_dim3A : f32 to vector<16xf32>
      %swap3A = arith.index_cast %scan3A_245 : i32 to index
      %swap3A_248 = arith.constant 0 : index
      %swap3A_249 = tpu.vector_load %arg12[%swap3A, %swap3A_248] {strides = array<i32>} : memref<640x16xf32, #tpu.memory_space<vmem>>, vector<1x16xf32>,
      %swap3A_250 = vector.shape_cast %swap3A_249 : vector<1x16xf32> to vector<16xf32>
      %swap3A_251 = vector.shape_cast %broadcast_in_dim3A_247 : vector<16xf32> to vector<1x16xf32>
      tpu.vector_store %arg12[%swap3A, %swap3A_248], %swap3A_251 {strides = array<i32>} : memref<640x16xf32, #tpu.memory_space<vmem>>, vector<1x16xf32>,
      %scan3A_252 = arith.constant 0 : i32
      scf.yield %scan3A_252 : i32
    }
    %scan3A_17 = arith.constant 512 : i32
    %mul3A_18 = arith.constant 640 : i32
    %mul3A_19 = arith.muli %arg1, %mul3A_18 : i32
    %multiple_of3A = tpu.assume_multiple %mul3A_19, 128 : i32
    "tpu.region"() ({
      %run_scoped3A_245 = tpu.sem_alloc : memref<!tpu.dma_semaphore, #tpu.memory_space<semaphore_mem>>
      %dma_start3A_246 = arith.constant 0 : i32
      %dma_start3A_247 = tpu.memref_slice %arg13[%multiple_of3A, %dma_start3A_246] : memref<10240x16xf32, #tpu.memory_space<vmem_shared>> -> memref<640x16xf32, #tpu.memory_space<vmem_shared>>
      %dma_start3A_248 = arith.constant 0 : i32
      %dma_start3A_249 = tpu.memref_slice %arg13[%multiple_of3A, %dma_start3A_248] : memref<10240x16xf32, #tpu.memory_space<vmem_shared>> -> memref<640x16xf32, #tpu.memory_space<vmem_shared>>
      tpu.enqueue_dma source(%arg12 : memref<640x16xf32, #tpu.memory_space<vmem>>) target(%dma_start3A_249 : memref<640x16xf32, #tpu.memory_space<vmem_shared>>) target_semaphore(%run_scoped3A_245 : memref<!tpu.dma_semaphore, #tpu.memory_space<semaphore_mem>>)
      %dma_wait3A = arith.constant 0 : i32
      %dma_wait3A_250 = tpu.memref_slice %arg13[%multiple_of3A, %dma_wait3A] : memref<10240x16xf32, #tpu.memory_space<vmem_shared>> -> memref<640x16xf32, #tpu.memory_space<vmem_shared>>
      %dma_wait3A_251 = arith.constant 0 : i32
      %dma_wait3A_252 = tpu.memref_slice %arg13[%multiple_of3A, %dma_wait3A_251] : memref<10240x16xf32, #tpu.memory_space<vmem_shared>> -> memref<640x16xf32, #tpu.memory_space<vmem_shared>>
      tpu.wait_dma2 semaphore(%run_scoped3A_245 : memref<!tpu.dma_semaphore, #tpu.memory_space<semaphore_mem>>) src(%arg12 : memref<640x16xf32, #tpu.memory_space<vmem>>) dst(%dma_wait3A_252 : memref<640x16xf32, #tpu.memory_space<vmem_shared>>)
      tpu.yield
    }) : () -> ()
    "tpu.region"() ({
      %run_scoped3A_245 = tpu.sem_alloc : memref<!tpu.dma_semaphore, #tpu.memory_space<semaphore_mem>>
      %dma_start3A_246 = arith.constant 0 : i32
      %dma_start3A_247 = tpu.memref_slice %arg14[%multiple_of3A, %dma_start3A_246] : memref<10240x16xf32, #tpu.memory_space<vmem_shared>> -> memref<640x16xf32, #tpu.memory_space<vmem_shared>>
      %dma_start3A_248 = arith.constant 0 : i32
      %dma_start3A_249 = tpu.memref_slice %arg14[%multiple_of3A, %dma_start3A_248] : memref<10240x16xf32, #tpu.memory_space<vmem_shared>> -> memref<640x16xf32, #tpu.memory_space<vmem_shared>>
      tpu.enqueue_dma source(%arg12 : memref<640x16xf32, #tpu.memory_space<vmem>>) target(%dma_start3A_249 : memref<640x16xf32, #tpu.memory_space<vmem_shared>>) target_semaphore(%run_scoped3A_245 : memref<!tpu.dma_semaphore, #tpu.memory_space<semaphore_mem>>)
      %dma_wait3A = arith.constant 0 : i32
      %dma_wait3A_250 = tpu.memref_slice %arg14[%multiple_of3A, %dma_wait3A] : memref<10240x16xf32, #tpu.memory_space<vmem_shared>> -> memref<640x16xf32, #tpu.memory_space<vmem_shared>>
      %dma_wait3A_251 = arith.constant 0 : i32
      %dma_wait3A_252 = tpu.memref_slice %arg14[%multiple_of3A, %dma_wait3A_251] : memref<10240x16xf32, #tpu.memory_space<vmem_shared>> -> memref<640x16xf32, #tpu.memory_space<vmem_shared>>
      tpu.wait_dma2 semaphore(%run_scoped3A_245 : memref<!tpu.dma_semaphore, #tpu.memory_space<semaphore_mem>>) src(%arg12 : memref<640x16xf32, #tpu.memory_space<vmem>>) dst(%dma_wait3A_252 : memref<640x16xf32, #tpu.memory_space<vmem_shared>>)
      tpu.yield
    }) : () -> ()
    %mul3A_20 = arith.constant 78 : i32
    %mul3A_21 = arith.muli %add3A, %mul3A_20 : i32
    %run_scoped3A = arith.constant 0 : i32
    "tpu.region"() ({
      %run_scoped3A_245 = tpu.sem_alloc : memref<!tpu.dma_semaphore, #tpu.memory_space<semaphore_mem>>
      %dma_start3A_246 = arith.constant 0 : i32
      %dma_start3A_247 = arith.constant 0 : i32
      %dma_start3A_248 = tpu.memref_slice %arg8[%dma_start3A_246, %dma_start3A_247] : memref<79x128xi32, #tpu.memory_space<vmem>> -> memref<78x128xi32, #tpu.memory_space<vmem>>
      %dma_start3A_249 = arith.constant 0 : i32
      %dma_start3A_250 = tpu.memref_slice %arg3[%run_scoped3A, %mul3A_21, %dma_start3A_249] : memref<2x2500x128xi32, #tpu.memory_space<hbm>> -> memref<1x78x128xi32, #tpu.memory_space<hbm>>
      %dma_start3A_251 = tpu.memref_squeeze %dma_start3A_250 : memref<1x78x128xi32, #tpu.memory_space<hbm>> -> memref<78x128xi32, #tpu.memory_space<hbm>>
      %dma_start3A_252 = arith.constant 0 : i32
      %dma_start3A_253 = arith.constant 0 : i32
      %dma_start3A_254 = tpu.memref_slice %arg8[%dma_start3A_252, %dma_start3A_253] : memref<79x128xi32, #tpu.memory_space<vmem>> -> memref<78x128xi32, #tpu.memory_space<vmem>>
      %dma_start3A_255 = arith.constant 0 : i32
      %dma_start3A_256 = tpu.memref_slice %arg3[%run_scoped3A, %mul3A_21, %dma_start3A_255] : memref<2x2500x128xi32, #tpu.memory_space<hbm>> -> memref<1x78x128xi32, #tpu.memory_space<hbm>>
      %dma_start3A_257 = tpu.memref_squeeze %dma_start3A_256 : memref<1x78x128xi32, #tpu.memory_space<hbm>> -> memref<78x128xi32, #tpu.memory_space<hbm>>
      tpu.enqueue_dma source(%dma_start3A_257 : memref<78x128xi32, #tpu.memory_space<hbm>>) target(%dma_start3A_254 : memref<78x128xi32, #tpu.memory_space<vmem>>) target_semaphore(%run_scoped3A_245 : memref<!tpu.dma_semaphore, #tpu.memory_space<semaphore_mem>>)
      %dma_wait3A = arith.constant 0 : i32
      %dma_wait3A_258 = arith.constant 0 : i32
      %dma_wait3A_259 = tpu.memref_slice %arg8[%dma_wait3A, %dma_wait3A_258] : memref<79x128xi32, #tpu.memory_space<vmem>> -> memref<78x128xi32, #tpu.memory_space<vmem>>
      %dma_wait3A_260 = arith.constant 0 : i32
      %dma_wait3A_261 = tpu.memref_slice %arg3[%run_scoped3A, %mul3A_21, %dma_wait3A_260] : memref<2x2500x128xi32, #tpu.memory_space<hbm>> -> memref<1x78x128xi32, #tpu.memory_space<hbm>>
      %dma_wait3A_262 = tpu.memref_squeeze %dma_wait3A_261 : memref<1x78x128xi32, #tpu.memory_space<hbm>> -> memref<78x128xi32, #tpu.memory_space<hbm>>
      %dma_wait3A_263 = arith.constant 0 : i32
      %dma_wait3A_264 = arith.constant 0 : i32
      %dma_wait3A_265 = tpu.memref_slice %arg8[%dma_wait3A_263, %dma_wait3A_264] : memref<79x128xi32, #tpu.memory_space<vmem>> -> memref<78x128xi32, #tpu.memory_space<vmem>>
      %dma_wait3A_266 = arith.constant 0 : i32
      %dma_wait3A_267 = tpu.memref_slice %arg3[%run_scoped3A, %mul3A_21, %dma_wait3A_266] : memref<2x2500x128xi32, #tpu.memory_space<hbm>> -> memref<1x78x128xi32, #tpu.memory_space<hbm>>
      %dma_wait3A_268 = tpu.memref_squeeze %dma_wait3A_267 : memref<1x78x128xi32, #tpu.memory_space<hbm>> -> memref<78x128xi32, #tpu.memory_space<hbm>>
      tpu.wait_dma2 semaphore(%run_scoped3A_245 : memref<!tpu.dma_semaphore, #tpu.memory_space<semaphore_mem>>) src(%dma_wait3A_268 : memref<78x128xi32, #tpu.memory_space<hbm>>) dst(%dma_wait3A_265 : memref<78x128xi32, #tpu.memory_space<vmem>>)
      tpu.yield
    }) : () -> ()
    %lt3A_22 = arith.constant 4 : i32
    %lt3A_23 = arith.cmpi slt, %add3A, %lt3A_22 : i32
    %convert_element_type3A = arith.extui %lt3A_23 : i1 to i32
    %cond3A = arith.constant 0 : i32
    %cond3A_24 = arith.cmpi ne, %convert_element_type3A, %cond3A : i32
    scf.if %cond3A_24 {
      %add3A_245 = arith.constant 2496 : i32
      %add3A_246 = arith.addi %add3A_245, %add3A : i32
      %run_scoped3A_247 = arith.constant 0 : i32
      "tpu.region"() ({
        %run_scoped3A_248 = tpu.sem_alloc : memref<!tpu.dma_semaphore, #tpu.memory_space<semaphore_mem>>
        %dma_start3A_249 = arith.constant 78 : i32
        %dma_start3A_250 = arith.constant 0 : i32
        %dma_start3A_251 = tpu.memref_slice %arg8[%dma_start3A_249, %dma_start3A_250] : memref<79x128xi32, #tpu.memory_space<vmem>> -> memref<1x128xi32, #tpu.memory_space<vmem>>
        %dma_start3A_252 = arith.constant 0 : i32
        %dma_start3A_253 = tpu.memref_slice %arg3[%run_scoped3A_247, %add3A_246, %dma_start3A_252] : memref<2x2500x128xi32, #tpu.memory_space<hbm>> -> memref<1x1x128xi32, #tpu.memory_space<hbm>>
        %dma_start3A_254 = tpu.memref_squeeze %dma_start3A_253 : memref<1x1x128xi32, #tpu.memory_space<hbm>> -> memref<1x128xi32, #tpu.memory_space<hbm>>
        %dma_start3A_255 = arith.constant 78 : i32
        %dma_start3A_256 = arith.constant 0 : i32
        %dma_start3A_257 = tpu.memref_slice %arg8[%dma_start3A_255, %dma_start3A_256] : memref<79x128xi32, #tpu.memory_space<vmem>> -> memref<1x128xi32, #tpu.memory_space<vmem>>
        %dma_start3A_258 = arith.constant 0 : i32
        %dma_start3A_259 = tpu.memref_slice %arg3[%run_scoped3A_247, %add3A_246, %dma_start3A_258] : memref<2x2500x128xi32, #tpu.memory_space<hbm>> -> memref<1x1x128xi32, #tpu.memory_space<hbm>>
        %dma_start3A_260 = tpu.memref_squeeze %dma_start3A_259 : memref<1x1x128xi32, #tpu.memory_space<hbm>> -> memref<1x128xi32, #tpu.memory_space<hbm>>
        tpu.enqueue_dma source(%dma_start3A_260 : memref<1x128xi32, #tpu.memory_space<hbm>>) target(%dma_start3A_257 : memref<1x128xi32, #tpu.memory_space<vmem>>) target_semaphore(%run_scoped3A_248 : memref<!tpu.dma_semaphore, #tpu.memory_space<semaphore_mem>>)
        %dma_wait3A = arith.constant 78 : i32
        %dma_wait3A_261 = arith.constant 0 : i32
        %dma_wait3A_262 = tpu.memref_slice %arg8[%dma_wait3A, %dma_wait3A_261] : memref<79x128xi32, #tpu.memory_space<vmem>> -> memref<1x128xi32, #tpu.memory_space<vmem>>
        %dma_wait3A_263 = arith.constant 0 : i32
        %dma_wait3A_264 = tpu.memref_slice %arg3[%run_scoped3A_247, %add3A_246, %dma_wait3A_263] : memref<2x2500x128xi32, #tpu.memory_space<hbm>> -> memref<1x1x128xi32, #tpu.memory_space<hbm>>
        %dma_wait3A_265 = tpu.memref_squeeze %dma_wait3A_264 : memref<1x1x128xi32, #tpu.memory_space<hbm>> -> memref<1x128xi32, #tpu.memory_space<hbm>>
        %dma_wait3A_266 = arith.constant 78 : i32
        %dma_wait3A_267 = arith.constant 0 : i32
        %dma_wait3A_268 = tpu.memref_slice %arg8[%dma_wait3A_266, %dma_wait3A_267] : memref<79x128xi32, #tpu.memory_space<vmem>> -> memref<1x128xi32, #tpu.memory_space<vmem>>
        %dma_wait3A_269 = arith.constant 0 : i32
        %dma_wait3A_270 = tpu.memref_slice %arg3[%run_scoped3A_247, %add3A_246, %dma_wait3A_269] : memref<2x2500x128xi32, #tpu.memory_space<hbm>> -> memref<1x1x128xi32, #tpu.memory_space<hbm>>
        %dma_wait3A_271 = tpu.memref_squeeze %dma_wait3A_270 : memref<1x1x128xi32, #tpu.memory_space<hbm>> -> memref<1x128xi32, #tpu.memory_space<hbm>>
        tpu.wait_dma2 semaphore(%run_scoped3A_248 : memref<!tpu.dma_semaphore, #tpu.memory_space<semaphore_mem>>) src(%dma_wait3A_271 : memref<1x128xi32, #tpu.memory_space<hbm>>) dst(%dma_wait3A_268 : memref<1x128xi32, #tpu.memory_space<vmem>>)
        tpu.yield
      }) : () -> ()
    } else {
    }
    %mul3A_25 = arith.constant 78 : i32
    %mul3A_26 = arith.muli %add3A, %mul3A_25 : i32
    %run_scoped3A_27 = arith.constant 1 : i32
    "tpu.region"() ({
      %run_scoped3A_245 = tpu.sem_alloc : memref<!tpu.dma_semaphore, #tpu.memory_space<semaphore_mem>>
      %dma_start3A_246 = arith.constant 0 : i32
      %dma_start3A_247 = arith.constant 0 : i32
      %dma_start3A_248 = tpu.memref_slice %arg9[%dma_start3A_246, %dma_start3A_247] : memref<79x128xi32, #tpu.memory_space<vmem>> -> memref<78x128xi32, #tpu.memory_space<vmem>>
      %dma_start3A_249 = arith.constant 0 : i32
      %dma_start3A_250 = tpu.memref_slice %arg3[%run_scoped3A_27, %mul3A_26, %dma_start3A_249] : memref<2x2500x128xi32, #tpu.memory_space<hbm>> -> memref<1x78x128xi32, #tpu.memory_space<hbm>>
      %dma_start3A_251 = tpu.memref_squeeze %dma_start3A_250 : memref<1x78x128xi32, #tpu.memory_space<hbm>> -> memref<78x128xi32, #tpu.memory_space<hbm>>
      %dma_start3A_252 = arith.constant 0 : i32
      %dma_start3A_253 = arith.constant 0 : i32
      %dma_start3A_254 = tpu.memref_slice %arg9[%dma_start3A_252, %dma_start3A_253] : memref<79x128xi32, #tpu.memory_space<vmem>> -> memref<78x128xi32, #tpu.memory_space<vmem>>
      %dma_start3A_255 = arith.constant 0 : i32
      %dma_start3A_256 = tpu.memref_slice %arg3[%run_scoped3A_27, %mul3A_26, %dma_start3A_255] : memref<2x2500x128xi32, #tpu.memory_space<hbm>> -> memref<1x78x128xi32, #tpu.memory_space<hbm>>
      %dma_start3A_257 = tpu.memref_squeeze %dma_start3A_256 : memref<1x78x128xi32, #tpu.memory_space<hbm>> -> memref<78x128xi32, #tpu.memory_space<hbm>>
      tpu.enqueue_dma source(%dma_start3A_257 : memref<78x128xi32, #tpu.memory_space<hbm>>) target(%dma_start3A_254 : memref<78x128xi32, #tpu.memory_space<vmem>>) target_semaphore(%run_scoped3A_245 : memref<!tpu.dma_semaphore, #tpu.memory_space<semaphore_mem>>)
      %dma_wait3A = arith.constant 0 : i32
      %dma_wait3A_258 = arith.constant 0 : i32
      %dma_wait3A_259 = tpu.memref_slice %arg9[%dma_wait3A, %dma_wait3A_258] : memref<79x128xi32, #tpu.memory_space<vmem>> -> memref<78x128xi32, #tpu.memory_space<vmem>>
      %dma_wait3A_260 = arith.constant 0 : i32
      %dma_wait3A_261 = tpu.memref_slice %arg3[%run_scoped3A_27, %mul3A_26, %dma_wait3A_260] : memref<2x2500x128xi32, #tpu.memory_space<hbm>> -> memref<1x78x128xi32, #tpu.memory_space<hbm>>
      %dma_wait3A_262 = tpu.memref_squeeze %dma_wait3A_261 : memref<1x78x128xi32, #tpu.memory_space<hbm>> -> memref<78x128xi32, #tpu.memory_space<hbm>>
      %dma_wait3A_263 = arith.constant 0 : i32
      %dma_wait3A_264 = arith.constant 0 : i32
      %dma_wait3A_265 = tpu.memref_slice %arg9[%dma_wait3A_263, %dma_wait3A_264] : memref<79x128xi32, #tpu.memory_space<vmem>> -> memref<78x128xi32, #tpu.memory_space<vmem>>
      %dma_wait3A_266 = arith.constant 0 : i32
      %dma_wait3A_267 = tpu.memref_slice %arg3[%run_scoped3A_27, %mul3A_26, %dma_wait3A_266] : memref<2x2500x128xi32, #tpu.memory_space<hbm>> -> memref<1x78x128xi32, #tpu.memory_space<hbm>>
      %dma_wait3A_268 = tpu.memref_squeeze %dma_wait3A_267 : memref<1x78x128xi32, #tpu.memory_space<hbm>> -> memref<78x128xi32, #tpu.memory_space<hbm>>
      tpu.wait_dma2 semaphore(%run_scoped3A_245 : memref<!tpu.dma_semaphore, #tpu.memory_space<semaphore_mem>>) src(%dma_wait3A_268 : memref<78x128xi32, #tpu.memory_space<hbm>>) dst(%dma_wait3A_265 : memref<78x128xi32, #tpu.memory_space<vmem>>)
      tpu.yield
    }) : () -> ()
    %lt3A_28 = arith.constant 4 : i32
    %lt3A_29 = arith.cmpi slt, %add3A, %lt3A_28 : i32
    %convert_element_type3A_30 = arith.extui %lt3A_29 : i1 to i32
    %cond3A_31 = arith.constant 0 : i32
    %cond3A_32 = arith.cmpi ne, %convert_element_type3A_30, %cond3A_31 : i32
    scf.if %cond3A_32 {
      %add3A_245 = arith.constant 2496 : i32
      %add3A_246 = arith.addi %add3A_245, %add3A : i32
      %run_scoped3A_247 = arith.constant 1 : i32
      "tpu.region"() ({
        %run_scoped3A_248 = tpu.sem_alloc : memref<!tpu.dma_semaphore, #tpu.memory_space<semaphore_mem>>
        %dma_start3A_249 = arith.constant 78 : i32
        %dma_start3A_250 = arith.constant 0 : i32
        %dma_start3A_251 = tpu.memref_slice %arg9[%dma_start3A_249, %dma_start3A_250] : memref<79x128xi32, #tpu.memory_space<vmem>> -> memref<1x128xi32, #tpu.memory_space<vmem>>
        %dma_start3A_252 = arith.constant 0 : i32
        %dma_start3A_253 = tpu.memref_slice %arg3[%run_scoped3A_247, %add3A_246, %dma_start3A_252] : memref<2x2500x128xi32, #tpu.memory_space<hbm>> -> memref<1x1x128xi32, #tpu.memory_space<hbm>>
        %dma_start3A_254 = tpu.memref_squeeze %dma_start3A_253 : memref<1x1x128xi32, #tpu.memory_space<hbm>> -> memref<1x128xi32, #tpu.memory_space<hbm>>
        %dma_start3A_255 = arith.constant 78 : i32
        %dma_start3A_256 = arith.constant 0 : i32
        %dma_start3A_257 = tpu.memref_slice %arg9[%dma_start3A_255, %dma_start3A_256] : memref<79x128xi32, #tpu.memory_space<vmem>> -> memref<1x128xi32, #tpu.memory_space<vmem>>
        %dma_start3A_258 = arith.constant 0 : i32
        %dma_start3A_259 = tpu.memref_slice %arg3[%run_scoped3A_247, %add3A_246, %dma_start3A_258] : memref<2x2500x128xi32, #tpu.memory_space<hbm>> -> memref<1x1x128xi32, #tpu.memory_space<hbm>>
        %dma_start3A_260 = tpu.memref_squeeze %dma_start3A_259 : memref<1x1x128xi32, #tpu.memory_space<hbm>> -> memref<1x128xi32, #tpu.memory_space<hbm>>
        tpu.enqueue_dma source(%dma_start3A_260 : memref<1x128xi32, #tpu.memory_space<hbm>>) target(%dma_start3A_257 : memref<1x128xi32, #tpu.memory_space<vmem>>) target_semaphore(%run_scoped3A_248 : memref<!tpu.dma_semaphore, #tpu.memory_space<semaphore_mem>>)
        %dma_wait3A = arith.constant 78 : i32
        %dma_wait3A_261 = arith.constant 0 : i32
        %dma_wait3A_262 = tpu.memref_slice %arg9[%dma_wait3A, %dma_wait3A_261] : memref<79x128xi32, #tpu.memory_space<vmem>> -> memref<1x128xi32, #tpu.memory_space<vmem>>
        %dma_wait3A_263 = arith.constant 0 : i32
        %dma_wait3A_264 = tpu.memref_slice %arg3[%run_scoped3A_247, %add3A_246, %dma_wait3A_263] : memref<2x2500x128xi32, #tpu.memory_space<hbm>> -> memref<1x1x128xi32, #tpu.memory_space<hbm>>
        %dma_wait3A_265 = tpu.memref_squeeze %dma_wait3A_264 : memref<1x1x128xi32, #tpu.memory_space<hbm>> -> memref<1x128xi32, #tpu.memory_space<hbm>>
        %dma_wait3A_266 = arith.constant 78 : i32
        %dma_wait3A_267 = arith.constant 0 : i32
        %dma_wait3A_268 = tpu.memref_slice %arg9[%dma_wait3A_266, %dma_wait3A_267] : memref<79x128xi32, #tpu.memory_space<vmem>> -> memref<1x128xi32, #tpu.memory_space<vmem>>
        %dma_wait3A_269 = arith.constant 0 : i32
        %dma_wait3A_270 = tpu.memref_slice %arg3[%run_scoped3A_247, %add3A_246, %dma_wait3A_269] : memref<2x2500x128xi32, #tpu.memory_space<hbm>> -> memref<1x1x128xi32, #tpu.memory_space<hbm>>
        %dma_wait3A_271 = tpu.memref_squeeze %dma_wait3A_270 : memref<1x1x128xi32, #tpu.memory_space<hbm>> -> memref<1x128xi32, #tpu.memory_space<hbm>>
        tpu.wait_dma2 semaphore(%run_scoped3A_248 : memref<!tpu.dma_semaphore, #tpu.memory_space<semaphore_mem>>) src(%dma_wait3A_271 : memref<1x128xi32, #tpu.memory_space<hbm>>) dst(%dma_wait3A_268 : memref<1x128xi32, #tpu.memory_space<vmem>>)
        tpu.yield
      }) : () -> ()
    } else {
    }
    %barrier3A = arith.constant 0 : index
    tpu.barrier barrier_id(%barrier3A)
    %dma_start3A = arith.constant 0 : i32
    %dma_start3A_33 = arith.constant 0 : i32
    %dma_start3A_34 = arith.constant 0 : i32
    %dma_start3A_35 = arith.constant 0 : i32
    %dma_start3A_36 = tpu.memref_slice %arg10[%dma_start3A_33, %dma_start3A_34, %dma_start3A_35] : memref<16x128x16xf32, #tpu.memory_space<vmem>> -> memref<1x128x16xf32, #tpu.memory_space<vmem>>
    %dma_start3A_37 = tpu.memref_squeeze %dma_start3A_36 : memref<1x128x16xf32, #tpu.memory_space<vmem>> -> memref<128x16xf32, #tpu.memory_space<vmem>>
    %dma_start3A_38 = arith.constant 0 : i32
    %dma_start3A_39 = tpu.memref_slice %arg8[%dma_start3A, %dma_start3A_38] : memref<79x128xi32, #tpu.memory_space<vmem>> -> memref<1x128xi32, #tpu.memory_space<vmem>>
    %dma_start3A_40 = tpu.memref_squeeze %dma_start3A_39 : memref<1x128xi32, #tpu.memory_space<vmem>> -> memref<128xi32, #tpu.memory_space<vmem>>
    %dma_start3A_41 = arith.constant 0 : i32
    %dma_start3A_42 = arith.constant 0 : i32
    %dma_start3A_43 = tpu.memref_slice %arg2[%dma_start3A_41, %dma_start3A_42] : memref<10240x16xf32, #tpu.memory_space<hbm>> -> memref<10240x16xf32, #tpu.memory_space<hbm>>
    tpu.enqueue_indirect_dma source(%dma_start3A_43 : memref<10240x16xf32, #tpu.memory_space<hbm>>) target(%dma_start3A_37 : memref<128x16xf32, #tpu.memory_space<vmem>>) offsets(%dma_start3A_40 : memref<128xi32, #tpu.memory_space<vmem>>) semaphore(%arg15 : memref<!tpu.dma_semaphore, #tpu.memory_space<semaphore_mem>>)
    %dma_start3A_44 = arith.constant 1 : i32
    %dma_start3A_45 = arith.constant 1 : i32
    %dma_start3A_46 = arith.constant 0 : i32
    %dma_start3A_47 = arith.constant 0 : i32
    %dma_start3A_48 = tpu.memref_slice %arg10[%dma_start3A_45, %dma_start3A_46, %dma_start3A_47] : memref<16x128x16xf32, #tpu.memory_space<vmem>> -> memref<1x128x16xf32, #tpu.memory_space<vmem>>
    %dma_start3A_49 = tpu.memref_squeeze %dma_start3A_48 : memref<1x128x16xf32, #tpu.memory_space<vmem>> -> memref<128x16xf32, #tpu.memory_space<vmem>>
    %dma_start3A_50 = arith.constant 0 : i32
    %dma_start3A_51 = tpu.memref_slice %arg8[%dma_start3A_44, %dma_start3A_50] : memref<79x128xi32, #tpu.memory_space<vmem>> -> memref<1x128xi32, #tpu.memory_space<vmem>>
    %dma_start3A_52 = tpu.memref_squeeze %dma_start3A_51 : memref<1x128xi32, #tpu.memory_space<vmem>> -> memref<128xi32, #tpu.memory_space<vmem>>
    %dma_start3A_53 = arith.constant 0 : i32
    %dma_start3A_54 = arith.constant 0 : i32
    %dma_start3A_55 = tpu.memref_slice %arg2[%dma_start3A_53, %dma_start3A_54] : memref<10240x16xf32, #tpu.memory_space<hbm>> -> memref<10240x16xf32, #tpu.memory_space<hbm>>
    tpu.enqueue_indirect_dma source(%dma_start3A_55 : memref<10240x16xf32, #tpu.memory_space<hbm>>) target(%dma_start3A_49 : memref<128x16xf32, #tpu.memory_space<vmem>>) offsets(%dma_start3A_52 : memref<128xi32, #tpu.memory_space<vmem>>) semaphore(%arg15 : memref<!tpu.dma_semaphore, #tpu.memory_space<semaphore_mem>>)
    %dma_start3A_56 = arith.constant 2 : i32
    %dma_start3A_57 = arith.constant 2 : i32
    %dma_start3A_58 = arith.constant 0 : i32
    %dma_start3A_59 = arith.constant 0 : i32
    %dma_start3A_60 = tpu.memref_slice %arg10[%dma_start3A_57, %dma_start3A_58, %dma_start3A_59] : memref<16x128x16xf32, #tpu.memory_space<vmem>> -> memref<1x128x16xf32, #tpu.memory_space<vmem>>
    %dma_start3A_61 = tpu.memref_squeeze %dma_start3A_60 : memref<1x128x16xf32, #tpu.memory_space<vmem>> -> memref<128x16xf32, #tpu.memory_space<vmem>>
    %dma_start3A_62 = arith.constant 0 : i32
    %dma_start3A_63 = tpu.memref_slice %arg8[%dma_start3A_56, %dma_start3A_62] : memref<79x128xi32, #tpu.memory_space<vmem>> -> memref<1x128xi32, #tpu.memory_space<vmem>>
    %dma_start3A_64 = tpu.memref_squeeze %dma_start3A_63 : memref<1x128xi32, #tpu.memory_space<vmem>> -> memref<128xi32, #tpu.memory_space<vmem>>
    %dma_start3A_65 = arith.constant 0 : i32
    %dma_start3A_66 = arith.constant 0 : i32
    %dma_start3A_67 = tpu.memref_slice %arg2[%dma_start3A_65, %dma_start3A_66] : memref<10240x16xf32, #tpu.memory_space<hbm>> -> memref<10240x16xf32, #tpu.memory_space<hbm>>
    tpu.enqueue_indirect_dma source(%dma_start3A_67 : memref<10240x16xf32, #tpu.memory_space<hbm>>) target(%dma_start3A_61 : memref<128x16xf32, #tpu.memory_space<vmem>>) offsets(%dma_start3A_64 : memref<128xi32, #tpu.memory_space<vmem>>) semaphore(%arg15 : memref<!tpu.dma_semaphore, #tpu.memory_space<semaphore_mem>>)
    %dma_start3A_68 = arith.constant 3 : i32
    %dma_start3A_69 = arith.constant 3 : i32
    %dma_start3A_70 = arith.constant 0 : i32
    %dma_start3A_71 = arith.constant 0 : i32
    %dma_start3A_72 = tpu.memref_slice %arg10[%dma_start3A_69, %dma_start3A_70, %dma_start3A_71] : memref<16x128x16xf32, #tpu.memory_space<vmem>> -> memref<1x128x16xf32, #tpu.memory_space<vmem>>
    %dma_start3A_73 = tpu.memref_squeeze %dma_start3A_72 : memref<1x128x16xf32, #tpu.memory_space<vmem>> -> memref<128x16xf32, #tpu.memory_space<vmem>>
    %dma_start3A_74 = arith.constant 0 : i32
    %dma_start3A_75 = tpu.memref_slice %arg8[%dma_start3A_68, %dma_start3A_74] : memref<79x128xi32, #tpu.memory_space<vmem>> -> memref<1x128xi32, #tpu.memory_space<vmem>>
    %dma_start3A_76 = tpu.memref_squeeze %dma_start3A_75 : memref<1x128xi32, #tpu.memory_space<vmem>> -> memref<128xi32, #tpu.memory_space<vmem>>
    %dma_start3A_77 = arith.constant 0 : i32
    %dma_start3A_78 = arith.constant 0 : i32
    %dma_start3A_79 = tpu.memref_slice %arg2[%dma_start3A_77, %dma_start3A_78] : memref<10240x16xf32, #tpu.memory_space<hbm>> -> memref<10240x16xf32, #tpu.memory_space<hbm>>
    tpu.enqueue_indirect_dma source(%dma_start3A_79 : memref<10240x16xf32, #tpu.memory_space<hbm>>) target(%dma_start3A_73 : memref<128x16xf32, #tpu.memory_space<vmem>>) offsets(%dma_start3A_76 : memref<128xi32, #tpu.memory_space<vmem>>) semaphore(%arg15 : memref<!tpu.dma_semaphore, #tpu.memory_space<semaphore_mem>>)
    %dma_start3A_80 = arith.constant 4 : i32
    %dma_start3A_81 = arith.constant 4 : i32
    %dma_start3A_82 = arith.constant 0 : i32
    %dma_start3A_83 = arith.constant 0 : i32
    %dma_start3A_84 = tpu.memref_slice %arg10[%dma_start3A_81, %dma_start3A_82, %dma_start3A_83] : memref<16x128x16xf32, #tpu.memory_space<vmem>> -> memref<1x128x16xf32, #tpu.memory_space<vmem>>
    %dma_start3A_85 = tpu.memref_squeeze %dma_start3A_84 : memref<1x128x16xf32, #tpu.memory_space<vmem>> -> memref<128x16xf32, #tpu.memory_space<vmem>>
    %dma_start3A_86 = arith.constant 0 : i32
    %dma_start3A_87 = tpu.memref_slice %arg8[%dma_start3A_80, %dma_start3A_86] : memref<79x128xi32, #tpu.memory_space<vmem>> -> memref<1x128xi32, #tpu.memory_space<vmem>>
    %dma_start3A_88 = tpu.memref_squeeze %dma_start3A_87 : memref<1x128xi32, #tpu.memory_space<vmem>> -> memref<128xi32, #tpu.memory_space<vmem>>
    %dma_start3A_89 = arith.constant 0 : i32
    %dma_start3A_90 = arith.constant 0 : i32
    %dma_start3A_91 = tpu.memref_slice %arg2[%dma_start3A_89, %dma_start3A_90] : memref<10240x16xf32, #tpu.memory_space<hbm>> -> memref<10240x16xf32, #tpu.memory_space<hbm>>
    tpu.enqueue_indirect_dma source(%dma_start3A_91 : memref<10240x16xf32, #tpu.memory_space<hbm>>) target(%dma_start3A_85 : memref<128x16xf32, #tpu.memory_space<vmem>>) offsets(%dma_start3A_88 : memref<128xi32, #tpu.memory_space<vmem>>) semaphore(%arg15 : memref<!tpu.dma_semaphore, #tpu.memory_space<semaphore_mem>>)
    %dma_start3A_92 = arith.constant 5 : i32
    %dma_start3A_93 = arith.constant 5 : i32
    %dma_start3A_94 = arith.constant 0 : i32
    %dma_start3A_95 = arith.constant 0 : i32
    %dma_start3A_96 = tpu.memref_slice %arg10[%dma_start3A_93, %dma_start3A_94, %dma_start3A_95] : memref<16x128x16xf32, #tpu.memory_space<vmem>> -> memref<1x128x16xf32, #tpu.memory_space<vmem>>
    %dma_start3A_97 = tpu.memref_squeeze %dma_start3A_96 : memref<1x128x16xf32, #tpu.memory_space<vmem>> -> memref<128x16xf32, #tpu.memory_space<vmem>>
    %dma_start3A_98 = arith.constant 0 : i32
    %dma_start3A_99 = tpu.memref_slice %arg8[%dma_start3A_92, %dma_start3A_98] : memref<79x128xi32, #tpu.memory_space<vmem>> -> memref<1x128xi32, #tpu.memory_space<vmem>>
    %dma_start3A_100 = tpu.memref_squeeze %dma_start3A_99 : memref<1x128xi32, #tpu.memory_space<vmem>> -> memref<128xi32, #tpu.memory_space<vmem>>
    %dma_start3A_101 = arith.constant 0 : i32
    %dma_start3A_102 = arith.constant 0 : i32
    %dma_start3A_103 = tpu.memref_slice %arg2[%dma_start3A_101, %dma_start3A_102] : memref<10240x16xf32, #tpu.memory_space<hbm>> -> memref<10240x16xf32, #tpu.memory_space<hbm>>
    tpu.enqueue_indirect_dma source(%dma_start3A_103 : memref<10240x16xf32, #tpu.memory_space<hbm>>) target(%dma_start3A_97 : memref<128x16xf32, #tpu.memory_space<vmem>>) offsets(%dma_start3A_100 : memref<128xi32, #tpu.memory_space<vmem>>) semaphore(%arg15 : memref<!tpu.dma_semaphore, #tpu.memory_space<semaphore_mem>>)
    %dma_start3A_104 = arith.constant 6 : i32
    %dma_start3A_105 = arith.constant 6 : i32
    %dma_start3A_106 = arith.constant 0 : i32
    %dma_start3A_107 = arith.constant 0 : i32
    %dma_start3A_108 = tpu.memref_slice %arg10[%dma_start3A_105, %dma_start3A_106, %dma_start3A_107] : memref<16x128x16xf32, #tpu.memory_space<vmem>> -> memref<1x128x16xf32, #tpu.memory_space<vmem>>
    %dma_start3A_109 = tpu.memref_squeeze %dma_start3A_108 : memref<1x128x16xf32, #tpu.memory_space<vmem>> -> memref<128x16xf32, #tpu.memory_space<vmem>>
    %dma_start3A_110 = arith.constant 0 : i32
    %dma_start3A_111 = tpu.memref_slice %arg8[%dma_start3A_104, %dma_start3A_110] : memref<79x128xi32, #tpu.memory_space<vmem>> -> memref<1x128xi32, #tpu.memory_space<vmem>>
    %dma_start3A_112 = tpu.memref_squeeze %dma_start3A_111 : memref<1x128xi32, #tpu.memory_space<vmem>> -> memref<128xi32, #tpu.memory_space<vmem>>
    %dma_start3A_113 = arith.constant 0 : i32
    %dma_start3A_114 = arith.constant 0 : i32
    %dma_start3A_115 = tpu.memref_slice %arg2[%dma_start3A_113, %dma_start3A_114] : memref<10240x16xf32, #tpu.memory_space<hbm>> -> memref<10240x16xf32, #tpu.memory_space<hbm>>
    tpu.enqueue_indirect_dma source(%dma_start3A_115 : memref<10240x16xf32, #tpu.memory_space<hbm>>) target(%dma_start3A_109 : memref<128x16xf32, #tpu.memory_space<vmem>>) offsets(%dma_start3A_112 : memref<128xi32, #tpu.memory_space<vmem>>) semaphore(%arg15 : memref<!tpu.dma_semaphore, #tpu.memory_space<semaphore_mem>>)
    %dma_start3A_116 = arith.constant 7 : i32
    %dma_start3A_117 = arith.constant 7 : i32
    %dma_start3A_118 = arith.constant 0 : i32
    %dma_start3A_119 = arith.constant 0 : i32
    %dma_start3A_120 = tpu.memref_slice %arg10[%dma_start3A_117, %dma_start3A_118, %dma_start3A_119] : memref<16x128x16xf32, #tpu.memory_space<vmem>> -> memref<1x128x16xf32, #tpu.memory_space<vmem>>
    %dma_start3A_121 = tpu.memref_squeeze %dma_start3A_120 : memref<1x128x16xf32, #tpu.memory_space<vmem>> -> memref<128x16xf32, #tpu.memory_space<vmem>>
    %dma_start3A_122 = arith.constant 0 : i32
    %dma_start3A_123 = tpu.memref_slice %arg8[%dma_start3A_116, %dma_start3A_122] : memref<79x128xi32, #tpu.memory_space<vmem>> -> memref<1x128xi32, #tpu.memory_space<vmem>>
    %dma_start3A_124 = tpu.memref_squeeze %dma_start3A_123 : memref<1x128xi32, #tpu.memory_space<vmem>> -> memref<128xi32, #tpu.memory_space<vmem>>
    %dma_start3A_125 = arith.constant 0 : i32
    %dma_start3A_126 = arith.constant 0 : i32
    %dma_start3A_127 = tpu.memref_slice %arg2[%dma_start3A_125, %dma_start3A_126] : memref<10240x16xf32, #tpu.memory_space<hbm>> -> memref<10240x16xf32, #tpu.memory_space<hbm>>
    tpu.enqueue_indirect_dma source(%dma_start3A_127 : memref<10240x16xf32, #tpu.memory_space<hbm>>) target(%dma_start3A_121 : memref<128x16xf32, #tpu.memory_space<vmem>>) offsets(%dma_start3A_124 : memref<128xi32, #tpu.memory_space<vmem>>) semaphore(%arg15 : memref<!tpu.dma_semaphore, #tpu.memory_space<semaphore_mem>>)
    %dma_start3A_128 = arith.constant 8 : i32
    %dma_start3A_129 = arith.constant 8 : i32
    %dma_start3A_130 = arith.constant 0 : i32
    %dma_start3A_131 = arith.constant 0 : i32
    %dma_start3A_132 = tpu.memref_slice %arg10[%dma_start3A_129, %dma_start3A_130, %dma_start3A_131] : memref<16x128x16xf32, #tpu.memory_space<vmem>> -> memref<1x128x16xf32, #tpu.memory_space<vmem>>
    %dma_start3A_133 = tpu.memref_squeeze %dma_start3A_132 : memref<1x128x16xf32, #tpu.memory_space<vmem>> -> memref<128x16xf32, #tpu.memory_space<vmem>>
    %dma_start3A_134 = arith.constant 0 : i32
    %dma_start3A_135 = tpu.memref_slice %arg8[%dma_start3A_128, %dma_start3A_134] : memref<79x128xi32, #tpu.memory_space<vmem>> -> memref<1x128xi32, #tpu.memory_space<vmem>>
    %dma_start3A_136 = tpu.memref_squeeze %dma_start3A_135 : memref<1x128xi32, #tpu.memory_space<vmem>> -> memref<128xi32, #tpu.memory_space<vmem>>
    %dma_start3A_137 = arith.constant 0 : i32
    %dma_start3A_138 = arith.constant 0 : i32
    %dma_start3A_139 = tpu.memref_slice %arg2[%dma_start3A_137, %dma_start3A_138] : memref<10240x16xf32, #tpu.memory_space<hbm>> -> memref<10240x16xf32, #tpu.memory_space<hbm>>
    tpu.enqueue_indirect_dma source(%dma_start3A_139 : memref<10240x16xf32, #tpu.memory_space<hbm>>) target(%dma_start3A_133 : memref<128x16xf32, #tpu.memory_space<vmem>>) offsets(%dma_start3A_136 : memref<128xi32, #tpu.memory_space<vmem>>) semaphore(%arg15 : memref<!tpu.dma_semaphore, #tpu.memory_space<semaphore_mem>>)
    %dma_start3A_140 = arith.constant 9 : i32
    %dma_start3A_141 = arith.constant 9 : i32
    %dma_start3A_142 = arith.constant 0 : i32
    %dma_start3A_143 = arith.constant 0 : i32
    %dma_start3A_144 = tpu.memref_slice %arg10[%dma_start3A_141, %dma_start3A_142, %dma_start3A_143] : memref<16x128x16xf32, #tpu.memory_space<vmem>> -> memref<1x128x16xf32, #tpu.memory_space<vmem>>
    %dma_start3A_145 = tpu.memref_squeeze %dma_start3A_144 : memref<1x128x16xf32, #tpu.memory_space<vmem>> -> memref<128x16xf32, #tpu.memory_space<vmem>>
    %dma_start3A_146 = arith.constant 0 : i32
    %dma_start3A_147 = tpu.memref_slice %arg8[%dma_start3A_140, %dma_start3A_146] : memref<79x128xi32, #tpu.memory_space<vmem>> -> memref<1x128xi32, #tpu.memory_space<vmem>>
    %dma_start3A_148 = tpu.memref_squeeze %dma_start3A_147 : memref<1x128xi32, #tpu.memory_space<vmem>> -> memref<128xi32, #tpu.memory_space<vmem>>
    %dma_start3A_149 = arith.constant 0 : i32
    %dma_start3A_150 = arith.constant 0 : i32
    %dma_start3A_151 = tpu.memref_slice %arg2[%dma_start3A_149, %dma_start3A_150] : memref<10240x16xf32, #tpu.memory_space<hbm>> -> memref<10240x16xf32, #tpu.memory_space<hbm>>
    tpu.enqueue_indirect_dma source(%dma_start3A_151 : memref<10240x16xf32, #tpu.memory_space<hbm>>) target(%dma_start3A_145 : memref<128x16xf32, #tpu.memory_space<vmem>>) offsets(%dma_start3A_148 : memref<128xi32, #tpu.memory_space<vmem>>) semaphore(%arg15 : memref<!tpu.dma_semaphore, #tpu.memory_space<semaphore_mem>>)
    %dma_start3A_152 = arith.constant 10 : i32
    %dma_start3A_153 = arith.constant 10 : i32
    %dma_start3A_154 = arith.constant 0 : i32
    %dma_start3A_155 = arith.constant 0 : i32
    %dma_start3A_156 = tpu.memref_slice %arg10[%dma_start3A_153, %dma_start3A_154, %dma_start3A_155] : memref<16x128x16xf32, #tpu.memory_space<vmem>> -> memref<1x128x16xf32, #tpu.memory_space<vmem>>
    %dma_start3A_157 = tpu.memref_squeeze %dma_start3A_156 : memref<1x128x16xf32, #tpu.memory_space<vmem>> -> memref<128x16xf32, #tpu.memory_space<vmem>>
    %dma_start3A_158 = arith.constant 0 : i32
    %dma_start3A_159 = tpu.memref_slice %arg8[%dma_start3A_152, %dma_start3A_158] : memref<79x128xi32, #tpu.memory_space<vmem>> -> memref<1x128xi32, #tpu.memory_space<vmem>>
    %dma_start3A_160 = tpu.memref_squeeze %dma_start3A_159 : memref<1x128xi32, #tpu.memory_space<vmem>> -> memref<128xi32, #tpu.memory_space<vmem>>
    %dma_start3A_161 = arith.constant 0 : i32
    %dma_start3A_162 = arith.constant 0 : i32
    %dma_start3A_163 = tpu.memref_slice %arg2[%dma_start3A_161, %dma_start3A_162] : memref<10240x16xf32, #tpu.memory_space<hbm>> -> memref<10240x16xf32, #tpu.memory_space<hbm>>
    tpu.enqueue_indirect_dma source(%dma_start3A_163 : memref<10240x16xf32, #tpu.memory_space<hbm>>) target(%dma_start3A_157 : memref<128x16xf32, #tpu.memory_space<vmem>>) offsets(%dma_start3A_160 : memref<128xi32, #tpu.memory_space<vmem>>) semaphore(%arg15 : memref<!tpu.dma_semaphore, #tpu.memory_space<semaphore_mem>>)
    %dma_start3A_164 = arith.constant 11 : i32
    %dma_start3A_165 = arith.constant 11 : i32
    %dma_start3A_166 = arith.constant 0 : i32
    %dma_start3A_167 = arith.constant 0 : i32
    %dma_start3A_168 = tpu.memref_slice %arg10[%dma_start3A_165, %dma_start3A_166, %dma_start3A_167] : memref<16x128x16xf32, #tpu.memory_space<vmem>> -> memref<1x128x16xf32, #tpu.memory_space<vmem>>
    %dma_start3A_169 = tpu.memref_squeeze %dma_start3A_168 : memref<1x128x16xf32, #tpu.memory_space<vmem>> -> memref<128x16xf32, #tpu.memory_space<vmem>>
    %dma_start3A_170 = arith.constant 0 : i32
    %dma_start3A_171 = tpu.memref_slice %arg8[%dma_start3A_164, %dma_start3A_170] : memref<79x128xi32, #tpu.memory_space<vmem>> -> memref<1x128xi32, #tpu.memory_space<vmem>>
    %dma_start3A_172 = tpu.memref_squeeze %dma_start3A_171 : memref<1x128xi32, #tpu.memory_space<vmem>> -> memref<128xi32, #tpu.memory_space<vmem>>
    %dma_start3A_173 = arith.constant 0 : i32
    %dma_start3A_174 = arith.constant 0 : i32
    %dma_start3A_175 = tpu.memref_slice %arg2[%dma_start3A_173, %dma_start3A_174] : memref<10240x16xf32, #tpu.memory_space<hbm>> -> memref<10240x16xf32, #tpu.memory_space<hbm>>
    tpu.enqueue_indirect_dma source(%dma_start3A_175 : memref<10240x16xf32, #tpu.memory_space<hbm>>) target(%dma_start3A_169 : memref<128x16xf32, #tpu.memory_space<vmem>>) offsets(%dma_start3A_172 : memref<128xi32, #tpu.memory_space<vmem>>) semaphore(%arg15 : memref<!tpu.dma_semaphore, #tpu.memory_space<semaphore_mem>>)
    %dma_start3A_176 = arith.constant 12 : i32
    %dma_start3A_177 = arith.constant 12 : i32
    %dma_start3A_178 = arith.constant 0 : i32
    %dma_start3A_179 = arith.constant 0 : i32
    %dma_start3A_180 = tpu.memref_slice %arg10[%dma_start3A_177, %dma_start3A_178, %dma_start3A_179] : memref<16x128x16xf32, #tpu.memory_space<vmem>> -> memref<1x128x16xf32, #tpu.memory_space<vmem>>
    %dma_start3A_181 = tpu.memref_squeeze %dma_start3A_180 : memref<1x128x16xf32, #tpu.memory_space<vmem>> -> memref<128x16xf32, #tpu.memory_space<vmem>>
    %dma_start3A_182 = arith.constant 0 : i32
    %dma_start3A_183 = tpu.memref_slice %arg8[%dma_start3A_176, %dma_start3A_182] : memref<79x128xi32, #tpu.memory_space<vmem>> -> memref<1x128xi32, #tpu.memory_space<vmem>>
    %dma_start3A_184 = tpu.memref_squeeze %dma_start3A_183 : memref<1x128xi32, #tpu.memory_space<vmem>> -> memref<128xi32, #tpu.memory_space<vmem>>
    %dma_start3A_185 = arith.constant 0 : i32
    %dma_start3A_186 = arith.constant 0 : i32
    %dma_start3A_187 = tpu.memref_slice %arg2[%dma_start3A_185, %dma_start3A_186] : memref<10240x16xf32, #tpu.memory_space<hbm>> -> memref<10240x16xf32, #tpu.memory_space<hbm>>
    tpu.enqueue_indirect_dma source(%dma_start3A_187 : memref<10240x16xf32, #tpu.memory_space<hbm>>) target(%dma_start3A_181 : memref<128x16xf32, #tpu.memory_space<vmem>>) offsets(%dma_start3A_184 : memref<128xi32, #tpu.memory_space<vmem>>) semaphore(%arg15 : memref<!tpu.dma_semaphore, #tpu.memory_space<semaphore_mem>>)
    %dma_start3A_188 = arith.constant 13 : i32
    %dma_start3A_189 = arith.constant 13 : i32
    %dma_start3A_190 = arith.constant 0 : i32
    %dma_start3A_191 = arith.constant 0 : i32
    %dma_start3A_192 = tpu.memref_slice %arg10[%dma_start3A_189, %dma_start3A_190, %dma_start3A_191] : memref<16x128x16xf32, #tpu.memory_space<vmem>> -> memref<1x128x16xf32, #tpu.memory_space<vmem>>
    %dma_start3A_193 = tpu.memref_squeeze %dma_start3A_192 : memref<1x128x16xf32, #tpu.memory_space<vmem>> -> memref<128x16xf32, #tpu.memory_space<vmem>>
    %dma_start3A_194 = arith.constant 0 : i32
    %dma_start3A_195 = tpu.memref_slice %arg8[%dma_start3A_188, %dma_start3A_194] : memref<79x128xi32, #tpu.memory_space<vmem>> -> memref<1x128xi32, #tpu.memory_space<vmem>>
    %dma_start3A_196 = tpu.memref_squeeze %dma_start3A_195 : memref<1x128xi32, #tpu.memory_space<vmem>> -> memref<128xi32, #tpu.memory_space<vmem>>
    %dma_start3A_197 = arith.constant 0 : i32
    %dma_start3A_198 = arith.constant 0 : i32
    %dma_start3A_199 = tpu.memref_slice %arg2[%dma_start3A_197, %dma_start3A_198] : memref<10240x16xf32, #tpu.memory_space<hbm>> -> memref<10240x16xf32, #tpu.memory_space<hbm>>
    tpu.enqueue_indirect_dma source(%dma_start3A_199 : memref<10240x16xf32, #tpu.memory_space<hbm>>) target(%dma_start3A_193 : memref<128x16xf32, #tpu.memory_space<vmem>>) offsets(%dma_start3A_196 : memref<128xi32, #tpu.memory_space<vmem>>) semaphore(%arg15 : memref<!tpu.dma_semaphore, #tpu.memory_space<semaphore_mem>>)
    %dma_start3A_200 = arith.constant 14 : i32
    %dma_start3A_201 = arith.constant 14 : i32
    %dma_start3A_202 = arith.constant 0 : i32
    %dma_start3A_203 = arith.constant 0 : i32
    %dma_start3A_204 = tpu.memref_slice %arg10[%dma_start3A_201, %dma_start3A_202, %dma_start3A_203] : memref<16x128x16xf32, #tpu.memory_space<vmem>> -> memref<1x128x16xf32, #tpu.memory_space<vmem>>
    %dma_start3A_205 = tpu.memref_squeeze %dma_start3A_204 : memref<1x128x16xf32, #tpu.memory_space<vmem>> -> memref<128x16xf32, #tpu.memory_space<vmem>>
    %dma_start3A_206 = arith.constant 0 : i32
    %dma_start3A_207 = tpu.memref_slice %arg8[%dma_start3A_200, %dma_start3A_206] : memref<79x128xi32, #tpu.memory_space<vmem>> -> memref<1x128xi32, #tpu.memory_space<vmem>>
    %dma_start3A_208 = tpu.memref_squeeze %dma_start3A_207 : memref<1x128xi32, #tpu.memory_space<vmem>> -> memref<128xi32, #tpu.memory_space<vmem>>
    %dma_start3A_209 = arith.constant 0 : i32
    %dma_start3A_210 = arith.constant 0 : i32
    %dma_start3A_211 = tpu.memref_slice %arg2[%dma_start3A_209, %dma_start3A_210] : memref<10240x16xf32, #tpu.memory_space<hbm>> -> memref<10240x16xf32, #tpu.memory_space<hbm>>
    tpu.enqueue_indirect_dma source(%dma_start3A_211 : memref<10240x16xf32, #tpu.memory_space<hbm>>) target(%dma_start3A_205 : memref<128x16xf32, #tpu.memory_space<vmem>>) offsets(%dma_start3A_208 : memref<128xi32, #tpu.memory_space<vmem>>) semaphore(%arg15 : memref<!tpu.dma_semaphore, #tpu.memory_space<semaphore_mem>>)
    %dma_start3A_212 = arith.constant 15 : i32
    %dma_start3A_213 = arith.constant 15 : i32
    %dma_start3A_214 = arith.constant 0 : i32
    %dma_start3A_215 = arith.constant 0 : i32
    %dma_start3A_216 = tpu.memref_slice %arg10[%dma_start3A_213, %dma_start3A_214, %dma_start3A_215] : memref<16x128x16xf32, #tpu.memory_space<vmem>> -> memref<1x128x16xf32, #tpu.memory_space<vmem>>
    %dma_start3A_217 = tpu.memref_squeeze %dma_start3A_216 : memref<1x128x16xf32, #tpu.memory_space<vmem>> -> memref<128x16xf32, #tpu.memory_space<vmem>>
    %dma_start3A_218 = arith.constant 0 : i32
    %dma_start3A_219 = tpu.memref_slice %arg8[%dma_start3A_212, %dma_start3A_218] : memref<79x128xi32, #tpu.memory_space<vmem>> -> memref<1x128xi32, #tpu.memory_space<vmem>>
    %dma_start3A_220 = tpu.memref_squeeze %dma_start3A_219 : memref<1x128xi32, #tpu.memory_space<vmem>> -> memref<128xi32, #tpu.memory_space<vmem>>
    %dma_start3A_221 = arith.constant 0 : i32
    %dma_start3A_222 = arith.constant 0 : i32
    %dma_start3A_223 = tpu.memref_slice %arg2[%dma_start3A_221, %dma_start3A_222] : memref<10240x16xf32, #tpu.memory_space<hbm>> -> memref<10240x16xf32, #tpu.memory_space<hbm>>
    tpu.enqueue_indirect_dma source(%dma_start3A_223 : memref<10240x16xf32, #tpu.memory_space<hbm>>) target(%dma_start3A_217 : memref<128x16xf32, #tpu.memory_space<vmem>>) offsets(%dma_start3A_220 : memref<128xi32, #tpu.memory_space<vmem>>) semaphore(%arg15 : memref<!tpu.dma_semaphore, #tpu.memory_space<semaphore_mem>>)
    %while3A = arith.constant 0 : i32
    %while3A_224 = arith.constant 0 : i32
    %while3A_225 = arith.subi %add3A_4, %while3A : i32
    %while3A_226 = arith.addi %while3A, %while3A_225 : i32
    %while3A_227 = arith.constant 1 : i32
    %while3A_228 = arith.divsi %while3A_225, %while3A_227 : i32
    %while3A_229 = arith.muli %while3A_228, %while3A_227 : i32
    %while3A_230 = arith.addi %while3A, %while3A_229 : i32
    %while3A_231 = arith.constant 1 : i32
    %while3A_232 = scf.for %while3A_245 = %while3A to %while3A_230 step %while3A_231 iter_args(%while3A_246 = %while3A_224) -> (i32)  : i32 {
      %rem3A = arith.constant 16 : i32
      %rem3A_247 = arith.remsi %while3A_245, %rem3A : i32
      %dma_wait3A = arith.constant 0 : i32
      %dma_wait3A_248 = arith.constant 0 : i32
      %dma_wait3A_249 = tpu.memref_slice %arg10[%rem3A_247, %dma_wait3A, %dma_wait3A_248] : memref<16x128x16xf32, #tpu.memory_space<vmem>> -> memref<1x128x16xf32, #tpu.memory_space<vmem>>
      %dma_wait3A_250 = tpu.memref_squeeze %dma_wait3A_249 : memref<1x128x16xf32, #tpu.memory_space<vmem>> -> memref<128x16xf32, #tpu.memory_space<vmem>>
      %dma_wait3A_251 = arith.constant 0 : i32
      %dma_wait3A_252 = tpu.memref_slice %arg8[%while3A_245, %dma_wait3A_251] : memref<79x128xi32, #tpu.memory_space<vmem>> -> memref<1x128xi32, #tpu.memory_space<vmem>>
      %dma_wait3A_253 = tpu.memref_squeeze %dma_wait3A_252 : memref<1x128xi32, #tpu.memory_space<vmem>> -> memref<128xi32, #tpu.memory_space<vmem>>
      %dma_wait3A_254 = arith.constant 0 : i32
      %dma_wait3A_255 = arith.constant 0 : i32
      %dma_wait3A_256 = tpu.memref_slice %arg2[%dma_wait3A_254, %dma_wait3A_255] : memref<10240x16xf32, #tpu.memory_space<hbm>> -> memref<10240x16xf32, #tpu.memory_space<hbm>>
      tpu.wait_indirect_dma semaphore(%arg15 : memref<!tpu.dma_semaphore, #tpu.memory_space<semaphore_mem>>) src(%dma_wait3A_256 : memref<10240x16xf32, #tpu.memory_space<hbm>>) dst(%dma_wait3A_250 : memref<128x16xf32, #tpu.memory_space<vmem>>)
      %dma_start3A_257 = arith.constant 0 : i32
      %dma_start3A_258 = tpu.memref_slice %arg9[%while3A_245, %dma_start3A_257] : memref<79x128xi32, #tpu.memory_space<vmem>> -> memref<1x128xi32, #tpu.memory_space<vmem>>
      %dma_start3A_259 = tpu.memref_squeeze %dma_start3A_258 : memref<1x128xi32, #tpu.memory_space<vmem>> -> memref<128xi32, #tpu.memory_space<vmem>>
      %dma_start3A_260 = arith.constant 0 : i32
      %dma_start3A_261 = arith.constant 0 : i32
      %dma_start3A_262 = tpu.memref_slice %arg14[%dma_start3A_260, %dma_start3A_261] : memref<10240x16xf32, #tpu.memory_space<vmem_shared>> -> memref<10240x16xf32, #tpu.memory_space<vmem_shared>>
      tpu.enqueue_indirect_dma source(%arg11 : memref<128x16xf32, #tpu.memory_space<vmem>>) target(%dma_start3A_262 : memref<10240x16xf32, #tpu.memory_space<vmem_shared>>) offsets(%dma_start3A_259 : memref<128xi32, #tpu.memory_space<vmem>>) semaphore(%arg16 : memref<!tpu.dma_semaphore, #tpu.memory_space<semaphore_mem>>) {add = true}
      "tpu.region"() ({
        %run_scoped3A_276 = tpu.sem_alloc : memref<!tpu.dma_semaphore, #tpu.memory_space<semaphore_mem>>
        %dma_start3A_277 = arith.constant 0 : i32
        %dma_start3A_278 = arith.constant 0 : i32
        %dma_start3A_279 = tpu.memref_slice %arg10[%rem3A_247, %dma_start3A_277, %dma_start3A_278] : memref<16x128x16xf32, #tpu.memory_space<vmem>> -> memref<1x128x16xf32, #tpu.memory_space<vmem>>
        %dma_start3A_280 = tpu.memref_squeeze %dma_start3A_279 : memref<1x128x16xf32, #tpu.memory_space<vmem>> -> memref<128x16xf32, #tpu.memory_space<vmem>>
        %dma_start3A_281 = arith.constant 0 : i32
        %dma_start3A_282 = tpu.memref_slice %arg9[%while3A_245, %dma_start3A_281] : memref<79x128xi32, #tpu.memory_space<vmem>> -> memref<1x128xi32, #tpu.memory_space<vmem>>
        %dma_start3A_283 = tpu.memref_squeeze %dma_start3A_282 : memref<1x128xi32, #tpu.memory_space<vmem>> -> memref<128xi32, #tpu.memory_space<vmem>>
        %dma_start3A_284 = arith.constant 0 : i32
        %dma_start3A_285 = arith.constant 0 : i32
        %dma_start3A_286 = tpu.memref_slice %arg13[%dma_start3A_284, %dma_start3A_285] : memref<10240x16xf32, #tpu.memory_space<vmem_shared>> -> memref<10240x16xf32, #tpu.memory_space<vmem_shared>>
        tpu.enqueue_indirect_dma source(%dma_start3A_280 : memref<128x16xf32, #tpu.memory_space<vmem>>) target(%dma_start3A_286 : memref<10240x16xf32, #tpu.memory_space<vmem_shared>>) offsets(%dma_start3A_283 : memref<128xi32, #tpu.memory_space<vmem>>) semaphore(%run_scoped3A_276 : memref<!tpu.dma_semaphore, #tpu.memory_space<semaphore_mem>>) {add = true}
        %dma_wait3A_287 = arith.constant 0 : i32
        %dma_wait3A_288 = arith.constant 0 : i32
        %dma_wait3A_289 = tpu.memref_slice %arg10[%rem3A_247, %dma_wait3A_287, %dma_wait3A_288] : memref<16x128x16xf32, #tpu.memory_space<vmem>> -> memref<1x128x16xf32, #tpu.memory_space<vmem>>
        %dma_wait3A_290 = tpu.memref_squeeze %dma_wait3A_289 : memref<1x128x16xf32, #tpu.memory_space<vmem>> -> memref<128x16xf32, #tpu.memory_space<vmem>>
        %dma_wait3A_291 = arith.constant 0 : i32
        %dma_wait3A_292 = tpu.memref_slice %arg9[%while3A_245, %dma_wait3A_291] : memref<79x128xi32, #tpu.memory_space<vmem>> -> memref<1x128xi32, #tpu.memory_space<vmem>>
        %dma_wait3A_293 = tpu.memref_squeeze %dma_wait3A_292 : memref<1x128xi32, #tpu.memory_space<vmem>> -> memref<128xi32, #tpu.memory_space<vmem>>
        %dma_wait3A_294 = arith.constant 0 : i32
        %dma_wait3A_295 = arith.constant 0 : i32
        %dma_wait3A_296 = tpu.memref_slice %arg13[%dma_wait3A_294, %dma_wait3A_295] : memref<10240x16xf32, #tpu.memory_space<vmem_shared>> -> memref<10240x16xf32, #tpu.memory_space<vmem_shared>>
        tpu.wait_indirect_dma semaphore(%run_scoped3A_276 : memref<!tpu.dma_semaphore, #tpu.memory_space<semaphore_mem>>) src(%dma_wait3A_290 : memref<128x16xf32, #tpu.memory_space<vmem>>) dst(%dma_wait3A_296 : memref<10240x16xf32, #tpu.memory_space<vmem_shared>>)
        tpu.yield
      }) : () -> ()
      %add3A_263 = arith.constant 16 : i32
      %add3A_264 = arith.addi %while3A_245, %add3A_263 : i32
      %lt3A_265 = arith.cmpi slt, %add3A_264, %add3A_4 : i32
      %convert_element_type3A_266 = arith.extui %lt3A_265 : i1 to i32
      %cond3A_267 = arith.constant 0 : i32
      %cond3A_268 = arith.cmpi ne, %convert_element_type3A_266, %cond3A_267 : i32
      scf.if %cond3A_268 {
        %add3A_276 = arith.constant 16 : i32
        %add3A_277 = arith.addi %while3A_245, %add3A_276 : i32
        %dma_start3A_278 = arith.constant 0 : i32
        %dma_start3A_279 = arith.constant 0 : i32
        %dma_start3A_280 = tpu.memref_slice %arg10[%rem3A_247, %dma_start3A_278, %dma_start3A_279] : memref<16x128x16xf32, #tpu.memory_space<vmem>> -> memref<1x128x16xf32, #tpu.memory_space<vmem>>
        %dma_start3A_281 = tpu.memref_squeeze %dma_start3A_280 : memref<1x128x16xf32, #tpu.memory_space<vmem>> -> memref<128x16xf32, #tpu.memory_space<vmem>>
        %dma_start3A_282 = arith.constant 0 : i32
        %dma_start3A_283 = tpu.memref_slice %arg8[%add3A_277, %dma_start3A_282] : memref<79x128xi32, #tpu.memory_space<vmem>> -> memref<1x128xi32, #tpu.memory_space<vmem>>
        %dma_start3A_284 = tpu.memref_squeeze %dma_start3A_283 : memref<1x128xi32, #tpu.memory_space<vmem>> -> memref<128xi32, #tpu.memory_space<vmem>>
        %dma_start3A_285 = arith.constant 0 : i32
        %dma_start3A_286 = arith.constant 0 : i32
        %dma_start3A_287 = tpu.memref_slice %arg2[%dma_start3A_285, %dma_start3A_286] : memref<10240x16xf32, #tpu.memory_space<hbm>> -> memref<10240x16xf32, #tpu.memory_space<hbm>>
        tpu.enqueue_indirect_dma source(%dma_start3A_287 : memref<10240x16xf32, #tpu.memory_space<hbm>>) target(%dma_start3A_281 : memref<128x16xf32, #tpu.memory_space<vmem>>) offsets(%dma_start3A_284 : memref<128xi32, #tpu.memory_space<vmem>>) semaphore(%arg15 : memref<!tpu.dma_semaphore, #tpu.memory_space<semaphore_mem>>)
      } else {
      }
      %dma_wait3A_269 = arith.constant 0 : i32
      %dma_wait3A_270 = tpu.memref_slice %arg9[%while3A_245, %dma_wait3A_269] : memref<79x128xi32, #tpu.memory_space<vmem>> -> memref<1x128xi32, #tpu.memory_space<vmem>>
      %dma_wait3A_271 = tpu.memref_squeeze %dma_wait3A_270 : memref<1x128xi32, #tpu.memory_space<vmem>> -> memref<128xi32, #tpu.memory_space<vmem>>
      %dma_wait3A_272 = arith.constant 0 : i32
      %dma_wait3A_273 = arith.constant 0 : i32
      %dma_wait3A_274 = tpu.memref_slice %arg14[%dma_wait3A_272, %dma_wait3A_273] : memref<10240x16xf32, #tpu.memory_space<vmem_shared>> -> memref<10240x16xf32, #tpu.memory_space<vmem_shared>>
      tpu.wait_indirect_dma semaphore(%arg16 : memref<!tpu.dma_semaphore, #tpu.memory_space<semaphore_mem>>) src(%arg11 : memref<128x16xf32, #tpu.memory_space<vmem>>) dst(%dma_wait3A_274 : memref<10240x16xf32, #tpu.memory_space<vmem_shared>>)
      %while3A_275 = arith.constant 0 : i32
      scf.yield %while3A_275 : i32
    }
    %while3A_233 = arith.constant 1 : i32
    %while3A_234 = scf.for %while3A_245 = %while3A_230 to %while3A_226 step %while3A_233 iter_args(%while3A_246 = %while3A_232) -> (i32)  : i32 {
      %rem3A = arith.constant 16 : i32
      %rem3A_247 = arith.remsi %while3A_245, %rem3A : i32
      %dma_wait3A = arith.constant 0 : i32
      %dma_wait3A_248 = arith.constant 0 : i32
      %dma_wait3A_249 = tpu.memref_slice %arg10[%rem3A_247, %dma_wait3A, %dma_wait3A_248] : memref<16x128x16xf32, #tpu.memory_space<vmem>> -> memref<1x128x16xf32, #tpu.memory_space<vmem>>
      %dma_wait3A_250 = tpu.memref_squeeze %dma_wait3A_249 : memref<1x128x16xf32, #tpu.memory_space<vmem>> -> memref<128x16xf32, #tpu.memory_space<vmem>>
      %dma_wait3A_251 = arith.constant 0 : i32
      %dma_wait3A_252 = tpu.memref_slice %arg8[%while3A_245, %dma_wait3A_251] : memref<79x128xi32, #tpu.memory_space<vmem>> -> memref<1x128xi32, #tpu.memory_space<vmem>>
      %dma_wait3A_253 = tpu.memref_squeeze %dma_wait3A_252 : memref<1x128xi32, #tpu.memory_space<vmem>> -> memref<128xi32, #tpu.memory_space<vmem>>
      %dma_wait3A_254 = arith.constant 0 : i32
      %dma_wait3A_255 = arith.constant 0 : i32
      %dma_wait3A_256 = tpu.memref_slice %arg2[%dma_wait3A_254, %dma_wait3A_255] : memref<10240x16xf32, #tpu.memory_space<hbm>> -> memref<10240x16xf32, #tpu.memory_space<hbm>>
      tpu.wait_indirect_dma semaphore(%arg15 : memref<!tpu.dma_semaphore, #tpu.memory_space<semaphore_mem>>) src(%dma_wait3A_256 : memref<10240x16xf32, #tpu.memory_space<hbm>>) dst(%dma_wait3A_250 : memref<128x16xf32, #tpu.memory_space<vmem>>)
      %dma_start3A_257 = arith.constant 0 : i32
      %dma_start3A_258 = tpu.memref_slice %arg9[%while3A_245, %dma_start3A_257] : memref<79x128xi32, #tpu.memory_space<vmem>> -> memref<1x128xi32, #tpu.memory_space<vmem>>
      %dma_start3A_259 = tpu.memref_squeeze %dma_start3A_258 : memref<1x128xi32, #tpu.memory_space<vmem>> -> memref<128xi32, #tpu.memory_space<vmem>>
      %dma_start3A_260 = arith.constant 0 : i32
      %dma_start3A_261 = arith.constant 0 : i32
      %dma_start3A_262 = tpu.memref_slice %arg14[%dma_start3A_260, %dma_start3A_261] : memref<10240x16xf32, #tpu.memory_space<vmem_shared>> -> memref<10240x16xf32, #tpu.memory_space<vmem_shared>>
      tpu.enqueue_indirect_dma source(%arg11 : memref<128x16xf32, #tpu.memory_space<vmem>>) target(%dma_start3A_262 : memref<10240x16xf32, #tpu.memory_space<vmem_shared>>) offsets(%dma_start3A_259 : memref<128xi32, #tpu.memory_space<vmem>>) semaphore(%arg16 : memref<!tpu.dma_semaphore, #tpu.memory_space<semaphore_mem>>) {add = true}
      "tpu.region"() ({
        %run_scoped3A_276 = tpu.sem_alloc : memref<!tpu.dma_semaphore, #tpu.memory_space<semaphore_mem>>
        %dma_start3A_277 = arith.constant 0 : i32
        %dma_start3A_278 = arith.constant 0 : i32
        %dma_start3A_279 = tpu.memref_slice %arg10[%rem3A_247, %dma_start3A_277, %dma_start3A_278] : memref<16x128x16xf32, #tpu.memory_space<vmem>> -> memref<1x128x16xf32, #tpu.memory_space<vmem>>
        %dma_start3A_280 = tpu.memref_squeeze %dma_start3A_279 : memref<1x128x16xf32, #tpu.memory_space<vmem>> -> memref<128x16xf32, #tpu.memory_space<vmem>>
        %dma_start3A_281 = arith.constant 0 : i32
        %dma_start3A_282 = tpu.memref_slice %arg9[%while3A_245, %dma_start3A_281] : memref<79x128xi32, #tpu.memory_space<vmem>> -> memref<1x128xi32, #tpu.memory_space<vmem>>
        %dma_start3A_283 = tpu.memref_squeeze %dma_start3A_282 : memref<1x128xi32, #tpu.memory_space<vmem>> -> memref<128xi32, #tpu.memory_space<vmem>>
        %dma_start3A_284 = arith.constant 0 : i32
        %dma_start3A_285 = arith.constant 0 : i32
        %dma_start3A_286 = tpu.memref_slice %arg13[%dma_start3A_284, %dma_start3A_285] : memref<10240x16xf32, #tpu.memory_space<vmem_shared>> -> memref<10240x16xf32, #tpu.memory_space<vmem_shared>>
        tpu.enqueue_indirect_dma source(%dma_start3A_280 : memref<128x16xf32, #tpu.memory_space<vmem>>) target(%dma_start3A_286 : memref<10240x16xf32, #tpu.memory_space<vmem_shared>>) offsets(%dma_start3A_283 : memref<128xi32, #tpu.memory_space<vmem>>) semaphore(%run_scoped3A_276 : memref<!tpu.dma_semaphore, #tpu.memory_space<semaphore_mem>>) {add = true}
        %dma_wait3A_287 = arith.constant 0 : i32
        %dma_wait3A_288 = arith.constant 0 : i32
        %dma_wait3A_289 = tpu.memref_slice %arg10[%rem3A_247, %dma_wait3A_287, %dma_wait3A_288] : memref<16x128x16xf32, #tpu.memory_space<vmem>> -> memref<1x128x16xf32, #tpu.memory_space<vmem>>
        %dma_wait3A_290 = tpu.memref_squeeze %dma_wait3A_289 : memref<1x128x16xf32, #tpu.memory_space<vmem>> -> memref<128x16xf32, #tpu.memory_space<vmem>>
        %dma_wait3A_291 = arith.constant 0 : i32
        %dma_wait3A_292 = tpu.memref_slice %arg9[%while3A_245, %dma_wait3A_291] : memref<79x128xi32, #tpu.memory_space<vmem>> -> memref<1x128xi32, #tpu.memory_space<vmem>>
        %dma_wait3A_293 = tpu.memref_squeeze %dma_wait3A_292 : memref<1x128xi32, #tpu.memory_space<vmem>> -> memref<128xi32, #tpu.memory_space<vmem>>
        %dma_wait3A_294 = arith.constant 0 : i32
        %dma_wait3A_295 = arith.constant 0 : i32
        %dma_wait3A_296 = tpu.memref_slice %arg13[%dma_wait3A_294, %dma_wait3A_295] : memref<10240x16xf32, #tpu.memory_space<vmem_shared>> -> memref<10240x16xf32, #tpu.memory_space<vmem_shared>>
        tpu.wait_indirect_dma semaphore(%run_scoped3A_276 : memref<!tpu.dma_semaphore, #tpu.memory_space<semaphore_mem>>) src(%dma_wait3A_290 : memref<128x16xf32, #tpu.memory_space<vmem>>) dst(%dma_wait3A_296 : memref<10240x16xf32, #tpu.memory_space<vmem_shared>>)
        tpu.yield
      }) : () -> ()
      %add3A_263 = arith.constant 16 : i32
      %add3A_264 = arith.addi %while3A_245, %add3A_263 : i32
      %lt3A_265 = arith.cmpi slt, %add3A_264, %add3A_4 : i32
      %convert_element_type3A_266 = arith.extui %lt3A_265 : i1 to i32
      %cond3A_267 = arith.constant 0 : i32
      %cond3A_268 = arith.cmpi ne, %convert_element_type3A_266, %cond3A_267 : i32
      scf.if %cond3A_268 {
        %add3A_276 = arith.constant 16 : i32
        %add3A_277 = arith.addi %while3A_245, %add3A_276 : i32
        %dma_start3A_278 = arith.constant 0 : i32
        %dma_start3A_279 = arith.constant 0 : i32
        %dma_start3A_280 = tpu.memref_slice %arg10[%rem3A_247, %dma_start3A_278, %dma_start3A_279] : memref<16x128x16xf32, #tpu.memory_space<vmem>> -> memref<1x128x16xf32, #tpu.memory_space<vmem>>
        %dma_start3A_281 = tpu.memref_squeeze %dma_start3A_280 : memref<1x128x16xf32, #tpu.memory_space<vmem>> -> memref<128x16xf32, #tpu.memory_space<vmem>>
        %dma_start3A_282 = arith.constant 0 : i32
        %dma_start3A_283 = tpu.memref_slice %arg8[%add3A_277, %dma_start3A_282] : memref<79x128xi32, #tpu.memory_space<vmem>> -> memref<1x128xi32, #tpu.memory_space<vmem>>
        %dma_start3A_284 = tpu.memref_squeeze %dma_start3A_283 : memref<1x128xi32, #tpu.memory_space<vmem>> -> memref<128xi32, #tpu.memory_space<vmem>>
        %dma_start3A_285 = arith.constant 0 : i32
        %dma_start3A_286 = arith.constant 0 : i32
        %dma_start3A_287 = tpu.memref_slice %arg2[%dma_start3A_285, %dma_start3A_286] : memref<10240x16xf32, #tpu.memory_space<hbm>> -> memref<10240x16xf32, #tpu.memory_space<hbm>>
        tpu.enqueue_indirect_dma source(%dma_start3A_287 : memref<10240x16xf32, #tpu.memory_space<hbm>>) target(%dma_start3A_281 : memref<128x16xf32, #tpu.memory_space<vmem>>) offsets(%dma_start3A_284 : memref<128xi32, #tpu.memory_space<vmem>>) semaphore(%arg15 : memref<!tpu.dma_semaphore, #tpu.memory_space<semaphore_mem>>)
      } else {
      }
      %dma_wait3A_269 = arith.constant 0 : i32
      %dma_wait3A_270 = tpu.memref_slice %arg9[%while3A_245, %dma_wait3A_269] : memref<79x128xi32, #tpu.memory_space<vmem>> -> memref<1x128xi32, #tpu.memory_space<vmem>>
      %dma_wait3A_271 = tpu.memref_squeeze %dma_wait3A_270 : memref<1x128xi32, #tpu.memory_space<vmem>> -> memref<128xi32, #tpu.memory_space<vmem>>
      %dma_wait3A_272 = arith.constant 0 : i32
      %dma_wait3A_273 = arith.constant 0 : i32
      %dma_wait3A_274 = tpu.memref_slice %arg14[%dma_wait3A_272, %dma_wait3A_273] : memref<10240x16xf32, #tpu.memory_space<vmem_shared>> -> memref<10240x16xf32, #tpu.memory_space<vmem_shared>>
      tpu.wait_indirect_dma semaphore(%arg16 : memref<!tpu.dma_semaphore, #tpu.memory_space<semaphore_mem>>) src(%arg11 : memref<128x16xf32, #tpu.memory_space<vmem>>) dst(%dma_wait3A_274 : memref<10240x16xf32, #tpu.memory_space<vmem_shared>>)
      %while3A_275 = arith.constant 0 : i32
      scf.yield %while3A_275 : i32
    }
    %barrier3A_235 = arith.constant 0 : index
    tpu.barrier barrier_id(%barrier3A_235)
    %eq3A = arith.constant 0 : i32
    %eq3A_236 = arith.cmpi eq, %arg0, %eq3A : i32
    %convert_element_type3A_237 = arith.extui %eq3A_236 : i1 to i32
    %cond3A_238 = arith.constant 0 : i32
    %cond3A_239 = arith.cmpi ne, %convert_element_type3A_237, %cond3A_238 : i32
    scf.if %cond3A_239 {
      "tpu.region"() ({
        %run_scoped3A_245 = tpu.sem_alloc : memref<!tpu.dma_semaphore, #tpu.memory_space<semaphore_mem>>
        %dma_start3A_246 = arith.constant 0 : i32
        %dma_start3A_247 = tpu.memref_slice %arg4[%multiple_of3A, %dma_start3A_246] : memref<10240x16xf32, #tpu.memory_space<hbm>> -> memref<640x16xf32, #tpu.memory_space<hbm>>
        %dma_start3A_248 = arith.constant 0 : i32
        %dma_start3A_249 = tpu.memref_slice %arg13[%multiple_of3A, %dma_start3A_248] : memref<10240x16xf32, #tpu.memory_space<vmem_shared>> -> memref<640x16xf32, #tpu.memory_space<vmem_shared>>
        tpu.enqueue_dma source(%dma_start3A_249 : memref<640x16xf32, #tpu.memory_space<vmem_shared>>) target(%dma_start3A_247 : memref<640x16xf32, #tpu.memory_space<hbm>>) target_semaphore(%run_scoped3A_245 : memref<!tpu.dma_semaphore, #tpu.memory_space<semaphore_mem>>)
        %dma_wait3A = arith.constant 0 : i32
        %dma_wait3A_250 = tpu.memref_slice %arg4[%multiple_of3A, %dma_wait3A] : memref<10240x16xf32, #tpu.memory_space<hbm>> -> memref<640x16xf32, #tpu.memory_space<hbm>>
        %dma_wait3A_251 = arith.constant 0 : i32
        %dma_wait3A_252 = tpu.memref_slice %arg13[%multiple_of3A, %dma_wait3A_251] : memref<10240x16xf32, #tpu.memory_space<vmem_shared>> -> memref<640x16xf32, #tpu.memory_space<vmem_shared>>
        tpu.wait_dma2 semaphore(%run_scoped3A_245 : memref<!tpu.dma_semaphore, #tpu.memory_space<semaphore_mem>>) src(%dma_wait3A_252 : memref<640x16xf32, #tpu.memory_space<vmem_shared>>) dst(%dma_wait3A_250 : memref<640x16xf32, #tpu.memory_space<hbm>>)
        tpu.yield
      }) : () -> ()
      "tpu.region"() ({
        %run_scoped3A_245 = tpu.sem_alloc : memref<!tpu.dma_semaphore, #tpu.memory_space<semaphore_mem>>
        %dma_start3A_246 = arith.constant 0 : i32
        %dma_start3A_247 = tpu.memref_slice %arg6[%multiple_of3A, %dma_start3A_246] : memref<10240x16xf32, #tpu.memory_space<hbm>> -> memref<640x16xf32, #tpu.memory_space<hbm>>
        %dma_start3A_248 = arith.constant 0 : i32
        %dma_start3A_249 = tpu.memref_slice %arg14[%multiple_of3A, %dma_start3A_248] : memref<10240x16xf32, #tpu.memory_space<vmem_shared>> -> memref<640x16xf32, #tpu.memory_space<vmem_shared>>
        tpu.enqueue_dma source(%dma_start3A_249 : memref<640x16xf32, #tpu.memory_space<vmem_shared>>) target(%dma_start3A_247 : memref<640x16xf32, #tpu.memory_space<hbm>>) target_semaphore(%run_scoped3A_245 : memref<!tpu.dma_semaphore, #tpu.memory_space<semaphore_mem>>)
        %dma_wait3A = arith.constant 0 : i32
        %dma_wait3A_250 = tpu.memref_slice %arg6[%multiple_of3A, %dma_wait3A] : memref<10240x16xf32, #tpu.memory_space<hbm>> -> memref<640x16xf32, #tpu.memory_space<hbm>>
        %dma_wait3A_251 = arith.constant 0 : i32
        %dma_wait3A_252 = tpu.memref_slice %arg14[%multiple_of3A, %dma_wait3A_251] : memref<10240x16xf32, #tpu.memory_space<vmem_shared>> -> memref<640x16xf32, #tpu.memory_space<vmem_shared>>
        tpu.wait_dma2 semaphore(%run_scoped3A_245 : memref<!tpu.dma_semaphore, #tpu.memory_space<semaphore_mem>>) src(%dma_wait3A_252 : memref<640x16xf32, #tpu.memory_space<vmem_shared>>) dst(%dma_wait3A_250 : memref<640x16xf32, #tpu.memory_space<hbm>>)
        tpu.yield
      }) : () -> ()
    } else {
    }
    %eq3A_240 = arith.constant 1 : i32
    %eq3A_241 = arith.cmpi eq, %arg0, %eq3A_240 : i32
    %convert_element_type3A_242 = arith.extui %eq3A_241 : i1 to i32
    %cond3A_243 = arith.constant 0 : i32
    %cond3A_244 = arith.cmpi ne, %convert_element_type3A_242, %cond3A_243 : i32
    scf.if %cond3A_244 {
      "tpu.region"() ({
        %run_scoped3A_245 = tpu.sem_alloc : memref<!tpu.dma_semaphore, #tpu.memory_space<semaphore_mem>>
        %dma_start3A_246 = arith.constant 0 : i32
        %dma_start3A_247 = tpu.memref_slice %arg5[%multiple_of3A, %dma_start3A_246] : memref<10240x16xf32, #tpu.memory_space<hbm>> -> memref<640x16xf32, #tpu.memory_space<hbm>>
        %dma_start3A_248 = arith.constant 0 : i32
        %dma_start3A_249 = tpu.memref_slice %arg13[%multiple_of3A, %dma_start3A_248] : memref<10240x16xf32, #tpu.memory_space<vmem_shared>> -> memref<640x16xf32, #tpu.memory_space<vmem_shared>>
        tpu.enqueue_dma source(%dma_start3A_249 : memref<640x16xf32, #tpu.memory_space<vmem_shared>>) target(%dma_start3A_247 : memref<640x16xf32, #tpu.memory_space<hbm>>) target_semaphore(%run_scoped3A_245 : memref<!tpu.dma_semaphore, #tpu.memory_space<semaphore_mem>>)
        %dma_wait3A = arith.constant 0 : i32
        %dma_wait3A_250 = tpu.memref_slice %arg5[%multiple_of3A, %dma_wait3A] : memref<10240x16xf32, #tpu.memory_space<hbm>> -> memref<640x16xf32, #tpu.memory_space<hbm>>
        %dma_wait3A_251 = arith.constant 0 : i32
        %dma_wait3A_252 = tpu.memref_slice %arg13[%multiple_of3A, %dma_wait3A_251] : memref<10240x16xf32, #tpu.memory_space<vmem_shared>> -> memref<640x16xf32, #tpu.memory_space<vmem_shared>>
        tpu.wait_dma2 semaphore(%run_scoped3A_245 : memref<!tpu.dma_semaphore, #tpu.memory_space<semaphore_mem>>) src(%dma_wait3A_252 : memref<640x16xf32, #tpu.memory_space<vmem_shared>>) dst(%dma_wait3A_250 : memref<640x16xf32, #tpu.memory_space<hbm>>)
        tpu.yield
      }) : () -> ()
      "tpu.region"() ({
        %run_scoped3A_245 = tpu.sem_alloc : memref<!tpu.dma_semaphore, #tpu.memory_space<semaphore_mem>>
        %dma_start3A_246 = arith.constant 0 : i32
        %dma_start3A_247 = tpu.memref_slice %arg7[%multiple_of3A, %dma_start3A_246] : memref<10240x16xf32, #tpu.memory_space<hbm>> -> memref<640x16xf32, #tpu.memory_space<hbm>>
        %dma_start3A_248 = arith.constant 0 : i32
        %dma_start3A_249 = tpu.memref_slice %arg14[%multiple_of3A, %dma_start3A_248] : memref<10240x16xf32, #tpu.memory_space<vmem_shared>> -> memref<640x16xf32, #tpu.memory_space<vmem_shared>>
        tpu.enqueue_dma source(%dma_start3A_249 : memref<640x16xf32, #tpu.memory_space<vmem_shared>>) target(%dma_start3A_247 : memref<640x16xf32, #tpu.memory_space<hbm>>) target_semaphore(%run_scoped3A_245 : memref<!tpu.dma_semaphore, #tpu.memory_space<semaphore_mem>>)
        %dma_wait3A = arith.constant 0 : i32
        %dma_wait3A_250 = tpu.memref_slice %arg7[%multiple_of3A, %dma_wait3A] : memref<10240x16xf32, #tpu.memory_space<hbm>> -> memref<640x16xf32, #tpu.memory_space<hbm>>
        %dma_wait3A_251 = arith.constant 0 : i32
        %dma_wait3A_252 = tpu.memref_slice %arg14[%multiple_of3A, %dma_wait3A_251] : memref<10240x16xf32, #tpu.memory_space<vmem_shared>> -> memref<640x16xf32, #tpu.memory_space<vmem_shared>>
        tpu.wait_dma2 semaphore(%run_scoped3A_245 : memref<!tpu.dma_semaphore, #tpu.memory_space<semaphore_mem>>) src(%dma_wait3A_252 : memref<640x16xf32, #tpu.memory_space<vmem_shared>>) dst(%dma_wait3A_250 : memref<640x16xf32, #tpu.memory_space<hbm>>)
        tpu.yield
      }) : () -> ()
    } else {
    }
    return
  }
}

#map = affine_map<(d0, d1) -> (0, 0)>
module attributes {stable_mosaic.version = 14 : i64} {
  func.func @_scale(%arg0: i32, %arg1: i32, %arg2: memref<10240x16xf32, #tpu.memory_space<hbm>>, %arg3: memref<10240x16xf32, #tpu.memory_space<hbm>>, %arg4: memref<10240x16xf32, #tpu.memory_space<hbm>>, %arg5: memref<10240x16xf32, #tpu.memory_space<hbm>>, %arg6: memref<320x16xf32, #tpu.memory_space<vmem>>, %arg7: memref<320x16xf32, #tpu.memory_space<vmem>>, %arg8: memref<320x16xf32, #tpu.memory_space<vmem>>, %arg9: memref<320x16xf32, #tpu.memory_space<vmem>>) attributes {dimension_semantics = [#tpu.dimension_semantics<core_parallel>, #tpu.dimension_semantics<subcore_parallel>], iteration_bounds = array<i64: 2, 16>, scalar_prefetch = 0 : i64, scratch_operands = 4 : i64, tpu.core_type = #tpu.core_type<sc_vector_subcore>, window_params = [{transform_indices = #map}, {transform_indices = #map}, {transform_indices = #map}, {transform_indices = #map}]} {
    %mul3A = arith.constant 16 : i32
    %mul3A_0 = arith.muli %arg0, %mul3A : i32
    %add3A = arith.addi %mul3A_0, %arg1 : i32
    %mul3A_1 = arith.constant 320 : i32
    %mul3A_2 = arith.muli %add3A, %mul3A_1 : i32
    %multiple_of3A = tpu.assume_multiple %mul3A_2, 128 : i32
    "tpu.region"() ({
      %run_scoped3A = tpu.sem_alloc : memref<!tpu.dma_semaphore, #tpu.memory_space<semaphore_mem>>
      %dma_start3A = arith.constant 0 : i32
      %dma_start3A_9 = tpu.memref_slice %arg2[%multiple_of3A, %dma_start3A] : memref<10240x16xf32, #tpu.memory_space<hbm>> -> memref<320x16xf32, #tpu.memory_space<hbm>>
      %dma_start3A_10 = arith.constant 0 : i32
      %dma_start3A_11 = tpu.memref_slice %arg2[%multiple_of3A, %dma_start3A_10] : memref<10240x16xf32, #tpu.memory_space<hbm>> -> memref<320x16xf32, #tpu.memory_space<hbm>>
      tpu.enqueue_dma source(%dma_start3A_11 : memref<320x16xf32, #tpu.memory_space<hbm>>) target(%arg6 : memref<320x16xf32, #tpu.memory_space<vmem>>) target_semaphore(%run_scoped3A : memref<!tpu.dma_semaphore, #tpu.memory_space<semaphore_mem>>)
      %dma_wait3A = arith.constant 0 : i32
      %dma_wait3A_12 = tpu.memref_slice %arg2[%multiple_of3A, %dma_wait3A] : memref<10240x16xf32, #tpu.memory_space<hbm>> -> memref<320x16xf32, #tpu.memory_space<hbm>>
      %dma_wait3A_13 = arith.constant 0 : i32
      %dma_wait3A_14 = tpu.memref_slice %arg2[%multiple_of3A, %dma_wait3A_13] : memref<10240x16xf32, #tpu.memory_space<hbm>> -> memref<320x16xf32, #tpu.memory_space<hbm>>
      tpu.wait_dma2 semaphore(%run_scoped3A : memref<!tpu.dma_semaphore, #tpu.memory_space<semaphore_mem>>) src(%dma_wait3A_14 : memref<320x16xf32, #tpu.memory_space<hbm>>) dst(%arg6 : memref<320x16xf32, #tpu.memory_space<vmem>>)
      tpu.yield
    }) : () -> ()
    "tpu.region"() ({
      %run_scoped3A = tpu.sem_alloc : memref<!tpu.dma_semaphore, #tpu.memory_space<semaphore_mem>>
      %dma_start3A = arith.constant 0 : i32
      %dma_start3A_9 = tpu.memref_slice %arg3[%multiple_of3A, %dma_start3A] : memref<10240x16xf32, #tpu.memory_space<hbm>> -> memref<320x16xf32, #tpu.memory_space<hbm>>
      %dma_start3A_10 = arith.constant 0 : i32
      %dma_start3A_11 = tpu.memref_slice %arg3[%multiple_of3A, %dma_start3A_10] : memref<10240x16xf32, #tpu.memory_space<hbm>> -> memref<320x16xf32, #tpu.memory_space<hbm>>
      tpu.enqueue_dma source(%dma_start3A_11 : memref<320x16xf32, #tpu.memory_space<hbm>>) target(%arg7 : memref<320x16xf32, #tpu.memory_space<vmem>>) target_semaphore(%run_scoped3A : memref<!tpu.dma_semaphore, #tpu.memory_space<semaphore_mem>>)
      %dma_wait3A = arith.constant 0 : i32
      %dma_wait3A_12 = tpu.memref_slice %arg3[%multiple_of3A, %dma_wait3A] : memref<10240x16xf32, #tpu.memory_space<hbm>> -> memref<320x16xf32, #tpu.memory_space<hbm>>
      %dma_wait3A_13 = arith.constant 0 : i32
      %dma_wait3A_14 = tpu.memref_slice %arg3[%multiple_of3A, %dma_wait3A_13] : memref<10240x16xf32, #tpu.memory_space<hbm>> -> memref<320x16xf32, #tpu.memory_space<hbm>>
      tpu.wait_dma2 semaphore(%run_scoped3A : memref<!tpu.dma_semaphore, #tpu.memory_space<semaphore_mem>>) src(%dma_wait3A_14 : memref<320x16xf32, #tpu.memory_space<hbm>>) dst(%arg7 : memref<320x16xf32, #tpu.memory_space<vmem>>)
      tpu.yield
    }) : () -> ()
    "tpu.region"() ({
      %run_scoped3A = tpu.sem_alloc : memref<!tpu.dma_semaphore, #tpu.memory_space<semaphore_mem>>
      %dma_start3A = arith.constant 0 : i32
      %dma_start3A_9 = tpu.memref_slice %arg4[%multiple_of3A, %dma_start3A] : memref<10240x16xf32, #tpu.memory_space<hbm>> -> memref<320x16xf32, #tpu.memory_space<hbm>>
      %dma_start3A_10 = arith.constant 0 : i32
      %dma_start3A_11 = tpu.memref_slice %arg4[%multiple_of3A, %dma_start3A_10] : memref<10240x16xf32, #tpu.memory_space<hbm>> -> memref<320x16xf32, #tpu.memory_space<hbm>>
      tpu.enqueue_dma source(%dma_start3A_11 : memref<320x16xf32, #tpu.memory_space<hbm>>) target(%arg8 : memref<320x16xf32, #tpu.memory_space<vmem>>) target_semaphore(%run_scoped3A : memref<!tpu.dma_semaphore, #tpu.memory_space<semaphore_mem>>)
      %dma_wait3A = arith.constant 0 : i32
      %dma_wait3A_12 = tpu.memref_slice %arg4[%multiple_of3A, %dma_wait3A] : memref<10240x16xf32, #tpu.memory_space<hbm>> -> memref<320x16xf32, #tpu.memory_space<hbm>>
      %dma_wait3A_13 = arith.constant 0 : i32
      %dma_wait3A_14 = tpu.memref_slice %arg4[%multiple_of3A, %dma_wait3A_13] : memref<10240x16xf32, #tpu.memory_space<hbm>> -> memref<320x16xf32, #tpu.memory_space<hbm>>
      tpu.wait_dma2 semaphore(%run_scoped3A : memref<!tpu.dma_semaphore, #tpu.memory_space<semaphore_mem>>) src(%dma_wait3A_14 : memref<320x16xf32, #tpu.memory_space<hbm>>) dst(%arg8 : memref<320x16xf32, #tpu.memory_space<vmem>>)
      tpu.yield
    }) : () -> ()
    %scan3A = arith.constant 0 : i32
    %scan3A_3 = arith.constant 0 : i32
    %scan3A_4 = arith.constant 320 : i32
    %scan3A_5 = arith.addi %scan3A_3, %scan3A_4 : i32
    %scan3A_6 = arith.constant 1 : i32
    %scan3A_7 = scf.for %scan3A_9 = %scan3A_3 to %scan3A_5 step %scan3A_6 iter_args(%scan3A_10 = %scan3A) -> (i32)  : i32 {
      %get3A = arith.index_cast %scan3A_9 : i32 to index
      %get3A_11 = arith.constant 0 : index
      %get3A_12 = tpu.vector_load %arg7[%get3A, %get3A_11] {strides = array<i32>} : memref<320x16xf32, #tpu.memory_space<vmem>>, vector<1x16xf32>,
      %get3A_13 = vector.shape_cast %get3A_12 : vector<1x16xf32> to vector<16xf32>
      %get3A_14 = arith.index_cast %scan3A_9 : i32 to index
      %get3A_15 = arith.constant 0 : index
      %get3A_16 = tpu.vector_load %arg8[%get3A_14, %get3A_15] {strides = array<i32>} : memref<320x16xf32, #tpu.memory_space<vmem>>, vector<1x16xf32>,
      %get3A_17 = vector.shape_cast %get3A_16 : vector<1x16xf32> to vector<16xf32>
      %add3A_18 = arith.addf %get3A_13, %get3A_17 : vector<16xf32>
      %max3A = arith.constant 1.000000e+00 : f32
      %max3A_19 = vector.broadcast %max3A : f32 to vector<16xf32>
      %max3A_20 = arith.maximumf %add3A_18, %max3A_19 : vector<16xf32>
      %broadcast_in_dim3A = arith.constant 1.000000e+00 : f32
      %broadcast_in_dim3A_21 = vector.broadcast %broadcast_in_dim3A : f32 to vector<16xf32>
      %ge3A = arith.constant 2.621440e+05 : f32
      %ge3A_22 = vector.broadcast %ge3A : f32 to vector<16xf32>
      %ge3A_23 = arith.cmpf oge, %max3A_20, %ge3A_22 : vector<16xf32>
      %mul3A_24 = arith.constant 3.81469727E-6 : f32
      %mul3A_25 = vector.broadcast %mul3A_24 : f32 to vector<16xf32>
      %mul3A_26 = arith.mulf %max3A_20, %mul3A_25 : vector<16xf32>
      %select_n3A = arith.select %ge3A_23, %mul3A_26, %max3A_20 : vector<16xi1>, vector<16xf32>
      %mul3A_27 = arith.constant 0.001953125 : f32
      %mul3A_28 = vector.broadcast %mul3A_27 : f32 to vector<16xf32>
      %mul3A_29 = arith.mulf %broadcast_in_dim3A_21, %mul3A_28 : vector<16xf32>
      %select_n3A_30 = arith.select %ge3A_23, %mul3A_29, %broadcast_in_dim3A_21 : vector<16xi1>, vector<16xf32>
      %ge3A_31 = arith.constant 6.553600e+04 : f32
      %ge3A_32 = vector.broadcast %ge3A_31 : f32 to vector<16xf32>
      %ge3A_33 = arith.cmpf oge, %select_n3A, %ge3A_32 : vector<16xf32>
      %mul3A_34 = arith.constant 1.52587891E-5 : f32
      %mul3A_35 = vector.broadcast %mul3A_34 : f32 to vector<16xf32>
      %mul3A_36 = arith.mulf %select_n3A, %mul3A_35 : vector<16xf32>
      %select_n3A_37 = arith.select %ge3A_33, %mul3A_36, %select_n3A : vector<16xi1>, vector<16xf32>
      %mul3A_38 = arith.constant 3.906250e-03 : f32
      %mul3A_39 = vector.broadcast %mul3A_38 : f32 to vector<16xf32>
      %mul3A_40 = arith.mulf %select_n3A_30, %mul3A_39 : vector<16xf32>
      %select_n3A_41 = arith.select %ge3A_33, %mul3A_40, %select_n3A_30 : vector<16xi1>, vector<16xf32>
      %ge3A_42 = arith.constant 1.638400e+04 : f32
      %ge3A_43 = vector.broadcast %ge3A_42 : f32 to vector<16xf32>
      %ge3A_44 = arith.cmpf oge, %select_n3A_37, %ge3A_43 : vector<16xf32>
      %mul3A_45 = arith.constant 6.10351563E-5 : f32
      %mul3A_46 = vector.broadcast %mul3A_45 : f32 to vector<16xf32>
      %mul3A_47 = arith.mulf %select_n3A_37, %mul3A_46 : vector<16xf32>
      %select_n3A_48 = arith.select %ge3A_44, %mul3A_47, %select_n3A_37 : vector<16xi1>, vector<16xf32>
      %mul3A_49 = arith.constant 7.812500e-03 : f32
      %mul3A_50 = vector.broadcast %mul3A_49 : f32 to vector<16xf32>
      %mul3A_51 = arith.mulf %select_n3A_41, %mul3A_50 : vector<16xf32>
      %select_n3A_52 = arith.select %ge3A_44, %mul3A_51, %select_n3A_41 : vector<16xi1>, vector<16xf32>
      %ge3A_53 = arith.constant 4.096000e+03 : f32
      %ge3A_54 = vector.broadcast %ge3A_53 : f32 to vector<16xf32>
      %ge3A_55 = arith.cmpf oge, %select_n3A_48, %ge3A_54 : vector<16xf32>
      %mul3A_56 = arith.constant 2.44140625E-4 : f32
      %mul3A_57 = vector.broadcast %mul3A_56 : f32 to vector<16xf32>
      %mul3A_58 = arith.mulf %select_n3A_48, %mul3A_57 : vector<16xf32>
      %select_n3A_59 = arith.select %ge3A_55, %mul3A_58, %select_n3A_48 : vector<16xi1>, vector<16xf32>
      %mul3A_60 = arith.constant 1.562500e-02 : f32
      %mul3A_61 = vector.broadcast %mul3A_60 : f32 to vector<16xf32>
      %mul3A_62 = arith.mulf %select_n3A_52, %mul3A_61 : vector<16xf32>
      %select_n3A_63 = arith.select %ge3A_55, %mul3A_62, %select_n3A_52 : vector<16xi1>, vector<16xf32>
      %ge3A_64 = arith.constant 1.024000e+03 : f32
      %ge3A_65 = vector.broadcast %ge3A_64 : f32 to vector<16xf32>
      %ge3A_66 = arith.cmpf oge, %select_n3A_59, %ge3A_65 : vector<16xf32>
      %mul3A_67 = arith.constant 9.765625E-4 : f32
      %mul3A_68 = vector.broadcast %mul3A_67 : f32 to vector<16xf32>
      %mul3A_69 = arith.mulf %select_n3A_59, %mul3A_68 : vector<16xf32>
      %select_n3A_70 = arith.select %ge3A_66, %mul3A_69, %select_n3A_59 : vector<16xi1>, vector<16xf32>
      %mul3A_71 = arith.constant 3.125000e-02 : f32
      %mul3A_72 = vector.broadcast %mul3A_71 : f32 to vector<16xf32>
      %mul3A_73 = arith.mulf %select_n3A_63, %mul3A_72 : vector<16xf32>
      %select_n3A_74 = arith.select %ge3A_66, %mul3A_73, %select_n3A_63 : vector<16xi1>, vector<16xf32>
      %ge3A_75 = arith.constant 2.560000e+02 : f32
      %ge3A_76 = vector.broadcast %ge3A_75 : f32 to vector<16xf32>
      %ge3A_77 = arith.cmpf oge, %select_n3A_70, %ge3A_76 : vector<16xf32>
      %mul3A_78 = arith.constant 3.906250e-03 : f32
      %mul3A_79 = vector.broadcast %mul3A_78 : f32 to vector<16xf32>
      %mul3A_80 = arith.mulf %select_n3A_70, %mul3A_79 : vector<16xf32>
      %select_n3A_81 = arith.select %ge3A_77, %mul3A_80, %select_n3A_70 : vector<16xi1>, vector<16xf32>
      %mul3A_82 = arith.constant 6.250000e-02 : f32
      %mul3A_83 = vector.broadcast %mul3A_82 : f32 to vector<16xf32>
      %mul3A_84 = arith.mulf %select_n3A_74, %mul3A_83 : vector<16xf32>
      %select_n3A_85 = arith.select %ge3A_77, %mul3A_84, %select_n3A_74 : vector<16xi1>, vector<16xf32>
      %ge3A_86 = arith.constant 6.400000e+01 : f32
      %ge3A_87 = vector.broadcast %ge3A_86 : f32 to vector<16xf32>
      %ge3A_88 = arith.cmpf oge, %select_n3A_81, %ge3A_87 : vector<16xf32>
      %mul3A_89 = arith.constant 1.562500e-02 : f32
      %mul3A_90 = vector.broadcast %mul3A_89 : f32 to vector<16xf32>
      %mul3A_91 = arith.mulf %select_n3A_81, %mul3A_90 : vector<16xf32>
      %select_n3A_92 = arith.select %ge3A_88, %mul3A_91, %select_n3A_81 : vector<16xi1>, vector<16xf32>
      %mul3A_93 = arith.constant 1.250000e-01 : f32
      %mul3A_94 = vector.broadcast %mul3A_93 : f32 to vector<16xf32>
      %mul3A_95 = arith.mulf %select_n3A_85, %mul3A_94 : vector<16xf32>
      %select_n3A_96 = arith.select %ge3A_88, %mul3A_95, %select_n3A_85 : vector<16xi1>, vector<16xf32>
      %ge3A_97 = arith.constant 1.600000e+01 : f32
      %ge3A_98 = vector.broadcast %ge3A_97 : f32 to vector<16xf32>
      %ge3A_99 = arith.cmpf oge, %select_n3A_92, %ge3A_98 : vector<16xf32>
      %mul3A_100 = arith.constant 6.250000e-02 : f32
      %mul3A_101 = vector.broadcast %mul3A_100 : f32 to vector<16xf32>
      %mul3A_102 = arith.mulf %select_n3A_92, %mul3A_101 : vector<16xf32>
      %select_n3A_103 = arith.select %ge3A_99, %mul3A_102, %select_n3A_92 : vector<16xi1>, vector<16xf32>
      %mul3A_104 = arith.constant 2.500000e-01 : f32
      %mul3A_105 = vector.broadcast %mul3A_104 : f32 to vector<16xf32>
      %mul3A_106 = arith.mulf %select_n3A_96, %mul3A_105 : vector<16xf32>
      %select_n3A_107 = arith.select %ge3A_99, %mul3A_106, %select_n3A_96 : vector<16xi1>, vector<16xf32>
      %ge3A_108 = arith.constant 4.000000e+00 : f32
      %ge3A_109 = vector.broadcast %ge3A_108 : f32 to vector<16xf32>
      %ge3A_110 = arith.cmpf oge, %select_n3A_103, %ge3A_109 : vector<16xf32>
      %mul3A_111 = arith.constant 2.500000e-01 : f32
      %mul3A_112 = vector.broadcast %mul3A_111 : f32 to vector<16xf32>
      %mul3A_113 = arith.mulf %select_n3A_103, %mul3A_112 : vector<16xf32>
      %select_n3A_114 = arith.select %ge3A_110, %mul3A_113, %select_n3A_103 : vector<16xi1>, vector<16xf32>
      %mul3A_115 = arith.constant 5.000000e-01 : f32
      %mul3A_116 = vector.broadcast %mul3A_115 : f32 to vector<16xf32>
      %mul3A_117 = arith.mulf %select_n3A_107, %mul3A_116 : vector<16xf32>
      %select_n3A_118 = arith.select %ge3A_110, %mul3A_117, %select_n3A_107 : vector<16xi1>, vector<16xf32>
      %ge3A_119 = arith.constant 2.000000e+00 : f32
      %ge3A_120 = vector.broadcast %ge3A_119 : f32 to vector<16xf32>
      %ge3A_121 = arith.cmpf oge, %select_n3A_114, %ge3A_120 : vector<16xf32>
      %mul3A_122 = arith.constant 5.000000e-01 : f32
      %mul3A_123 = vector.broadcast %mul3A_122 : f32 to vector<16xf32>
      %mul3A_124 = arith.mulf %select_n3A_114, %mul3A_123 : vector<16xf32>
      %select_n3A_125 = arith.select %ge3A_121, %mul3A_124, %select_n3A_114 : vector<16xi1>, vector<16xf32>
      %mul3A_126 = arith.constant 0.707106769 : f32
      %mul3A_127 = vector.broadcast %mul3A_126 : f32 to vector<16xf32>
      %mul3A_128 = arith.mulf %select_n3A_118, %mul3A_127 : vector<16xf32>
      %select_n3A_129 = arith.select %ge3A_121, %mul3A_128, %select_n3A_118 : vector<16xi1>, vector<16xf32>
      %broadcast_in_dim3A_130 = arith.constant 8.500000e-01 : f32
      %broadcast_in_dim3A_131 = vector.broadcast %broadcast_in_dim3A_130 : f32 to vector<16xf32>
      %mul3A_132 = arith.constant 5.000000e-01 : f32
      %mul3A_133 = vector.broadcast %mul3A_132 : f32 to vector<16xf32>
      %mul3A_134 = arith.mulf %mul3A_133, %select_n3A_125 : vector<16xf32>
      %mul3A_135 = arith.mulf %mul3A_134, %broadcast_in_dim3A_131 : vector<16xf32>
      %mul3A_136 = arith.mulf %mul3A_135, %broadcast_in_dim3A_131 : vector<16xf32>
      %sub3A = arith.constant 1.500000e+00 : f32
      %sub3A_137 = vector.broadcast %sub3A : f32 to vector<16xf32>
      %sub3A_138 = arith.subf %sub3A_137, %mul3A_136 : vector<16xf32>
      %mul3A_139 = arith.mulf %broadcast_in_dim3A_131, %sub3A_138 : vector<16xf32>
      %mul3A_140 = arith.constant 5.000000e-01 : f32
      %mul3A_141 = vector.broadcast %mul3A_140 : f32 to vector<16xf32>
      %mul3A_142 = arith.mulf %mul3A_141, %select_n3A_125 : vector<16xf32>
      %mul3A_143 = arith.mulf %mul3A_142, %mul3A_139 : vector<16xf32>
      %mul3A_144 = arith.mulf %mul3A_143, %mul3A_139 : vector<16xf32>
      %sub3A_145 = arith.constant 1.500000e+00 : f32
      %sub3A_146 = vector.broadcast %sub3A_145 : f32 to vector<16xf32>
      %sub3A_147 = arith.subf %sub3A_146, %mul3A_144 : vector<16xf32>
      %mul3A_148 = arith.mulf %mul3A_139, %sub3A_147 : vector<16xf32>
      %mul3A_149 = arith.constant 5.000000e-01 : f32
      %mul3A_150 = vector.broadcast %mul3A_149 : f32 to vector<16xf32>
      %mul3A_151 = arith.mulf %mul3A_150, %select_n3A_125 : vector<16xf32>
      %mul3A_152 = arith.mulf %mul3A_151, %mul3A_148 : vector<16xf32>
      %mul3A_153 = arith.mulf %mul3A_152, %mul3A_148 : vector<16xf32>
      %sub3A_154 = arith.constant 1.500000e+00 : f32
      %sub3A_155 = vector.broadcast %sub3A_154 : f32 to vector<16xf32>
      %sub3A_156 = arith.subf %sub3A_155, %mul3A_153 : vector<16xf32>
      %mul3A_157 = arith.mulf %mul3A_148, %sub3A_156 : vector<16xf32>
      %mul3A_158 = arith.constant 5.000000e-01 : f32
      %mul3A_159 = vector.broadcast %mul3A_158 : f32 to vector<16xf32>
      %mul3A_160 = arith.mulf %mul3A_159, %select_n3A_125 : vector<16xf32>
      %mul3A_161 = arith.mulf %mul3A_160, %mul3A_157 : vector<16xf32>
      %mul3A_162 = arith.mulf %mul3A_161, %mul3A_157 : vector<16xf32>
      %sub3A_163 = arith.constant 1.500000e+00 : f32
      %sub3A_164 = vector.broadcast %sub3A_163 : f32 to vector<16xf32>
      %sub3A_165 = arith.subf %sub3A_164, %mul3A_162 : vector<16xf32>
      %mul3A_166 = arith.mulf %mul3A_157, %sub3A_165 : vector<16xf32>
      %gt3A = arith.constant 0.000000e+00 : f32
      %gt3A_167 = vector.broadcast %gt3A : f32 to vector<16xf32>
      %gt3A_168 = arith.cmpf ogt, %add3A_18, %gt3A_167 : vector<16xf32>
      %mul3A_169 = arith.mulf %mul3A_166, %select_n3A_129 : vector<16xf32>
      %jit3A = arith.constant 0.000000e+00 : f32
      %broadcast_in_dim3A_170 = vector.broadcast %jit3A : f32 to vector<16xf32>
      %select_n3A_171 = arith.select %gt3A_168, %mul3A_169, %broadcast_in_dim3A_170 : vector<16xi1>, vector<16xf32>
      %get3A_172 = arith.index_cast %scan3A_9 : i32 to index
      %get3A_173 = arith.constant 0 : index
      %get3A_174 = tpu.vector_load %arg6[%get3A_172, %get3A_173] {strides = array<i32>} : memref<320x16xf32, #tpu.memory_space<vmem>>, vector<1x16xf32>,
      %get3A_175 = vector.shape_cast %get3A_174 : vector<1x16xf32> to vector<16xf32>
      %mul3A_176 = arith.mulf %get3A_175, %select_n3A_171 : vector<16xf32>
      %swap3A = arith.index_cast %scan3A_9 : i32 to index
      %swap3A_177 = arith.constant 0 : index
      %swap3A_178 = tpu.vector_load %arg9[%swap3A, %swap3A_177] {strides = array<i32>} : memref<320x16xf32, #tpu.memory_space<vmem>>, vector<1x16xf32>,
      %swap3A_179 = vector.shape_cast %swap3A_178 : vector<1x16xf32> to vector<16xf32>
      %swap3A_180 = vector.shape_cast %mul3A_176 : vector<16xf32> to vector<1x16xf32>
      tpu.vector_store %arg9[%swap3A, %swap3A_177], %swap3A_180 {strides = array<i32>} : memref<320x16xf32, #tpu.memory_space<vmem>>, vector<1x16xf32>,
      %scan3A_181 = arith.constant 0 : i32
      scf.yield %scan3A_181 : i32
    }
    %scan3A_8 = arith.constant 320 : i32
    "tpu.region"() ({
      %run_scoped3A = tpu.sem_alloc : memref<!tpu.dma_semaphore, #tpu.memory_space<semaphore_mem>>
      %dma_start3A = arith.constant 0 : i32
      %dma_start3A_9 = tpu.memref_slice %arg5[%multiple_of3A, %dma_start3A] : memref<10240x16xf32, #tpu.memory_space<hbm>> -> memref<320x16xf32, #tpu.memory_space<hbm>>
      %dma_start3A_10 = arith.constant 0 : i32
      %dma_start3A_11 = tpu.memref_slice %arg5[%multiple_of3A, %dma_start3A_10] : memref<10240x16xf32, #tpu.memory_space<hbm>> -> memref<320x16xf32, #tpu.memory_space<hbm>>
      tpu.enqueue_dma source(%arg9 : memref<320x16xf32, #tpu.memory_space<vmem>>) target(%dma_start3A_11 : memref<320x16xf32, #tpu.memory_space<hbm>>) target_semaphore(%run_scoped3A : memref<!tpu.dma_semaphore, #tpu.memory_space<semaphore_mem>>)
      %dma_wait3A = arith.constant 0 : i32
      %dma_wait3A_12 = tpu.memref_slice %arg5[%multiple_of3A, %dma_wait3A] : memref<10240x16xf32, #tpu.memory_space<hbm>> -> memref<320x16xf32, #tpu.memory_space<hbm>>
      %dma_wait3A_13 = arith.constant 0 : i32
      %dma_wait3A_14 = tpu.memref_slice %arg5[%multiple_of3A, %dma_wait3A_13] : memref<10240x16xf32, #tpu.memory_space<hbm>> -> memref<320x16xf32, #tpu.memory_space<hbm>>
      tpu.wait_dma2 semaphore(%run_scoped3A : memref<!tpu.dma_semaphore, #tpu.memory_space<semaphore_mem>>) src(%arg9 : memref<320x16xf32, #tpu.memory_space<vmem>>) dst(%dma_wait3A_14 : memref<320x16xf32, #tpu.memory_space<hbm>>)
      tpu.yield
    }) : () -> ()
    return
  }
}

module attributes {stable_mosaic.version = 14 : i64} {
  func.func @_mm_body(%arg0: i32, %arg1: memref<1280x128xf32, #tpu.memory_space<vmem>>, %arg2: memref<128x16xf32, #tpu.memory_space<vmem>>, %arg3: memref<1280x16xf32, #tpu.memory_space<vmem>>) attributes {dimension_semantics = [#tpu.dimension_semantics<arbitrary>], iteration_bounds = array<i64: 8>, scalar_prefetch = 0 : i64, scratch_operands = 0 : i64, tpu.core_type = #tpu.core_type<tc>, window_params = [{transform_indices = @transform_0, window_bounds = array<i64: 1280, 128>}, {pipeline_mode = #tpu.pipeline_mode<synchronous>, transform_indices = @transform_1, window_bounds = array<i64: 128, 16>}, {transform_indices = @transform_2, window_bounds = array<i64: 1280, 16>}]} {
    %get3A = arith.constant 0 : index
    %get3A_0 = arith.constant 0 : index
    %get3A_1 = vector.load %arg1[%get3A, %get3A_0] : memref<1280x128xf32, #tpu.memory_space<vmem>>, vector<1280x128xf32>
    %get3A_2 = arith.constant 0 : index
    %get3A_3 = arith.constant 0 : index
    %get3A_4 = vector.load %arg2[%get3A_2, %get3A_3] : memref<128x16xf32, #tpu.memory_space<vmem>>, vector<128x16xf32>
    %dot_general3A = arith.constant dense<0.000000e+00> : vector<1280x16xf32>
    %dot_general3A_5 = tpu.matmul %get3A_1, %get3A_4, %dot_general3A {dimension_numbers = #tpu.dot_dimension_numbers<[1], [0], [0], [1], [0, 0, 1, 1], [], []>, transpose_lhs_hint = false} : vector<1280x128xf32>, vector<128x16xf32>, vector<1280x16xf32> -> vector<1280x16xf32>
    %swap3A = arith.constant 0 : index
    %swap3A_6 = arith.constant 0 : index
    %swap3A_7 = vector.load %arg3[%swap3A, %swap3A_6] : memref<1280x16xf32, #tpu.memory_space<vmem>>, vector<1280x16xf32>
    tpu.vector_store %arg3[%swap3A, %swap3A_6], %dot_general3A_5 {strides = array<i32>} : memref<1280x16xf32, #tpu.memory_space<vmem>>, vector<1280x16xf32>,
    return
  }
  func.func @transform_0(%arg0: i32) -> (i32, i32) {
    %c0_i32 = arith.constant 0 : i32
    %c0_i32_0 = arith.constant 0 : i32
    return %arg0, %c0_i32 : i32, i32
  }
  func.func @transform_1(%arg0: i32) -> (i32, i32) {
    %c0_i32 = arith.constant 0 : i32
    %c0_i32_0 = arith.constant 0 : i32
    %c0_i32_1 = arith.constant 0 : i32
    return %c0_i32, %c0_i32_0 : i32, i32
  }
  func.func @transform_2(%arg0: i32) -> (i32, i32) {
    %c0_i32 = arith.constant 0 : i32
    %c0_i32_0 = arith.constant 0 : i32
    return %arg0, %c0_i32 : i32, i32
  }
}

</mosaic_0001>

<sc_bundles>
// kernel: kernel.10.cloned.1.call-start
scs
__scs_entry_jumppad:
0x0: {  	(pc) =	sbr.rel $0x88, $3  }
0x1: {  	(tag) =	ssettag $0x0;
	lr =	simm.s32 $0x1  }
0x2: {  	[smem:$0x3F9D] =	sst lr;
	_ =	strace $0xD0000000  }
0x3: {  	_ = 	snop  }
0x4: {  	_ = 	snop  }
0x5: {  	_ = 	snop  }
0x6: {  	_ = 	snop  }
0x7: {  	_ = 	snop  }
__scs_overlays_trampoline_lowered:
0x8: {  	[smem:$0x3FAC] =	sst s0  }
0x9: {  	[smem:$0x3FAD] =	sst s1  }
0xa: {  	[smem:$0x3FAE] =	sst s2  }
0xb: {  	[smem:$0x3FAF] =	sst s3  }
0xc: {  	[smem:$0x3FB0] =	sst s4  }
0xd: {  	[smem:$0x3FB1] =	sst s5  }
0xe: {  	[smem:$0x3FB2] =	sst s6  }
0xf: {  	[smem:$0x3FB3] =	sst s7  }
0x10: {  	[smem:$0x3FB4] =	sst s8  }
0x11: {  	[smem:$0x3FB5] =	sst s9;
	s0 =	simm.s32 @!p0 $0x0  }
0x12: {  	s1 =	sld [smem:$0x3F9B];
	s0 =	simm.s32 @p0 $0x1  }
0x13: {  	[smem:$0x3FB6] =	sst s0;
	s0 =	simm.s32 @!p1 $0x0  }
0x14: {  	s2 =	sld [smem:$0x3F9A];
	s0 =	simm.s32 @p1 $0x1  }
0x15: {  	[smem:$0x3FB7] =	sst s0;
	s0 =	simm.s32 @!p2 $0x0  }
0x16: {  	s3 =	sld [smem:$0x3FDB];
	s0 =	simm.s32 @p2 $0x1  }
0x17: {  	s4 =	simm.s32 $0x1BF5;
	[smem:$0x3FB9] =	sst s0  }
0x18: {  	s0 =	sld [smem:$0x3F9C];
	_ =	swait.ge [sflag:s4], $0x0  }
0x19: {  	s7 =	sld [smem:$0x3F9D]  }
0x1a: {  	s8 =	sadd.s32 $0xFFFFE003, lr  }
0x1b: {  	s9 =	sadd.s32 $0xFFFFFEF7, lr;
	s5 =	simm.s32 $0xFFFFFFFF;
	p2 =	slt.u32 s8, $0xFFFFF086  }
0x1c: {  	p1 =	slt.u32 s9, $0xF7A;
	s5 =	simm.s32 @!p2 $0x0  }
0x1d: {  	s5 =	simm.s32 @p1 $0x1;
	p0 =	seq.s32 s7, s2  }
0x1e: {  	s7 =	smul.u32 @!p0 $0xF7A, s2;
	p2 =	seq.s32 @!p0 s5, $0x0  }
0x1f: {  	s9 =	smul.u32 $0xF7A, s1;
	s8 =	simm.s32 @!p0 $0x1BF5;
	p2 =	por !p2, p0  }
0x20: {  	[sflag:s8] =	ssyncset.s32 @!p0 $0xFFFFF086;
	s6 =	sadd.s32 @!p0 s3, s7;
	s7 =	simm.s32 @!p0 $0x108  }
0x21: {  	s3 =	sadd.s32 s3, s9;
	s6 =	sadd.s32 @!p0 $0x88, s6;
	s7 =	simm.s32 @p2 $0x1082  }
0x22: {  	[simem:s7], [sflag:s8] =	dma.local @!p0 [hbm:s6], $0xF7A  }
0x23: {  	s9 =	sor.u32 $0xD0000000, s2;
	s6 =	simm.s32 $0x108;
	_ =	swait.ge @!p0 [sflag:s8], $0x0  }
0x24: {  	s3 =	sadd.s32 $0x88, s3;
	s6 =	simm.s32 @!p1 $0x1082;
	[sflag:s4] =	ssyncset.s32 $0xFFFFF086  }
0x25: {  	[simem:s6], [sflag:s4] =	dma.local [hbm:s3], $0xF7A  }
0x26: {  	[smem:$0x3F9D] =	sst s1;
	(tag) =	ssettag s2;
	_ =	strace s9  }
0x27: {  	s1 =	sld [smem:$0x3FAD]  }
0x28: {  	s2 =	sld [smem:$0x3FAE]  }
0x29: {  	s4 =	sld [smem:$0x3FB0]  }
0x2a: {  	p0 =	seq.s32 s5, $0x0;
	s5 =	sld [smem:$0x3FB1]  }
0x2b: {  	s6 =	sld [smem:$0x3FB2]  }
0x2c: {  	s7 =	sld [smem:$0x3FB3]  }
0x2d: {  	s3 =	simm.s32 $0x108;
	s8 =	sld [smem:$0x3FB4]  }
0x2e: {  	s3 =	simm.s32 @!p0 $0x1082;
	s9 =	sld [smem:$0x3FB5]  }
0x2f: {  	lr =	sadd.s32 s0, s3;
	s0 =	sld [smem:$0x3FAC]  }
0x30: {  	s3 =	sld [smem:$0x3FAF]  }
0x31: {  	[smem:$0x3FB8] =	sst s10  }
0x32: {  	s10 =	sld [smem:$0x3FB6];
	_ =	sdelay $0x3  }
0x33: {  	p0 =	seq.s32 s10, $0x1;
	s10 =	sld [smem:$0x3FB8];
	_ =	sdelay $0x3  }
0x34: {  	[smem:$0x3FB8] =	sst s10  }
0x35: {  	s10 =	sld [smem:$0x3FB7];
	_ =	sdelay $0x3  }
0x36: {  	p1 =	seq.s32 s10, $0x1;
	s10 =	sld [smem:$0x3FB8];
	_ =	sdelay $0x3  }
0x37: {  	[smem:$0x3FB8] =	sst s10  }
0x38: {  	s10 =	sld [smem:$0x3FB9]  }
0x39: {  	_ = 	snop;
	(pc) =	sbr.ind lr, $3  }
0x3a: {  	_ = 	snop  }
0x3b: {  	_ = 	snop  }
0x3c: {  	p2 =	seq.s32 s10, $0x1;
	s10 =	sld [smem:$0x3FB8]  }
0x3d: {  	_ =	shalt  }
0x3e: {  	_ =	shalt  }
0x3f: {  	_ =	shalt  }
0x40: {  	_ =	shalt  }
0x41: {  	_ =	shalt  }
0x42: {  	_ =	shalt  }
0x43: {  	_ =	shalt  }
0x44: {  	_ =	shalt  }
0x45: {  	_ =	shalt  }
0x46: {  	_ =	shalt  }
0x47: {  	_ =	shalt  }
0x48: {  	_ =	shalt  }
0x49: {  	_ =	shalt  }
0x4a: {  	_ =	shalt  }
0x4b: {  	_ =	shalt  }
0x4c: {  	_ =	shalt  }
0x4d: {  	_ =	shalt  }
0x4e: {  	_ =	shalt  }
0x4f: {  	_ =	shalt  }
0x50: {  	_ =	shalt  }
0x51: {  	_ =	shalt  }
0x52: {  	_ =	shalt  }
0x53: {  	_ =	shalt  }
0x54: {  	_ =	shalt  }
0x55: {  	_ =	shalt  }
0x56: {  	_ =	shalt  }
0x57: {  	_ =	shalt  }
0x58: {  	_ =	shalt  }
0x59: {  	_ =	shalt  }
0x5a: {  	_ =	shalt  }
0x5b: {  	_ =	shalt  }
0x5c: {  	_ =	shalt  }
0x5d: {  	_ =	shalt  }
0x5e: {  	_ =	shalt  }
0x5f: {  	_ =	shalt  }
0x60: {  	_ =	shalt  }
0x61: {  	_ =	shalt  }
0x62: {  	_ =	shalt  }
0x63: {  	_ =	shalt  }
0x64: {  	_ =	shalt  }
0x65: {  	_ =	shalt  }
0x66: {  	_ =	shalt  }
0x67: {  	_ =	shalt  }
0x68: {  	_ =	shalt  }
0x69: {  	_ =	shalt  }
0x6a: {  	_ =	shalt  }
0x6b: {  	_ =	shalt  }
0x6c: {  	_ =	shalt  }
0x6d: {  	_ =	shalt  }
0x6e: {  	_ =	shalt  }
0x6f: {  	_ =	shalt  }
0x70: {  	_ =	shalt  }
0x71: {  	_ =	shalt  }
0x72: {  	_ =	shalt  }
0x73: {  	_ =	shalt  }
0x74: {  	_ =	shalt  }
0x75: {  	_ =	shalt  }
0x76: {  	_ =	shalt  }
0x77: {  	_ =	shalt  }
0x78: {  	_ =	shalt  }
0x79: {  	_ =	shalt  }
0x7a: {  	_ =	shalt  }
0x7b: {  	_ =	shalt  }
0x7c: {  	_ =	shalt  }
0x7d: {  	_ =	shalt  }
0x7e: {  	_ =	shalt  }
0x7f: {  	_ =	shalt  }
0x80: {  	_ =	shalt  }
0x81: {  	_ =	shalt  }
0x82: {  	_ =	shalt  }
0x83: {  	_ =	shalt  }
0x84: {  	_ =	shalt  }
0x85: {  	_ =	shalt  }
0x86: {  	_ =	shalt  }
0x87: {  	_ =	shalt  }
.Lfunc_end0:
.L_simem_size_0:
called_computation.1_lowered:
.L_overlay_start_0:
0x88: {  	s2 =	sld [smem:$0x3FD9]  }
0x89: {  	s3 =	sld [smem:$0x3FFE];
	_ =	sdelay $0x1  }
0x8a: {  	s1 =	srdreg.scid  }
0x8b: {  	s0 =	sand.u32 $0x1, s1  }
0x8c: {  	s16 =	sshll.u32 s0, $0xA;
	s2 =	sadd.s32 s3, s2  }
0x8d: {  	s2 =	sadd.s32 s2, s16  }
0x8e: {  	[smem:$0x3FC4] =	sst s2  }
0x8f: {  	_ = 	snop  }
0x90: {  	(tm) =	ssettm $0x1  }
0x91: {  	s17 =	sld [smem:$0x3FFB];
	_ =	sdelay $0x3  }
0x92: {  	_ =	strace s17  }
0x93: {  	s2 =	sld [smem:$0x3FFC];
	_ =	sdelay $0x3  }
0x94: {  	_ =	strace s2  }
0x95: {  	s2 =	sld [smem:$0x3FFD];
	_ =	sdelay $0x3  }
0x96: {  	_ =	strace s2  }
0x97: {  	_ =	strace $0x8FFFFFFF  }
0x98: {  	s18 =	sld [smem:$0x3FDB];
	_ =	sdelay $0x1  }
0x99: {  	s19 =	simm.s32 $_scs_section_size  }
0x9a: {  	s4 =	simm.s32 $_size__tile_overlayer_lowered;
	s5 =	simm.s32 $_tile_overlayer_lowered  }
0x9b: {  	s22 =	simm.s32 $0x1BFF;
	s21 =	sshll.u32 s5, $0x1;
	s2 =	sadd.s32 s19, s18  }
0x9c: {  	s6 =	simm.s32 $0x0;
	s20 =	sshll.u32 s4, $0x1;
	s4 =	sadd.s32 s21, s2  }
0x9d: {  	[timem:s6], [sflag:s22] =	dma.local [hbm:s4], s20  }
0x9e: {  	_ =	swait.ge [sflag:s22], s20  }
0x9f: {  	s3 =	ssub.s32 $0x0, s20;
	[sflag:s22] =	ssyncset.done $0x0  }
0xa0: {  	[sflag:s22] =	ssyncadd.s32 s3;
	_ =	sdelay $0x1  }
0xa1: {  	s23 =	simm.s32 $0x1B8B  }
0xa2: {  	_ =	swait.ge [sflag:s23], $0x1  }
0xa3: {  	[sflag:s23] =	ssyncset.done $0x0  }
0xa4: {  	s25 =	simm.s32 $0x1B8E;
	s24 =	sld [smem:$0x3FFE];
	[sflag:s23] =	ssyncadd.s32 $0xFFFFFFFF  }
0xa5: {  	s26 =	simm.s32 $execute0_lowered;
	[smem:$0x3FD2] =	sst s25  }
0xa6: {  	s4 =	sshll.u32 s26, $0x1;
	_ =	strace $0x80000049;
	[dreg:$0x1] =	wrdreg $0xFFFFFFFF  }
0xa7: {  	s28 =	simm.s32 $_size_execute0_lowered;
	s2 =	sadd.s32 s2, s4;
	[dreg:$0x0] =	wrdreg $0x0  }
0xa8: {  	s4 =	sshll.u32 s28, $0x1;
	[dreg:$0x2] =	wrdreg s2  }
0xa9: {  	[dreg:$0x3] =	wrdreg s4  }
0xaa: {  	[dreg:$0x4] =	wrdreg $0xC0  }
0xab: {  	_ =	task [dreg:s6], $0x5FFFF  }
0xac: {  	[dreg:$0x1] =	wrdreg $0xFFFFFFFF  }
0xad: {  	[dreg:$0x0] =	wrdreg $0x60  }
0xae: {  	[dreg:$0x2] =	wrdreg s24  }
0xaf: {  	[dreg:$0x3] =	wrdreg $0x9  }
0xb0: {  	_ =	task.clear_ibuf [dreg:s6], $0x4FFFF;
	_ =	strace $0x90000049  }
0xb1: {  	s29 =	simm.s32 $0x9;
	_ =	strace $0x8000004B  }
0xb2: {  	_ =	swait.ge [sflag:s29], $0x1  }
0xb3: {  	[sflag:s29] =	ssyncadd.s32 $0xFFFFFFFF  }
0xb4: {  	_ =	strace $0x9000004B  }
0xb5: {  	_ =	sfence  }
0xb6: {  	s30 =	sld [smem:$0x0];
	_ =	sdelay $0x2  }
0xb7: {  	s31 =	sshll.u32 s1, $0xD;
	s1 =	sshrl.u32 s1, $0x2  }
0xb8: {  	s3 =	sand.u32 $0x4000, s31;
	s1 =	sadd.s32 s1, s30  }
0xb9: {  	s0 =	sor.u32 s3, s0;
	s1 =	sshll.u32 s1, $0x11  }
0xba: {  	s0 =	sor.u32 s1, s0  }
0xbb: {  	s0 =	sadd.s32 $0x8F2B, s0  }
0xbc: {  	[sflag:s0] =	ssyncadd.remote.s32 $0x1  }
0xbd: {  	_ =	sfence.sel $0xFFFF  }
0xbe: {  	[dreg:$0x0] =	wrdreg $0xFFFFFFFF;
	(pc) =	sbr.abs _section_cstart, $3  }
0xbf: {  	[dreg:$0x1] =	wrdreg $0xFFFFFFFF  }
0xc0: {  	_ =	task.clear_ibuf [dreg:s6], $0x2FFFF;
	_ =	strace $0x9FFFFFFF  }
0xc1: {  	(tm) =	ssettm $0x7FFFFFFF  }
tec
execute0_lowered:
.L_overlay_start_1:
0x0: {  	(tag) =	ssettag $0x1  }
0x1: {  	s0 =	srdreg.scid  }
0x2: {  	s4 =	rddreg [dreg:$0x0];
	s2 =	simm.s32 $0x0;
	s3 =	sand.u32 $0x1, s0  }
0x3: {  	s8 =	simm.s32 $0x1;
	s0 =	stileid.u32;
	s1 =	sshll.u32 s3, $0x4  }
0x4: {  	s9 =	simm.s32 $0x1400;
	s10 =	simm.s32 $0x2800;
	s1 =	sor.u32 s0, s1  }
0x5: {  	s11 =	simm.s32 $0x3C00;
	s3 =	ssub.s32 $0x2, s3;
	s5 =	smul.u32 $0x280, s1  }
0x6: {  	s12 =	simm.s32 $0x0;
	[smem:$0x7FF] =	sst s2;
	s31 =	sshrl.u32 s3, $0x1  }
0x7: {  	s1 =	rddreg [dreg:$0x1];
	s7 =	ssub.s32 s3, s31;
	s6 =	sadd.s32 s5, s4  }
0x8: {  	_ =	strace $0x8000004A;
	s7 =	smax.u32 s7, $0x1;
	s3 =	sadd.s32 $0x1FC00, s6  }
0x9: {  	v0 =	vimm.f32 $1.000000000e+00;
	s4 =	sadd.s32 $0x15C00, s6;
	s5 =	sadd.s32 $0x1AC00, s6;
	s6 =	sadd.s32 $0x24C00, s6  }
.LBB2_1:
0xa: {  	[tilespmem:s2], [sflag:$0x1] =	stream.linear.gather [hbm4b:s3+s2], $0x1400, $0x38;
	[tilespmem:$0x5000] =	vst v63  }
0xb: {  	_ =	swait.ge [sflag:s8], $0x1400  }
0xc: {  	[sflag:s8] =	ssyncset.done $0x0  }
0xd: {  	[sflag:s8] =	ssyncadd.s32 $0xFFFFEC00  }
0xe: {  	[tilespmem:s9], [sflag:$0x1] =	stream.linear.gather [hbm4b:s4+s2], $0x1400, $0x38;
	[tilespmem:$0x5000] =	vst v63  }
0xf: {  	_ =	swait.ge [sflag:s8], $0x1400  }
0x10: {  	[sflag:s8] =	ssyncset.done $0x0  }
0x11: {  	[sflag:s8] =	ssyncadd.s32 $0xFFFFEC00  }
0x12: {  	[tilespmem:s10], [sflag:$0x1] =	stream.linear.gather [hbm4b:s5+s2], $0x1400, $0x38;
	[tilespmem:$0x5000] =	vst v63  }
0x13: {  	_ =	swait.ge [sflag:s8], $0x1400  }
0x14: {  	[sflag:s8] =	ssyncset.done $0x0  }
0x15: {  	s15 =	simm.s32 $0x0;
	[sflag:s8] =	ssyncadd.s32 $0xFFFFEC00  }
0x16: {  	v1 =	vld [tilespmem:s15+$0x1400]  }
0x17: {  	v2 =	vld [tilespmem:s15+$0x2800];
	_ =	sdelay $0x4  }
0x18: {  	v3 =	vadd.f32 v2, v1;
	_ =	sdelay $0x1  }
0x19: {  	v1 =	vmax.f32 v3, $1.000000000e+00  }
0x1a: {  	v2 =	vmul.f32 $3.814697270e-06, v1  }
0x1b: {  	vm0 =	vge.f32 v1, $2.621440000e+05  }
0x1c: {  	v1 =	vsel vm0, v2, v1  }
0x1d: {  	v2 =	vmul.f32 $1.525878910e-05, v1  }
0x1e: {  	s13 =	simm.s32 $0x10;
	vm2 =	vge.f32 v1, $6.553600000e+04  }
0x1f: {  	v5 =	vld [tilespmem:s13+$0x2800];
	v1 =	vsel vm2, v2, v1  }
0x20: {  	v2 =	vld [tilespmem:s13+$0x1400];
	v4 =	vmul.f32 $6.103515630e-05, v1  }
0x21: {  	vm3 =	vge.f32 v1, $1.638400000e+04  }
0x22: {  	v1 =	vsel vm3, v4, v1  }
0x23: {  	v4 =	vmul.f32 $2.441406250e-04, v1  }
0x24: {  	vm5 =	vge.f32 v1, $4.096000000e+03  }
0x25: {  	v4 =	vsel vm5, v4, v1;
	v1 =	vadd.f32 v5, v2  }
0x26: {  	v2 =	vsel vm0, $0x3B000000, v0;
	v5 =	vmul.f32 $9.765625000e-04, v4  }
0x27: {  	v6 =	vmul.f32 $3.906250000e-03, v2;
	vm1 =	vge.f32 v4, $1.024000000e+03;
	v7 =	vmax.f32 v1, $1.000000000e+00  }
0x28: {  	v8 =	vmul.f32 $3.814697270e-06, v7;
	v4 =	vsel vm1, v5, v4  }
0x29: {  	v2 =	vsel vm2, v6, v2;
	vm0 =	vge.f32 v7, $2.621440000e+05;
	v5 =	vmul.f32 $3.906250000e-03, v4  }
0x2a: {  	v6 =	vmul.f32 $7.812500000e-03, v2;
	vm2 =	vge.f32 v4, $2.560000000e+02;
	v7 =	vsel vm0, v8, v7  }
0x2b: {  	v9 =	vsel vm0, $0x3B000000, v0;
	v8 =	vmul.f32 $1.525878910e-05, v7;
	v4 =	vsel vm2, v5, v4  }
0x2c: {  	s14 =	simm.s32 $0x20;
	v2 =	vsel vm3, v6, v2;
	vm6 =	vge.f32 v7, $6.553600000e+04;
	v5 =	vmul.f32 $1.562500000e-02, v4  }
0x2d: {  	vm4 =	vge.f32 v4, $6.400000000e+01;
	v6 =	vsel vm6, v8, v7;
	v7 =	vmul.f32 $1.562500000e-02, v2;
	v8 =	vld [tilespmem:s14+$0x1400]  }
0x2e: {  	v11 =	vmul.f32 $3.906250000e-03, v9;
	v10 =	vmul.f32 $6.103515630e-05, v6;
	v4 =	vsel vm4, v5, v4;
	v5 =	vld [tilespmem:s14+$0x2800]  }
0x2f: {  	vm7 =	vge.f32 v6, $1.638400000e+04;
	v2 =	vsel vm5, v7, v2;
	v7 =	vmul.f32 $6.250000000e-02, v4  }
0x30: {  	vm0 =	vge.f32 v4, $1.600000000e+01;
	v6 =	vsel vm7, v10, v6;
	v10 =	vmul.f32 $3.125000000e-02, v2  }
0x31: {  	v12 =	vmul.f32 $2.441406250e-04, v6;
	v4 =	vsel vm0, v7, v4;
	vm3 =	vge.f32 v6, $4.096000000e+03  }
0x32: {  	v7 =	vmul.f32 $2.500000000e-01, v4;
	v10 =	vsel vm1, v10, v2;
	vm1 =	vge.f32 v4, $4.000000000e+00  }
0x33: {  	v13 =	vmul.f32 $6.250000000e-02, v10;
	v2 =	vadd.f32 v5, v8;
	v5 =	vsel vm3, v12, v6  }
0x34: {  	v6 =	vsel vm6, v11, v9;
	v4 =	vsel vm1, v7, v4;
	v12 =	vmul.f32 $9.765625000e-04, v5  }
0x35: {  	vm8 =	vge.f32 v5, $1.024000000e+03;
	v7 =	vmul.f32 $5.000000000e-01, v4;
	v9 =	vmax.f32 v2, $1.000000000e+00  }
0x36: {  	v8 =	vsel vm2, v13, v10;
	vm2 =	vge.f32 v4, $2.000000000e+00;
	v11 =	vmul.f32 $3.814697270e-06, v9  }
0x37: {  	vm5 =	vge.f32 v9, $2.621440000e+05;
	v4 =	vsel vm2, v7, v4;
	v7 =	vmul.f32 $7.812500000e-03, v6  }
0x38: {  	v10 =	vmul.f32 $1.250000000e-01, v8;
	v13 =	vmul.f32 $5.000000000e-01, v4;
	v4 =	vsel vm5, v11, v9  }
0x39: {  	v5 =	vsel vm8, v12, v5;
	v6 =	vsel vm7, v7, v6;
	v7 =	vmul.f32 $1.525878910e-05, v4  }
0x3a: {  	v12 =	vmul.f32 $3.906250000e-03, v5;
	vm6 =	vge.f32 v5, $2.560000000e+02;
	vm9 =	vge.f32 v4, $6.553600000e+04  }
0x3b: {  	v8 =	vsel vm4, v10, v8;
	v9 =	vmul.f32 $8.500000230e-01, v13;
	v4 =	vsel vm9, v7, v4  }
0x3c: {  	v10 =	vsel vm5, $0x3B000000, v0;
	v11 =	vmul.f32 $2.500000000e-01, v8;
	v14 =	vmul.f32 $6.103515630e-05, v4  }
0x3d: {  	v5 =	vsel vm6, v12, v5;
	v9 =	vmul.f32 $8.500000230e-01, v9;
	vm5 =	vge.f32 v4, $1.638400000e+04  }
0x3e: {  	v15 =	vmul.f32 $1.562500000e-02, v6;
	v12 =	vmul.f32 $1.562500000e-02, v5;
	v4 =	vsel vm5, v14, v4  }
0x3f: {  	vm7 =	vge.f32 v5, $6.400000000e+01;
	v9 =	vsub.f32 $1.500000000e+00, v9;
	v14 =	vmul.f32 $2.441406250e-04, v4  }
0x40: {  	s16 =	simm.s32 $0x30;
	v7 =	vmul.f32 $3.906250000e-03, v10;
	v8 =	vsel vm0, v11, v8;
	vm4 =	vge.f32 v4, $4.096000000e+03  }
0x41: {  	v16 =	vld [tilespmem:s16+$0x2800];
	v5 =	vsel vm7, v12, v5;
	v14 =	vsel vm4, v14, v4;
	v4 =	vmul.f32 $8.500000230e-01, v9  }
0x42: {  	v11 =	vld [tilespmem:s16+$0x1400];
	v6 =	vsel vm3, v15, v6;
	vm3 =	vmmov vm1;
	v12 =	vmul.f32 $6.250000000e-02, v5  }
0x43: {  	v7 =	vsel vm9, v7, v10;
	v15 =	vmul.f32 $3.125000000e-02, v6;
	v10 =	vmul.f32 v4, v13  }
0x44: {  	vm1 =	vge.f32 v5, $1.600000000e+01;
	vm9 =	vmmov vm2;
	vm2 =	vgt.f32 v3, $0.0e+00  }
0x45: {  	v5 =	vsel vm1, v12, v5;
	v12 =	vmul.f32 $5.000000000e-01, v8;
	v10 =	vmul.f32 v10, v4  }
0x46: {  	v6 =	vsel vm8, v15, v6;
	vm0 =	vge.f32 v5, $4.000000000e+00;
	v17 =	vmul.f32 $2.500000000e-01, v5  }
0x47: {  	v3 =	vadd.f32 v16, v11;
	v8 =	vsel vm3, v12, v8;
	v10 =	vsub.f32 $1.500000000e+00, v10  }
0x48: {  	v12 =	vmul.f32 $6.250000000e-02, v6;
	v9 =	vmul.f32 $9.765625000e-04, v14;
	v5 =	vsel vm0, v17, v5  }
0x49: {  	v15 =	vmul.f32 $7.071067690e-01, v8;
	v16 =	vmax.f32 v3, $1.000000000e+00;
	v10 =	vmul.f32 v10, v4  }
0x4a: {  	vm8 =	vge.f32 v14, $1.024000000e+03;
	v17 =	vmul.f32 $5.000000000e-01, v5;
	v6 =	vsel vm6, v12, v6  }
0x4b: {  	vm3 =	vge.f32 v5, $2.000000000e+00;
	v11 =	vmul.f32 $1.250000000e-01, v6;
	v12 =	vmul.f32 v10, v13  }
0x4c: {  	v18 =	vmul.f32 $3.814697270e-06, v16;
	vm6 =	vge.f32 v16, $2.621440000e+05;
	v9 =	vsel vm8, v9, v14  }
0x4d: {  	v4 =	vsel vm3, v17, v5;
	v5 =	vsel vm7, v11, v6;
	v6 =	vmul.f32 v12, v10  }
0x4e: {  	v16 =	vsel vm6, v18, v16;
	v14 =	vmul.f32 $3.906250000e-03, v9;
	v17 =	vmul.f32 $7.812500000e-03, v7  }
0x4f: {  	v19 =	vmul.f32 $1.525878910e-05, v16;
	v4 =	vmul.f32 $5.000000000e-01, v4;
	v18 =	vsub.f32 $1.500000000e+00, v6  }
0x50: {  	v11 =	vsel vm5, v17, v7;
	v6 =	vsel vm9, v15, v8;
	vm9 =	vge.f32 v16, $6.553600000e+04  }
0x51: {  	v12 =	vmul.f32 $8.500000230e-01, v4;
	v16 =	vsel vm9, v19, v16;
	v15 =	vmul.f32 v18, v10  }
0x52: {  	v10 =	vmul.f32 $1.562500000e-02, v11;
	v18 =	vmul.f32 $6.103515630e-05, v16  }
0x53: {  	vm7 =	vge.f32 v9, $2.560000000e+02;
	v12 =	vmul.f32 $8.500000230e-01, v12;
	vm5 =	vge.f32 v16, $1.638400000e+04  }
0x54: {  	v13 =	vmul.f32 v15, v13;
	v10 =	vsel vm4, v10, v11;
	v11 =	vsel vm5, v18, v16  }
0x55: {  	v17 =	vsel vm6, $0x3B000000, v0;
	v7 =	vmul.f32 $2.500000000e-01, v5;
	v16 =	vmul.f32 $2.441406250e-04, v11  }
0x56: {  	v12 =	vsub.f32 $1.500000000e+00, v12;
	vm4 =	vge.f32 v11, $4.096000000e+03;
	v13 =	vmul.f32 v13, v15  }
0x57: {  	v8 =	vmul.f32 $3.906250000e-03, v17;
	v18 =	vsel vm7, v14, v9;
	v9 =	vsel vm4, v16, v11  }
0x58: {  	v16 =	vmul.f32 $1.562500000e-02, v18;
	v14 =	vsub.f32 $1.500000000e+00, v13;
	v13 =	vmul.f32 $8.500000230e-01, v12  }
0x59: {  	v8 =	vsel vm9, v8, v17;
	vm6 =	vge.f32 v18, $6.400000000e+01;
	v11 =	vmul.f32 $9.765625000e-04, v9  }
0x5a: {  	s17 =	simm.s32 $0x100;
	v12 =	vld [tilespmem:s15+$0x0];
	v16 =	vsel vm6, v16, v18;
	v14 =	vmul.f32 v14, v15;
	v15 =	vmul.f32 v13, v4  }
.LBB2_2:
0x5b: {  	v17 =	vmul.f32 $6.250000000e-02, v16;
	v5 =	vsel vm1, v7, v5  }
0x5c: {  	s18 =	sshra.s32 s17, $0x2;
	p0 =	sne.s32 s17, $0x4FC0;
	s17 =	sadd.s32 $0x40, s17;
	v6 =	vmul.f32 v14, v6;
	vm10 =	vmmov vm0;
	vm9 =	vmmov vm3  }
0x5d: {  	v14 =	vmul.f32 $3.125000000e-02, v10;
	vm1 =	vge.f32 v16, $1.600000000e+01;
	v7 =	vld [tilespmem:s18+$0x1400];
	v15 =	vmul.f32 v15, v13  }
0x5e: {  	v18 =	vld [tilespmem:s18+$0x2800];
	v16 =	vsel vm1, v17, v16;
	v17 =	vmul.f32 $5.000000000e-01, v5;
	v6 =	vnsel vm2, $0x0, v6  }
0x5f: {  	vm0 =	vge.f32 v16, $4.000000000e+00;
	v19 =	vmul.f32 $2.500000000e-01, v16;
	v6 =	vmul.f32 v6, v12  }
0x60: {  	v10 =	vsel vm8, v14, v10;
	v12 =	vsel vm10, v17, v5;
	v5 =	vsub.f32 $1.500000000e+00, v15  }
0x61: {  	v14 =	vmul.f32 $6.250000000e-02, v10;
	v15 =	vsel vm0, v19, v16;
	v16 =	vmul.f32 $7.071067690e-01, v12;
	[tilespmem:s15+$0x3C00] =	vst v6;
	s15 =	smov.u32 s13;
	s13 =	smov.u32 s14;
	s14 =	smov.u32 s16  }
0x62: {  	vm2 =	vgt.f32 v1, $0.0e+00;
	v1 =	vmovc v2;
	v2 =	vmovc v3;
	s16 =	smov.u32 s18;
	v6 =	vmul.f32 $5.000000000e-01, v15;
	v13 =	vmul.f32 v5, v13  }
0x63: {  	v5 =	vsel vm7, v14, v10;
	vm3 =	vge.f32 v15, $2.000000000e+00;
	v3 =	vadd.f32 v18, v7  }
0x64: {  	v7 =	vmul.f32 $1.250000000e-01, v5;
	v6 =	vsel vm3, v6, v15;
	v10 =	vmul.f32 v13, v4  }
0x65: {  	v15 =	vmul.f32 $7.812500000e-03, v8;
	v14 =	vmax.f32 v3, $1.000000000e+00;
	v17 =	vmul.f32 $5.000000000e-01, v6  }
0x66: {  	v5 =	vsel vm6, v7, v5;
	v6 =	vmul.f32 $3.814697270e-06, v14;
	v7 =	vmul.f32 v10, v13  }
0x67: {  	vm6 =	vge.f32 v14, $2.621440000e+05;
	v8 =	vsel vm5, v15, v8;
	v10 =	vmul.f32 $8.500000230e-01, v17  }
0x68: {  	v15 =	vsel vm6, $0x3B000000, v0;
	v14 =	vsel vm6, v6, v14;
	v18 =	vsub.f32 $1.500000000e+00, v7  }
0x69: {  	v7 =	vmul.f32 $2.500000000e-01, v5;
	v6 =	vsel vm9, v16, v12;
	v19 =	vmul.f32 $1.525878910e-05, v14  }
0x6a: {  	v16 =	vmul.f32 $3.906250000e-03, v15;
	vm9 =	vge.f32 v14, $6.553600000e+04;
	v12 =	vmul.f32 v18, v13  }
0x6b: {  	v18 =	vmul.f32 $8.500000230e-01, v10;
	v13 =	vsel vm9, v19, v14;
	v14 =	vmul.f32 $1.562500000e-02, v8  }
0x6c: {  	vm8 =	vge.f32 v9, $1.024000000e+03;
	v19 =	vmul.f32 $6.103515630e-05, v13;
	v20 =	vmul.f32 v12, v4;
	v4 =	vmovc v17  }
0x6d: {  	vm5 =	vge.f32 v13, $1.638400000e+04;
	v10 =	vsel vm4, v14, v8;
	v8 =	vsel vm8, v11, v9  }
0x6e: {  	v9 =	vsel vm5, v19, v13;
	v11 =	vmul.f32 $3.906250000e-03, v8;
	v13 =	vmul.f32 v20, v12  }
.Ltmp0:
0x6f: {  	v17 =	vsub.f32 $1.500000000e+00, v18;
	vm7 =	vge.f32 v8, $2.560000000e+02;
	v14 =	vmul.f32 $2.441406250e-04, v9;
	(pc) =	sbr.rel @p0 .LBB2_2-.Ltmp0, $4  }
0x70: {  	vm4 =	vge.f32 v9, $4.096000000e+03;
	v18 =	vsel vm7, v11, v8;
	v8 =	vsub.f32 $1.500000000e+00, v13  }
0x71: {  	v13 =	vmul.f32 $8.500000230e-01, v17;
	v9 =	vsel vm4, v14, v9;
	v19 =	vmul.f32 $1.562500000e-02, v18  }
0x72: {  	vm6 =	vge.f32 v18, $6.400000000e+01;
	v11 =	vmul.f32 $9.765625000e-04, v9;
	v14 =	vmul.f32 v8, v12;
	v12 =	vld [tilespmem:s15+$0x0]  }
0x73: {  	v8 =	vsel vm9, v16, v15;
	v15 =	vmul.f32 v13, v4;
	v16 =	vsel vm6, v19, v18  }
0x74: {  	v17 =	vmul.f32 $6.250000000e-02, v16;
	vm15 =	vge.f32 v9, $1.024000000e+03  }
0x75: {  	vm9 =	vge.f32 v16, $1.600000000e+01;
	v9 =	vsel vm15, v11, v9  }
0x76: {  	v22 =	vsel vm9, v17, v16;
	v23 =	vmul.f32 $3.906250000e-03, v9  }
0x77: {  	vm13 =	vge.f32 v9, $2.560000000e+02;
	v17 =	vmul.f32 $2.500000000e-01, v22  }
0x78: {  	vm10 =	vge.f32 v22, $4.000000000e+00;
	v9 =	vsel vm13, v23, v9  }
0x79: {  	v11 =	vsel vm10, v17, v22;
	v16 =	vmul.f32 $1.562500000e-02, v9  }
0x7a: {  	vm12 =	vge.f32 v9, $6.400000000e+01;
	v17 =	vmul.f32 $5.000000000e-01, v11  }
0x7b: {  	vm14 =	vge.f32 v11, $2.000000000e+00;
	v9 =	vsel vm12, v16, v9  }
0x7c: {  	v11 =	vsel vm14, v17, v11;
	v16 =	vmul.f32 $6.250000000e-02, v9  }
0x7d: {  	vm11 =	vge.f32 v9, $1.600000000e+01;
	v11 =	vmul.f32 $5.000000000e-01, v11  }
0x7e: {  	v9 =	vsel vm11, v16, v9  }
0x7f: {  	v24 =	vimm.s32 $0x0;
	v25 =	vmul.f32 $8.500000230e-01, v11;
	v26 =	vmul.f32 $2.500000000e-01, v9  }
0x80: {  	v15 =	vmul.f32 v15, v13;
	v17 =	vsel vm11, $0xFFFFFFFF, v24;
	vm11 =	vge.f32 v9, $4.000000000e+00  }
0x81: {  	v18 =	vimm.s32 $0x0;
	v16 =	vmul.f32 $8.500000230e-01, v25;
	v9 =	vsel vm11, v26, v9  }
0x82: {  	v27 =	vmul.f32 $3.125000000e-02, v10;
	v15 =	vsub.f32 $1.500000000e+00, v15;
	[tilespmem:$0x1FFE0] =	vst v17;
	v17 =	vmul.f32 $5.000000000e-01, v9  }
0x83: {  	v18 =	vsel vm11, $0xFFFFFFFF, v18;
	vm11 =	vge.f32 v9, $2.000000000e+00;
	v16 =	vsub.f32 $1.500000000e+00, v16  }
0x84: {  	v6 =	vmul.f32 v14, v6;
	v28 =	vmul.f32 v15, v13;
	v9 =	vsel vm11, v17, v9  }
0x85: {  	v29 =	vmul.f32 $8.500000230e-01, v16;
	v9 =	vmul.f32 $5.000000000e-01, v9  }
0x86: {  	v37 =	vmul.f32 $7.812500000e-03, v8;
	v31 =	vmul.f32 v28, v4  }
0x87: {  	v5 =	vsel vm1, v7, v5;
	v32 =	vmul.f32 v29, v11;
	v19 =	vmul.f32 $8.500000230e-01, v9  }
0x88: {  	v36 =	vmul.f32 $5.000000000e-01, v5;
	v10 =	vsel vm8, v27, v10;
	v33 =	vmul.f32 v31, v28  }
0x89: {  	v8 =	vsel vm5, v37, v8;
	v34 =	vmul.f32 v32, v29;
	v35 =	vmul.f32 $8.500000230e-01, v19  }
0x8a: {  	v6 =	vnsel vm2, $0x0, v6;
	v30 =	vmul.f32 $6.250000000e-02, v10;
	v7 =	vsub.f32 $1.500000000e+00, v33  }
0x8b: {  	v40 =	vmul.f32 $1.562500000e-02, v8;
	v16 =	vsub.f32 $1.500000000e+00, v34;
	v17 =	vsub.f32 $1.500000000e+00, v35  }
0x8c: {  	vm0 =	vmmov vm0;
	v6 =	vmul.f32 v6, v12;
	v7 =	vmul.f32 v7, v28  }
0x8d: {  	v5 =	vsel vm0, v36, v5;
	v15 =	vmul.f32 v16, v29;
	v39 =	vmul.f32 $8.500000230e-01, v17  }
0x8e: {  	v46 =	vmul.f32 $7.071067690e-01, v5;
	v41 =	vmul.f32 v7, v4  }
0x8f: {  	v10 =	vsel vm7, v30, v10;
	v42 =	vmul.f32 v15, v11;
	v43 =	vmul.f32 v39, v9  }
0x90: {  	v38 =	vmul.f32 $1.250000000e-01, v10;
	v4 =	vmul.f32 v41, v7  }
0x91: {  	v8 =	vsel vm4, v40, v8;
	v44 =	vmul.f32 v42, v15;
	v45 =	vmul.f32 v43, v39  }
0x92: {  	vm8 =	vmmov vm10;
	v48 =	vmul.f32 $3.125000000e-02, v8;
	v4 =	vsub.f32 $1.500000000e+00, v4  }
0x93: {  	v10 =	vsel vm6, v38, v10;
	v13 =	vsub.f32 $1.500000000e+00, v44;
	v14 =	vsub.f32 $1.500000000e+00, v45  }
0x94: {  	[tilespmem:s15+$0x3C00] =	vst v6;
	vm6 =	vmmov vm3;
	v47 =	vmul.f32 $2.500000000e-01, v10;
	v4 =	vmul.f32 v4, v7  }
0x95: {  	v49 =	vld [tilespmem:s13+$0x0];
	v5 =	vsel vm6, v46, v5;
	v50 =	vmul.f32 v13, v15;
	v51 =	vmul.f32 v14, v39  }
0x96: {  	vm7 =	vgt.f32 v1, $0.0e+00;
	v52 =	vsel vm15, v48, v8;
	v1 =	vmul.f32 v4, v5  }
0x97: {  	v10 =	vsel vm9, v47, v10;
	v53 =	vmul.f32 v50, v11;
	v54 =	vmul.f32 v51, v9  }
0x98: {  	vm10 =	vgt.f32 v2, $0.0e+00;
	v56 =	vmul.f32 $6.250000000e-02, v52;
	v55 =	vmul.f32 $5.000000000e-01, v10  }
0x99: {  	v1 =	vnsel vm7, $0x0, v1;
	v5 =	vmul.f32 v53, v50;
	v6 =	vmul.f32 v54, v51  }
0x9a: {  	v2 =	vld [tilespmem:$0x1FFE0];
	[tilespmem:$0x1FFF0] =	vst v18;
	v57 =	vsel vm8, v55, v10;
	v4 =	vsel vm13, v56, v52;
	v1 =	vmul.f32 v1, v49  }
0x9b: {  	v62 =	vld [tilespmem:$0x1FFF0];
	v58 =	vmul.f32 $1.250000000e-01, v4;
	v5 =	vsub.f32 $1.500000000e+00, v5;
	v6 =	vsub.f32 $1.500000000e+00, v6  }
0x9c: {  	vm9 =	vmmov vm14;
	v10 =	vmul.f32 $7.071067690e-01, v57;
	[tilespmem:s13+$0x3C00] =	vst v1  }
0x9d: {  	v1 =	vsel vm12, v58, v4;
	v60 =	vld [tilespmem:s14+$0x0];
	v59 =	vmul.f32 v5, v50;
	v6 =	vmul.f32 v6, v51  }
0x9e: {  	v7 =	vsel vm9, v10, v57;
	v8 =	vmul.f32 $2.500000000e-01, v1  }
0x9f: {  	vm12 =	vnez.u8 v2;
	v4 =	vmul.f32 v59, v7;
	v61 =	vmul.f32 v6, v9  }
0xa0: {  	vm13 =	vnez.u8 v62;
	v1 =	vsel vm12, v8, v1  }
0xa1: {  	v2 =	vmul.f32 $5.000000000e-01, v1;
	v4 =	vnsel vm10, $0x0, v4;
	v7 =	vmul.f32 v61, v6  }
0xa2: {  	vm0 =	vmmov vm13;
	v4 =	vmul.f32 v4, v60  }
0xa3: {  	v1 =	vsel vm0, v2, v1;
	v2 =	vsub.f32 $1.500000000e+00, v7  }
0xa4: {  	v63 =	vmul.f32 $7.071067690e-01, v1;
	[tilespmem:s14+$0x3C00] =	vst v4  }
0xa5: {  	vm14 =	vmmov vm11;
	v2 =	vmul.f32 v2, v6;
	v4 =	vld [tilespmem:s16+$0x0]  }
0xa6: {  	v1 =	vsel vm14, v63, v1  }
0xa7: {  	v1 =	vmul.f32 v2, v1  }
0xa8: {  	vm15 =	vgt.f32 v3, $0.0e+00  }
0xa9: {  	v1 =	vnsel vm15, $0x0, v1  }
0xaa: {  	s12 =	sadd.s32 $0x1, s12;
	v1 =	vmul.f32 v1, v4  }
0xab: {  	p0 =	sne.s32 s12, s7  }
.Ltmp1:
0xac: {  	[tilespmem:s16+$0x3C00] =	vst v1;
	(pc) =	sbr.rel @p0 .LBB2_1-.Ltmp1, $4  }
0xad: {  	[hbm4b:s6+s2] =	stream.linear.scatter [tilespmem:s11], [sflag:$0x1], $0x1400, $0x38;
	[tilespmem:$0x5000] =	vst v63  }
0xae: {  	_ =	swait.ge [sflag:s8], $0x1400  }
0xaf: {  	[sflag:s8] =	ssyncset.done $0x0  }
0xb0: {  	[sflag:s8] =	ssyncadd.s32 $0xFFFFEC00  }
0xb1: {  	_ =	sfence.sel $0x180000  }
0xb2: {  	[bflag:$0x0] =	sbarrier.arrive $0xFFFF  }
0xb3: {  	p0 =	sne.s32 s0, $0x0;
	_ =	strace $0x9000004A  }
0xb4: {  	s0 =	sadd.s32 @!p0 $0x100000, s1;
	[bflag:$0x2] =	sbarrier.arrive $0xFFFF  }
0xb5: {  	[sflag:s0] =	ssyncadd.tile.s32 @!p0 $0x1;
	_ =	shalt  }
.Lfunc_end2:
_tile_overlayer_lowered:
.L_overlay_start_2:
0xb6: {  	(tag) =	ssettag $0x2  }
0xb7: {  	s0 =	rddreg [dreg:$0x0];
	s2 =	stileid.u32  }
0xb8: {  	s1 =	rddreg [dreg:$0x1];
	p0 =	sne.s32 s2, $0x0  }
0xb9: {  	s3 =	rddreg [dreg:$0x2];
	[bflag:$0x3] =	sbarrier.arrive $0xFFFF;
	s2 =	simm.s32 @!p0 $0x1C01  }
0xba: {  	[timem:s3], [sflag:s2] =	dma.local @!p0 [hbm:s0], s1  }
0xbb: {  	s0 =	simm.s32 @!p0 $0x1  }
0xbc: {  	_ =	swait.ge @!p0 [sflag:s0], s1  }
0xbd: {  	s1 =	ssub.s32 @!p0 $0x0, s1;
	[sflag:s0] =	ssyncset.done @!p0 $0x0  }
0xbe: {  	[sflag:s0] =	ssyncadd.s32 @!p0 s1  }
0xbf: {  	[bflag:$0x3] =	sbarrier.arrive $0xFFFF  }
0xc0: {  	_ =	shalt  }

// kernel: kernel.13.cloned.1.call-start
scs
__scs_entry_jumppad:
0x0: {  	(pc) =	sbr.rel $0x88, $3  }
0x1: {  	(tag) =	ssettag $0x0;
	lr =	simm.s32 $0x1  }
0x2: {  	[smem:$0x3F9D] =	sst lr;
	_ =	strace $0xD0000000  }
0x3: {  	_ = 	snop  }
0x4: {  	_ = 	snop  }
0x5: {  	_ = 	snop  }
0x6: {  	_ = 	snop  }
0x7: {  	_ = 	snop  }
__scs_overlays_trampoline_lowered:
0x8: {  	[smem:$0x3FAC] =	sst s0  }
0x9: {  	[smem:$0x3FAD] =	sst s1  }
0xa: {  	[smem:$0x3FAE] =	sst s2  }
0xb: {  	[smem:$0x3FAF] =	sst s3  }
0xc: {  	[smem:$0x3FB0] =	sst s4  }
0xd: {  	[smem:$0x3FB1] =	sst s5  }
0xe: {  	[smem:$0x3FB2] =	sst s6  }
0xf: {  	[smem:$0x3FB3] =	sst s7  }
0x10: {  	[smem:$0x3FB4] =	sst s8  }
0x11: {  	[smem:$0x3FB5] =	sst s9;
	s0 =	simm.s32 @!p0 $0x0  }
0x12: {  	s1 =	sld [smem:$0x3F9B];
	s0 =	simm.s32 @p0 $0x1  }
0x13: {  	[smem:$0x3FB6] =	sst s0;
	s0 =	simm.s32 @!p1 $0x0  }
0x14: {  	s2 =	sld [smem:$0x3F9A];
	s0 =	simm.s32 @p1 $0x1  }
0x15: {  	[smem:$0x3FB7] =	sst s0;
	s0 =	simm.s32 @!p2 $0x0  }
0x16: {  	s3 =	sld [smem:$0x3FDB];
	s0 =	simm.s32 @p2 $0x1  }
0x17: {  	s4 =	simm.s32 $0x1BF5;
	[smem:$0x3FB9] =	sst s0  }
0x18: {  	s0 =	sld [smem:$0x3F9C];
	_ =	swait.ge [sflag:s4], $0x0  }
0x19: {  	s7 =	sld [smem:$0x3F9D]  }
0x1a: {  	s8 =	sadd.s32 $0xFFFFE003, lr  }
0x1b: {  	s9 =	sadd.s32 $0xFFFFFEF7, lr;
	s5 =	simm.s32 $0xFFFFFFFF;
	p2 =	slt.u32 s8, $0xFFFFF086  }
0x1c: {  	p1 =	slt.u32 s9, $0xF7A;
	s5 =	simm.s32 @!p2 $0x0  }
0x1d: {  	s5 =	simm.s32 @p1 $0x1;
	p0 =	seq.s32 s7, s2  }
0x1e: {  	s7 =	smul.u32 @!p0 $0xF7A, s2;
	p2 =	seq.s32 @!p0 s5, $0x0  }
0x1f: {  	s9 =	smul.u32 $0xF7A, s1;
	s8 =	simm.s32 @!p0 $0x1BF5;
	p2 =	por !p2, p0  }
0x20: {  	[sflag:s8] =	ssyncset.s32 @!p0 $0xFFFFF086;
	s6 =	sadd.s32 @!p0 s3, s7;
	s7 =	simm.s32 @!p0 $0x108  }
0x21: {  	s3 =	sadd.s32 s3, s9;
	s6 =	sadd.s32 @!p0 $0x88, s6;
	s7 =	simm.s32 @p2 $0x1082  }
0x22: {  	[simem:s7], [sflag:s8] =	dma.local @!p0 [hbm:s6], $0xF7A  }
0x23: {  	s9 =	sor.u32 $0xD0000000, s2;
	s6 =	simm.s32 $0x108;
	_ =	swait.ge @!p0 [sflag:s8], $0x0  }
0x24: {  	s3 =	sadd.s32 $0x88, s3;
	s6 =	simm.s32 @!p1 $0x1082;
	[sflag:s4] =	ssyncset.s32 $0xFFFFF086  }
0x25: {  	[simem:s6], [sflag:s4] =	dma.local [hbm:s3], $0xF7A  }
0x26: {  	[smem:$0x3F9D] =	sst s1;
	(tag) =	ssettag s2;
	_ =	strace s9  }
0x27: {  	s1 =	sld [smem:$0x3FAD]  }
0x28: {  	s2 =	sld [smem:$0x3FAE]  }
0x29: {  	s4 =	sld [smem:$0x3FB0]  }
0x2a: {  	p0 =	seq.s32 s5, $0x0;
	s5 =	sld [smem:$0x3FB1]  }
0x2b: {  	s6 =	sld [smem:$0x3FB2]  }
0x2c: {  	s7 =	sld [smem:$0x3FB3]  }
0x2d: {  	s3 =	simm.s32 $0x108;
	s8 =	sld [smem:$0x3FB4]  }
0x2e: {  	s3 =	simm.s32 @!p0 $0x1082;
	s9 =	sld [smem:$0x3FB5]  }
0x2f: {  	lr =	sadd.s32 s0, s3;
	s0 =	sld [smem:$0x3FAC]  }
0x30: {  	s3 =	sld [smem:$0x3FAF]  }
0x31: {  	[smem:$0x3FB8] =	sst s10  }
0x32: {  	s10 =	sld [smem:$0x3FB6];
	_ =	sdelay $0x3  }
0x33: {  	p0 =	seq.s32 s10, $0x1;
	s10 =	sld [smem:$0x3FB8];
	_ =	sdelay $0x3  }
0x34: {  	[smem:$0x3FB8] =	sst s10  }
0x35: {  	s10 =	sld [smem:$0x3FB7];
	_ =	sdelay $0x3  }
0x36: {  	p1 =	seq.s32 s10, $0x1;
	s10 =	sld [smem:$0x3FB8];
	_ =	sdelay $0x3  }
0x37: {  	[smem:$0x3FB8] =	sst s10  }
0x38: {  	s10 =	sld [smem:$0x3FB9]  }
0x39: {  	_ = 	snop;
	(pc) =	sbr.ind lr, $3  }
0x3a: {  	_ = 	snop  }
0x3b: {  	_ = 	snop  }
0x3c: {  	p2 =	seq.s32 s10, $0x1;
	s10 =	sld [smem:$0x3FB8]  }
0x3d: {  	_ =	shalt  }
0x3e: {  	_ =	shalt  }
0x3f: {  	_ =	shalt  }
0x40: {  	_ =	shalt  }
0x41: {  	_ =	shalt  }
0x42: {  	_ =	shalt  }
0x43: {  	_ =	shalt  }
0x44: {  	_ =	shalt  }
0x45: {  	_ =	shalt  }
0x46: {  	_ =	shalt  }
0x47: {  	_ =	shalt  }
0x48: {  	_ =	shalt  }
0x49: {  	_ =	shalt  }
0x4a: {  	_ =	shalt  }
0x4b: {  	_ =	shalt  }
0x4c: {  	_ =	shalt  }
0x4d: {  	_ =	shalt  }
0x4e: {  	_ =	shalt  }
0x4f: {  	_ =	shalt  }
0x50: {  	_ =	shalt  }
0x51: {  	_ =	shalt  }
0x52: {  	_ =	shalt  }
0x53: {  	_ =	shalt  }
0x54: {  	_ =	shalt  }
0x55: {  	_ =	shalt  }
0x56: {  	_ =	shalt  }
0x57: {  	_ =	shalt  }
0x58: {  	_ =	shalt  }
0x59: {  	_ =	shalt  }
0x5a: {  	_ =	shalt  }
0x5b: {  	_ =	shalt  }
0x5c: {  	_ =	shalt  }
0x5d: {  	_ =	shalt  }
0x5e: {  	_ =	shalt  }
0x5f: {  	_ =	shalt  }
0x60: {  	_ =	shalt  }
0x61: {  	_ =	shalt  }
0x62: {  	_ =	shalt  }
0x63: {  	_ =	shalt  }
0x64: {  	_ =	shalt  }
0x65: {  	_ =	shalt  }
0x66: {  	_ =	shalt  }
0x67: {  	_ =	shalt  }
0x68: {  	_ =	shalt  }
0x69: {  	_ =	shalt  }
0x6a: {  	_ =	shalt  }
0x6b: {  	_ =	shalt  }
0x6c: {  	_ =	shalt  }
0x6d: {  	_ =	shalt  }
0x6e: {  	_ =	shalt  }
0x6f: {  	_ =	shalt  }
0x70: {  	_ =	shalt  }
0x71: {  	_ =	shalt  }
0x72: {  	_ =	shalt  }
0x73: {  	_ =	shalt  }
0x74: {  	_ =	shalt  }
0x75: {  	_ =	shalt  }
0x76: {  	_ =	shalt  }
0x77: {  	_ =	shalt  }
0x78: {  	_ =	shalt  }
0x79: {  	_ =	shalt  }
0x7a: {  	_ =	shalt  }
0x7b: {  	_ =	shalt  }
0x7c: {  	_ =	shalt  }
0x7d: {  	_ =	shalt  }
0x7e: {  	_ =	shalt  }
0x7f: {  	_ =	shalt  }
0x80: {  	_ =	shalt  }
0x81: {  	_ =	shalt  }
0x82: {  	_ =	shalt  }
0x83: {  	_ =	shalt  }
0x84: {  	_ =	shalt  }
0x85: {  	_ =	shalt  }
0x86: {  	_ =	shalt  }
0x87: {  	_ =	shalt  }
.Lfunc_end0:
.L_simem_size_0:
called_computation.2_lowered:
.L_overlay_start_0:
0x88: {  	s2 =	sld [smem:$0x3FD9]  }
0x89: {  	s3 =	sld [smem:$0x3FFE];
	_ =	sdelay $0x1  }
0x8a: {  	s1 =	srdreg.scid  }
0x8b: {  	s0 =	sand.u32 $0x1, s1  }
0x8c: {  	s16 =	sshll.u32 s0, $0xA;
	s2 =	sadd.s32 s3, s2  }
0x8d: {  	s2 =	sadd.s32 s2, s16  }
0x8e: {  	[smem:$0x3FC4] =	sst s2  }
0x8f: {  	_ = 	snop  }
0x90: {  	(tm) =	ssettm $0x1  }
0x91: {  	s17 =	sld [smem:$0x3FFB];
	_ =	sdelay $0x3  }
0x92: {  	_ =	strace s17  }
0x93: {  	s2 =	sld [smem:$0x3FFC];
	_ =	sdelay $0x3  }
0x94: {  	_ =	strace s2  }
0x95: {  	s2 =	sld [smem:$0x3FFD];
	_ =	sdelay $0x3  }
0x96: {  	_ =	strace s2  }
0x97: {  	_ =	strace $0x8FFFFFFF  }
0x98: {  	s18 =	sld [smem:$0x3FDB];
	_ =	sdelay $0x1  }
0x99: {  	s19 =	simm.s32 $_scs_section_size  }
0x9a: {  	s4 =	simm.s32 $_size__tile_overlayer_lowered;
	s5 =	simm.s32 $_tile_overlayer_lowered  }
0x9b: {  	s22 =	simm.s32 $0x1BFF;
	s21 =	sshll.u32 s5, $0x1;
	s2 =	sadd.s32 s19, s18  }
0x9c: {  	s6 =	simm.s32 $0x0;
	s20 =	sshll.u32 s4, $0x1;
	s4 =	sadd.s32 s21, s2  }
0x9d: {  	[timem:s6], [sflag:s22] =	dma.local [hbm:s4], s20  }
0x9e: {  	_ =	swait.ge [sflag:s22], s20  }
0x9f: {  	s3 =	ssub.s32 $0x0, s20;
	[sflag:s22] =	ssyncset.done $0x0  }
0xa0: {  	[sflag:s22] =	ssyncadd.s32 s3;
	_ =	sdelay $0x1  }
0xa1: {  	s23 =	simm.s32 $0x1B8B  }
0xa2: {  	_ =	swait.ge [sflag:s23], $0x1  }
0xa3: {  	[sflag:s23] =	ssyncset.done $0x0  }
0xa4: {  	s25 =	simm.s32 $0x1B8E;
	s24 =	sld [smem:$0x3FFE];
	[sflag:s23] =	ssyncadd.s32 $0xFFFFFFFF  }
0xa5: {  	s26 =	simm.s32 $execute0_lowered;
	[smem:$0x3FD2] =	sst s25  }
0xa6: {  	s4 =	sshll.u32 s26, $0x1;
	_ =	strace $0x8000004C;
	[dreg:$0x1] =	wrdreg $0xFFFFFFFF  }
0xa7: {  	s28 =	simm.s32 $_size_execute0_lowered;
	s2 =	sadd.s32 s2, s4;
	[dreg:$0x0] =	wrdreg $0x0  }
0xa8: {  	s4 =	sshll.u32 s28, $0x1;
	[dreg:$0x2] =	wrdreg s2  }
0xa9: {  	[dreg:$0x3] =	wrdreg s4  }
0xaa: {  	[dreg:$0x4] =	wrdreg $0xC0  }
0xab: {  	_ =	task [dreg:s6], $0x5FFFF  }
0xac: {  	[dreg:$0x1] =	wrdreg $0xFFFFFFFF  }
0xad: {  	[dreg:$0x0] =	wrdreg $0x60  }
0xae: {  	[dreg:$0x2] =	wrdreg s24  }
0xaf: {  	[dreg:$0x3] =	wrdreg $0xFF000  }
0xb0: {  	[dreg:$0x4] =	wrdreg $0x127000  }
0xb1: {  	[dreg:$0x5] =	wrdreg $0x9  }
0xb2: {  	_ =	task.clear_ibuf [dreg:s6], $0x6FFFF;
	_ =	strace $0x9000004C  }
0xb3: {  	s29 =	simm.s32 $0x9;
	_ =	strace $0x8000004E  }
0xb4: {  	_ =	swait.ge [sflag:s29], $0x1  }
0xb5: {  	[sflag:s29] =	ssyncadd.s32 $0xFFFFFFFF  }
0xb6: {  	_ =	strace $0x9000004E  }
0xb7: {  	_ =	sfence  }
0xb8: {  	s30 =	sld [smem:$0x0];
	_ =	sdelay $0x2  }
0xb9: {  	s31 =	sshll.u32 s1, $0xD;
	s1 =	sshrl.u32 s1, $0x2  }
0xba: {  	s3 =	sand.u32 $0x4000, s31;
	s1 =	sadd.s32 s1, s30  }
0xbb: {  	s0 =	sor.u32 s3, s0;
	s1 =	sshll.u32 s1, $0x11  }
0xbc: {  	s0 =	sor.u32 s1, s0  }
0xbd: {  	s0 =	sadd.s32 $0x8F2B, s0  }
0xbe: {  	[sflag:s0] =	ssyncadd.remote.s32 $0x1  }
0xbf: {  	_ =	sfence.sel $0xFFFF  }
0xc0: {  	[dreg:$0x0] =	wrdreg $0xFFFFFFFF;
	(pc) =	sbr.abs _section_cstart, $3  }
0xc1: {  	[dreg:$0x1] =	wrdreg $0xFFFFFFFF  }
0xc2: {  	_ =	task.clear_ibuf [dreg:s6], $0x2FFFF;
	_ =	strace $0x9FFFFFFF  }
0xc3: {  	(tm) =	ssettm $0x7FFFFFFF  }
tec
execute0_lowered:
.L_overlay_start_1:
0x0: {  	(tag) =	ssettag $0x1  }
0x1: {  	s0 =	rddreg [dreg:$0x0]  }
0x2: {  	s1 =	rddreg [dreg:$0x1]  }
0x3: {  	s2 =	rddreg [dreg:$0x2]  }
0x4: {  	s3 =	simm.s32 $0x0;
	s29 =	srdreg.scid;
	s10 =	stileid.u32  }
0x5: {  	s19 =	simm.s32 $0x80;
	s20 =	simm.s32 $0x780;
	s21 =	simm.s32 $0xC700  }
0x6: {  	s22 =	simm.s32 $0x1;
	s23 =	simm.s32 $0xCF00;
	s24 =	simm.s32 $0x2  }
0x7: {  	s25 =	simm.s32 $0x0;
	[smem:$0x7FF] =	sst s3;
	s4 =	sadd.s32 $0x24C00, s0  }
0x8: {  	s5 =	sadd.s32 $0x2200, s0;
	s14 =	sadd.s32 $0x15C00, s0;
	s3 =	sand.u32 $0x1, s29  }
0x9: {  	s13 =	sadd.s32 $0x1AC00, s0;
	s15 =	sadd.s32 $0x1FC00, s0;
	s0 =	sadd.s32 $0x29C00, s0  }
0xa: {  	s16 =	smul.u32 $0x2800, s10;
	s11 =	sshll.u32 s10, $0x4;
	s6 =	sshll.u32 s3, $0x4  }
0xb: {  	_ =	strace $0x8000004D;
	s7 =	ssub.s32 $0x2, s3;
	s17 =	sor.u32 s10, s6  }
0xc: {  	s8 =	sshrl.u32 s7, $0x1;
	s6 =	simm.s32 $0x4F;
	s31 =	sshrl.u32 s16, $0x3  }
0xd: {  	s9 =	smul.u32 $0x2700, s17;
	p0 =	slt.u32 s17, $0x4;
	s18 =	ssub.s32 s7, s8  }
0xe: {  	s7 =	sadd.s32 s16, s1;
	s6 =	simm.s32 @!p0 $0x4E;
	p0 =	seq.s32 s3, $0x1  }
0xf: {  	s3 =	simm.s32 $0x700;
	s30 =	sshrl.u32 s9, $0x3;
	s9 =	sadd.s32 s16, s2  }
0x10: {  	s14 =	smov.u32 @p0 s13;
	s15 =	smov.u32 @p0 s0;
	s13 =	smax.u32 s18, $0x1  }
0x11: {  	s16 =	sshll.u32 s6, $0xD;
	p0 =	sgt.u32 s17, $0x3;
	s17 =	simm.s32 $0xD700  }
0x12: {  	s18 =	simm.s32 $0x3;
	s8 =	sadd.s32 s5, s30;
	s5 =	sadd.s32 s11, s5  }
0x13: {  	s14 =	sadd.s32 s14, s31;
	s15 =	sadd.s32 s15, s31;
	s10 =	sadd.s32 $0x9C40, s8  }
0x14: {  	v0 =	vimm.f32 $1.000000000e+00;
	v1 =	vimm.f32 $0.0e+00;
	s11 =	sadd.s32 $0x9C00, s5;
	s12 =	sadd.s32 $0x13840, s5;
	s5 =	simm.s32 $0xBF00  }
.LBB2_1:
0x15: {  	s26 =	simm.s32 $0x0  }
.LBB2_2:
0x16: {  	p1 =	sne.s32 s26, $0x1FC0  }
.Ltmp0:
0x17: {  	_ = 	snop;
	(pc) =	sbr.rel @p1 .LBB2_2-.Ltmp0, $4  }
0x18: {  	_ = 	snop  }
0x19: {  	s28 =	sshra.s32 s26, $0x2  }
0x1a: {  	[tilespmem:s28+$0xCF00] =	vst v0  }
0x1b: {  	s26 =	sadd.s32 $0x40, s26;
	[tilespmem:s28+$0xD700] =	vst v1  }
0x1c: {  	s26 =	simm.s32 $0x40;
	s28 =	simm.s32 $0x0  }
.LBB2_4:
0x1d: {  	p1 =	sne.s32 s26, $0x7FC0;
	[tilespmem:s28+$0xDF00] =	vst v1;
	s28 =	smov.u32 s26;
	s26 =	sadd.s32 $0x40, s26  }
.Ltmp1:
0x1e: {  	(pc) =	sbr.rel @p1 .LBB2_4-.Ltmp1, $2  }
0x1f: {  	_ =	sdelay $0x2  }
0x20: {  	s28 =	sshra.s32 s28, $0x2  }
0x21: {  	[tilespmem:s28+$0xDF00] =	vst v1  }
0x22: {  	[spmem:s7] =	stream.linear.scatter [tilespmem:s17], [sflag:$0x3], $0x2800, $0x38;
	[tilespmem:$0x14F00] =	vst v63  }
0x23: {  	_ =	swait.ge [sflag:s18], $0x2800  }
0x24: {  	[sflag:s18] =	ssyncset.done $0x0  }
0x25: {  	[sflag:s18] =	ssyncadd.s32 $0xFFFFD800  }
0x26: {  	[spmem:s9] =	stream.linear.scatter [tilespmem:s17], [sflag:$0x3], $0x2800, $0x38;
	[tilespmem:$0x14F00] =	vst v63  }
0x27: {  	_ =	swait.ge [sflag:s18], $0x2800  }
0x28: {  	[sflag:s18] =	ssyncset.done $0x0  }
0x29: {  	s0 =	simm.s32 $0x0;
	[sflag:s18] =	ssyncadd.s32 $0xFFFFD800  }
0x2a: {  	[tilespmem:s0], [sflag:$0x3] =	stream.linear.gather [hbm4b:s8+s0], $0x2700, $0x38;
	[tilespmem:$0x14F00] =	vst v63  }
0x2b: {  	_ =	swait.ge [sflag:s18], $0x2700  }
0x2c: {  	[sflag:s18] =	ssyncset.done $0x0  }
0x2d: {  	s26 =	simm.s32 @p0 $0x0;
	s28 =	simm.s32 @p0 $0x2780;
	[sflag:s18] =	ssyncadd.s32 $0xFFFFD900  }
0x2e: {  	[tilespmem:s28], [sflag:$0x3] =	stream.linear.gather @p0 [hbm4b:s10+s26], $0x2700, $0x38;
	[tilespmem:$0x14F00] =	vst v63  }
0x2f: {  	s26 =	simm.s32 @p0 $0x3  }
0x30: {  	_ =	swait.ge @p0 [sflag:s26], $0x2700  }
0x31: {  	[sflag:s26] =	ssyncset.done @p0 $0x0  }
0x32: {  	s28 =	simm.s32 @!p0 $0x2700;
	[sflag:s26] =	ssyncadd.s32 @p0 $0xFFFFD900;
	s26 =	simm.s32 @!p0 $0x0  }
0x33: {  	[tilespmem:s28], [sflag:$0x3] =	stream.linear.gather @!p0 [hbm4b:s11+s26], $0x80, $0x38;
	[tilespmem:$0x14F00] =	vst v63  }
0x34: {  	s28 =	simm.s32 @!p0 $0x3  }
0x35: {  	_ =	swait.ge @!p0 [sflag:s28], $0x80  }
0x36: {  	[sflag:s28] =	ssyncset.done @!p0 $0x0  }
0x37: {  	s29 =	simm.s32 @!p0 $0x2780;
	[sflag:s28] =	ssyncadd.s32 @!p0 $0xFFFFFF80  }
0x38: {  	[tilespmem:s29], [sflag:$0x3] =	stream.linear.gather @!p0 [hbm4b:s10+s26], $0x2700, $0x38;
	[tilespmem:$0x14F00] =	vst v63  }
0x39: {  	_ =	swait.ge @!p0 [sflag:s28], $0x2700  }
0x3a: {  	[sflag:s28] =	ssyncset.done @!p0 $0x0  }
0x3b: {  	s29 =	simm.s32 @!p0 $0x4E80;
	[sflag:s28] =	ssyncadd.s32 @!p0 $0xFFFFD900  }
0x3c: {  	[tilespmem:s29], [sflag:$0x3] =	stream.linear.gather @!p0 [hbm4b:s12+s26], $0x80, $0x38;
	[tilespmem:$0x14F00] =	vst v63  }
0x3d: {  	_ =	swait.ge @!p0 [sflag:s28], $0x80  }
0x3e: {  	[sflag:s28] =	ssyncset.done @!p0 $0x0  }
0x3f: {  	[sflag:s28] =	ssyncadd.s32 @!p0 $0xFFFFFF80  }
0x40: {  	s31 =	simm.s32 $0x4F00;
	s26 =	simm.s32 $0x0;
	[bflag:$0x0] =	sbarrier.arrive $0xFFFF  }
0x41: {  	[tilespmem:s31], [sflag:$0x1] =	stream.indirect.gather [hbm4b:s4+s19], $0x10, s26, s19, $0xb8;
	[tilespmem:$0x14F00] =	vst v63  }
0x42: {  	s31 =	simm.s32 $0x5700  }
0x43: {  	[tilespmem:s31], [sflag:$0x1] =	stream.indirect.gather [hbm4b:s4+s19], $0x10, s19, s19, $0xb8;
	[tilespmem:$0x14F00] =	vst v63  }
0x44: {  	s28 =	simm.s32 $0x5F00;
	s31 =	simm.s32 $0x100  }
0x45: {  	[tilespmem:s28], [sflag:$0x1] =	stream.indirect.gather [hbm4b:s4+s19], $0x10, s31, s19, $0xb8;
	[tilespmem:$0x14F00] =	vst v63  }
0x46: {  	s31 =	simm.s32 $0x180;
	s28 =	simm.s32 $0x6700  }
0x47: {  	[tilespmem:s28], [sflag:$0x1] =	stream.indirect.gather [hbm4b:s4+s19], $0x10, s31, s19, $0xb8;
	[tilespmem:$0x14F00] =	vst v63  }
0x48: {  	s31 =	simm.s32 $0x200;
	s28 =	simm.s32 $0x6F00  }
0x49: {  	[tilespmem:s28], [sflag:$0x1] =	stream.indirect.gather [hbm4b:s4+s19], $0x10, s31, s19, $0xb8;
	[tilespmem:$0x14F00] =	vst v63  }
0x4a: {  	s31 =	simm.s32 $0x280;
	s28 =	simm.s32 $0x7700  }
0x4b: {  	[tilespmem:s28], [sflag:$0x1] =	stream.indirect.gather [hbm4b:s4+s19], $0x10, s31, s19, $0xb8;
	[tilespmem:$0x14F00] =	vst v63  }
0x4c: {  	s31 =	simm.s32 $0x300;
	s28 =	simm.s32 $0x7F00  }
0x4d: {  	[tilespmem:s28], [sflag:$0x1] =	stream.indirect.gather [hbm4b:s4+s19], $0x10, s31, s19, $0xb8;
	[tilespmem:$0x14F00] =	vst v63  }
0x4e: {  	s31 =	simm.s32 $0x380;
	s28 =	simm.s32 $0x8700  }
0x4f: {  	[tilespmem:s28], [sflag:$0x1] =	stream.indirect.gather [hbm4b:s4+s19], $0x10, s31, s19, $0xb8;
	[tilespmem:$0x14F00] =	vst v63  }
0x50: {  	s31 =	simm.s32 $0x400;
	s28 =	simm.s32 $0x8F00  }
0x51: {  	[tilespmem:s28], [sflag:$0x1] =	stream.indirect.gather [hbm4b:s4+s19], $0x10, s31, s19, $0xb8;
	[tilespmem:$0x14F00] =	vst v63  }
0x52: {  	s31 =	simm.s32 $0x480;
	s28 =	simm.s32 $0x9700  }
0x53: {  	[tilespmem:s28], [sflag:$0x1] =	stream.indirect.gather [hbm4b:s4+s19], $0x10, s31, s19, $0xb8;
	[tilespmem:$0x14F00] =	vst v63  }
0x54: {  	s31 =	simm.s32 $0x500;
	s28 =	simm.s32 $0x9F00  }
0x55: {  	[tilespmem:s28], [sflag:$0x1] =	stream.indirect.gather [hbm4b:s4+s19], $0x10, s31, s19, $0xb8;
	[tilespmem:$0x14F00] =	vst v63  }
0x56: {  	s31 =	simm.s32 $0x580;
	s28 =	simm.s32 $0xA700  }
0x57: {  	[tilespmem:s28], [sflag:$0x1] =	stream.indirect.gather [hbm4b:s4+s19], $0x10, s31, s19, $0xb8;
	[tilespmem:$0x14F00] =	vst v63  }
0x58: {  	s31 =	simm.s32 $0x600;
	s28 =	simm.s32 $0xAF00  }
0x59: {  	[tilespmem:s28], [sflag:$0x1] =	stream.indirect.gather [hbm4b:s4+s19], $0x10, s31, s19, $0xb8;
	[tilespmem:$0x14F00] =	vst v63  }
0x5a: {  	s31 =	simm.s32 $0x680;
	s28 =	simm.s32 $0xB700  }
0x5b: {  	[tilespmem:s28], [sflag:$0x1] =	stream.indirect.gather [hbm4b:s4+s19], $0x10, s31, s19, $0xb8;
	[tilespmem:$0x14F00] =	vst v63  }
0x5c: {  	_ = 	snop  }
0x5d: {  	[tilespmem:s5], [sflag:$0x1] =	stream.indirect.gather [hbm4b:s4+s19], $0x10, s3, s19, $0xb8;
	[tilespmem:$0x14F00] =	vst v63  }
0x5e: {  	_ = 	snop  }
0x5f: {  	[tilespmem:s21], [sflag:$0x1] =	stream.indirect.gather [hbm4b:s4+s19], $0x10, s20, s19, $0xb8;
	[tilespmem:$0x14F00] =	vst v63  }
0x60: {  	_ =	swait.ge [sflag:s22], $0x800  }
0x61: {  	s26 =	sand.u32 $0x1E000, s26;
	[sflag:s22] =	ssyncset.done $0x0  }
0x62: {  	s26 =	sshrl.u32 s26, $0x2;
	s28 =	simm.s32 $0x2780;
	[sflag:s22] =	ssyncadd.s32 $0xFFFFF800  }
0x63: {  	[spmem:s2] =	stream.indirect.scatter.add.f32 [tilespmem:s23], [sflag:$0x2], $0x10, s28, s19, $0xb8;
	[tilespmem:$0x14F00] =	vst v63  }
0x64: {  	s29 =	sadd.s32 $0x4F00, s26  }
0x65: {  	[spmem:s1] =	stream.indirect.scatter.add.f32 [tilespmem:s29], [sflag:$0x3], $0x10, s28, s19, $0xb8;
	[tilespmem:$0x14F00] =	vst v63  }
0x66: {  	_ =	swait.ge [sflag:s18], $0x800  }
0x67: {  	p1 =	sle.u32 s6, $0x10;
	[sflag:s18] =	ssyncset.done $0x0  }
0x68: {  	s26 =	simm.s32 $0x800;
	s28 =	simm.s32 @!p1 $0x80;
	[sflag:s18] =	ssyncadd.s32 $0xFFFFF800  }
0x69: {  	[tilespmem:s29], [sflag:$0x1] =	stream.indirect.gather @!p1 [hbm4b:s4+s28], $0x10, s26, s28, $0xb8;
	[tilespmem:$0x14F00] =	vst v63  }
0x6a: {  	p1 =	sne.s32 s16, $0x2000  }
.Ltmp2:
0x6b: {  	_ = 	snop;
	(pc) =	sbr.rel @!p1 .LBB2_7-.Ltmp2, $3  }
0x6c: {  	_ =	sdelay $0x1  }
0x6d: {  	s30 =	simm.s32 $0x2800  }
0x6e: {  	s28 =	simm.s32 $0x2000;
	s29 =	simm.s32 $0x11;
	_ =	swait.ge [sflag:s24], $0x800  }
.LBB2_6:
0x6f: {  	[sflag:s24] =	ssyncset.done $0x0  }
0x70: {  	s26 =	sadd.s32 $0x80, s26;
	s31 =	smov.u32 s28;
	s28 =	sadd.s32 $0x2000, s28  }
0x71: {  	p1 =	sne.s32 s16, s28;
	[sflag:s24] =	ssyncadd.s32 $0xFFFFF800  }
0x72: {  	_ =	swait.ge [sflag:s22], $0x800  }
0x73: {  	s31 =	sand.u32 $0x1E000, s31;
	[sflag:s22] =	ssyncset.done $0x0  }
0x74: {  	s31 =	sshrl.u32 s31, $0x2;
	[sflag:s22] =	ssyncadd.s32 $0xFFFFF800  }
0x75: {  	[spmem:s2] =	stream.indirect.scatter.add.f32 [tilespmem:s23], [sflag:$0x2], $0x10, s30, s19, $0xb8;
	[tilespmem:$0x14F00] =	vst v63  }
0x76: {  	s31 =	sadd.s32 $0x4F00, s31  }
0x77: {  	[spmem:s1] =	stream.indirect.scatter.add.f32 [tilespmem:s31], [sflag:$0x3], $0x10, s30, s19, $0xb8;
	[tilespmem:$0x14F00] =	vst v63  }
.Ltmp3:
0x78: {  	p2 =	sge.u32 s29, s6;
	_ =	swait.ge [sflag:s18], $0x800;
	(pc) =	sbr.rel @p1 .LBB2_6-.Ltmp3, $4  }
0x79: {  	s0 =	simm.s32 @!p2 $0x80;
	[sflag:s18] =	ssyncset.done $0x0  }
0x7a: {  	[sflag:s18] =	ssyncadd.s32 $0xFFFFF800  }
0x7b: {  	[tilespmem:s31], [sflag:$0x1] =	stream.indirect.gather @!p2 [hbm4b:s4+s0], $0x10, s26, s0, $0xb8;
	[tilespmem:$0x14F00] =	vst v63  }
0x7c: {  	s29 =	sadd.s32 $0x1, s29;
	s30 =	sadd.s32 $0x80, s30;
	_ =	swait.ge [sflag:s24], $0x800  }
.LBB2_7:
0x7d: {  	[sflag:s24] =	ssyncset.done $0x0;
	s0 =	stileid.u32  }
0x7e: {  	[sflag:s24] =	ssyncadd.s32 $0xFFFFF800;
	s0 =	sshll.u32 s0, $0x6  }
0x7f: {  	s26 =	sshrl.u32 s7, $0x3;
	[bflag:$0x0] =	sbarrier.arrive $0xFFFF;
	s0 =	sor.u32 $0x1C03, s0  }
0x80: {  	[hbm:s14], [sflag:s0] =	dma.local [spmem:s26], $0x500  }
0x81: {  	s25 =	sadd.s32 $0x1, s25;
	_ =	swait.ge [sflag:s18], $0x500  }
0x82: {  	p1 =	sne.s32 s25, s13;
	[sflag:s18] =	ssyncset.done $0x0  }
.Ltmp4:
0x83: {  	s31 =	sshrl.u32 s9, $0x3;
	[sflag:s18] =	ssyncadd.s32 $0xFFFFFB00;
	(pc) =	sbr.rel @p1 .LBB2_1-.Ltmp4, $4  }
0x84: {  	[hbm:s15], [sflag:s0] =	dma.local [spmem:s31], $0x500  }
0x85: {  	_ =	swait.ge [sflag:s18], $0x500  }
0x86: {  	[sflag:s18] =	ssyncset.done $0x0  }
0x87: {  	[sflag:s18] =	ssyncadd.s32 $0xFFFFFB00  }
0x88: {  	_ =	sfence.sel $0x180000  }
0x89: {  	[bflag:$0x0] =	sbarrier.arrive $0xFFFF  }
0x8a: {  	_ =	strace $0x9000004D  }
0x8b: {  	s0 =	stileid.u32;
	[bflag:$0x2] =	sbarrier.arrive $0xFFFF  }
0x8c: {  	p0 =	sne.s32 s0, $0x0;
	s0 =	rddreg [dreg:$0x3]  }
0x8d: {  	s0 =	sadd.s32 @!p0 $0x100000, s0  }
0x8e: {  	[sflag:s0] =	ssyncadd.tile.s32 @!p0 $0x1;
	_ =	shalt  }
.Lfunc_end2:
_tile_overlayer_lowered:
.L_overlay_start_2:
0x8f: {  	(tag) =	ssettag $0x2  }
0x90: {  	s0 =	rddreg [dreg:$0x0];
	s2 =	stileid.u32  }
0x91: {  	s1 =	rddreg [dreg:$0x1];
	p0 =	sne.s32 s2, $0x0  }
0x92: {  	s3 =	rddreg [dreg:$0x2];
	[bflag:$0x3] =	sbarrier.arrive $0xFFFF;
	s2 =	simm.s32 @!p0 $0x1C03  }
0x93: {  	[timem:s3], [sflag:s2] =	dma.local @!p0 [hbm:s0], s1  }
0x94: {  	s0 =	simm.s32 @!p0 $0x3  }
0x95: {  	_ =	swait.ge @!p0 [sflag:s0], s1  }
0x96: {  	s1 =	ssub.s32 @!p0 $0x0, s1;
	[sflag:s0] =	ssyncset.done @!p0 $0x0  }
0x97: {  	[sflag:s0] =	ssyncadd.s32 @!p0 s1  }
0x98: {  	[bflag:$0x3] =	sbarrier.arrive $0xFFFF  }
0x99: {  	_ =	shalt  }

// kernel: kernel.16.cloned.1.call-start
scs
__scs_entry_jumppad:
0x0: {  	(pc) =	sbr.rel $0x88, $3  }
0x1: {  	(tag) =	ssettag $0x0;
	lr =	simm.s32 $0x1  }
0x2: {  	[smem:$0x3F9D] =	sst lr;
	_ =	strace $0xD0000000  }
0x3: {  	_ = 	snop  }
0x4: {  	_ = 	snop  }
0x5: {  	_ = 	snop  }
0x6: {  	_ = 	snop  }
0x7: {  	_ = 	snop  }
__scs_overlays_trampoline_lowered:
0x8: {  	[smem:$0x3FAC] =	sst s0  }
0x9: {  	[smem:$0x3FAD] =	sst s1  }
0xa: {  	[smem:$0x3FAE] =	sst s2  }
0xb: {  	[smem:$0x3FAF] =	sst s3  }
0xc: {  	[smem:$0x3FB0] =	sst s4  }
0xd: {  	[smem:$0x3FB1] =	sst s5  }
0xe: {  	[smem:$0x3FB2] =	sst s6  }
0xf: {  	[smem:$0x3FB3] =	sst s7  }
0x10: {  	[smem:$0x3FB4] =	sst s8  }
0x11: {  	[smem:$0x3FB5] =	sst s9;
	s0 =	simm.s32 @!p0 $0x0  }
0x12: {  	s1 =	sld [smem:$0x3F9B];
	s0 =	simm.s32 @p0 $0x1  }
0x13: {  	[smem:$0x3FB6] =	sst s0;
	s0 =	simm.s32 @!p1 $0x0  }
0x14: {  	s2 =	sld [smem:$0x3F9A];
	s0 =	simm.s32 @p1 $0x1  }
0x15: {  	[smem:$0x3FB7] =	sst s0;
	s0 =	simm.s32 @!p2 $0x0  }
0x16: {  	s3 =	sld [smem:$0x3FDB];
	s0 =	simm.s32 @p2 $0x1  }
0x17: {  	s4 =	simm.s32 $0x1BF5;
	[smem:$0x3FB9] =	sst s0  }
0x18: {  	s0 =	sld [smem:$0x3F9C];
	_ =	swait.ge [sflag:s4], $0x0  }
0x19: {  	s7 =	sld [smem:$0x3F9D]  }
0x1a: {  	s8 =	sadd.s32 $0xFFFFE003, lr  }
0x1b: {  	s9 =	sadd.s32 $0xFFFFFEF7, lr;
	s5 =	simm.s32 $0xFFFFFFFF;
	p2 =	slt.u32 s8, $0xFFFFF086  }
0x1c: {  	p1 =	slt.u32 s9, $0xF7A;
	s5 =	simm.s32 @!p2 $0x0  }
0x1d: {  	s5 =	simm.s32 @p1 $0x1;
	p0 =	seq.s32 s7, s2  }
0x1e: {  	s7 =	smul.u32 @!p0 $0xF7A, s2;
	p2 =	seq.s32 @!p0 s5, $0x0  }
0x1f: {  	s9 =	smul.u32 $0xF7A, s1;
	s8 =	simm.s32 @!p0 $0x1BF5;
	p2 =	por !p2, p0  }
0x20: {  	[sflag:s8] =	ssyncset.s32 @!p0 $0xFFFFF086;
	s6 =	sadd.s32 @!p0 s3, s7;
	s7 =	simm.s32 @!p0 $0x108  }
0x21: {  	s3 =	sadd.s32 s3, s9;
	s6 =	sadd.s32 @!p0 $0x88, s6;
	s7 =	simm.s32 @p2 $0x1082  }
0x22: {  	[simem:s7], [sflag:s8] =	dma.local @!p0 [hbm:s6], $0xF7A  }
0x23: {  	s9 =	sor.u32 $0xD0000000, s2;
	s6 =	simm.s32 $0x108;
	_ =	swait.ge @!p0 [sflag:s8], $0x0  }
0x24: {  	s3 =	sadd.s32 $0x88, s3;
	s6 =	simm.s32 @!p1 $0x1082;
	[sflag:s4] =	ssyncset.s32 $0xFFFFF086  }
0x25: {  	[simem:s6], [sflag:s4] =	dma.local [hbm:s3], $0xF7A  }
0x26: {  	[smem:$0x3F9D] =	sst s1;
	(tag) =	ssettag s2;
	_ =	strace s9  }
0x27: {  	s1 =	sld [smem:$0x3FAD]  }
0x28: {  	s2 =	sld [smem:$0x3FAE]  }
0x29: {  	s4 =	sld [smem:$0x3FB0]  }
0x2a: {  	p0 =	seq.s32 s5, $0x0;
	s5 =	sld [smem:$0x3FB1]  }
0x2b: {  	s6 =	sld [smem:$0x3FB2]  }
0x2c: {  	s7 =	sld [smem:$0x3FB3]  }
0x2d: {  	s3 =	simm.s32 $0x108;
	s8 =	sld [smem:$0x3FB4]  }
0x2e: {  	s3 =	simm.s32 @!p0 $0x1082;
	s9 =	sld [smem:$0x3FB5]  }
0x2f: {  	lr =	sadd.s32 s0, s3;
	s0 =	sld [smem:$0x3FAC]  }
0x30: {  	s3 =	sld [smem:$0x3FAF]  }
0x31: {  	[smem:$0x3FB8] =	sst s10  }
0x32: {  	s10 =	sld [smem:$0x3FB6];
	_ =	sdelay $0x3  }
0x33: {  	p0 =	seq.s32 s10, $0x1;
	s10 =	sld [smem:$0x3FB8];
	_ =	sdelay $0x3  }
0x34: {  	[smem:$0x3FB8] =	sst s10  }
0x35: {  	s10 =	sld [smem:$0x3FB7];
	_ =	sdelay $0x3  }
0x36: {  	p1 =	seq.s32 s10, $0x1;
	s10 =	sld [smem:$0x3FB8];
	_ =	sdelay $0x3  }
0x37: {  	[smem:$0x3FB8] =	sst s10  }
0x38: {  	s10 =	sld [smem:$0x3FB9]  }
0x39: {  	_ = 	snop;
	(pc) =	sbr.ind lr, $3  }
0x3a: {  	_ = 	snop  }
0x3b: {  	_ = 	snop  }
0x3c: {  	p2 =	seq.s32 s10, $0x1;
	s10 =	sld [smem:$0x3FB8]  }
0x3d: {  	_ =	shalt  }
0x3e: {  	_ =	shalt  }
0x3f: {  	_ =	shalt  }
0x40: {  	_ =	shalt  }
0x41: {  	_ =	shalt  }
0x42: {  	_ =	shalt  }
0x43: {  	_ =	shalt  }
0x44: {  	_ =	shalt  }
0x45: {  	_ =	shalt  }
0x46: {  	_ =	shalt  }
0x47: {  	_ =	shalt  }
0x48: {  	_ =	shalt  }
0x49: {  	_ =	shalt  }
0x4a: {  	_ =	shalt  }
0x4b: {  	_ =	shalt  }
0x4c: {  	_ =	shalt  }
0x4d: {  	_ =	shalt  }
0x4e: {  	_ =	shalt  }
0x4f: {  	_ =	shalt  }
0x50: {  	_ =	shalt  }
0x51: {  	_ =	shalt  }
0x52: {  	_ =	shalt  }
0x53: {  	_ =	shalt  }
0x54: {  	_ =	shalt  }
0x55: {  	_ =	shalt  }
0x56: {  	_ =	shalt  }
0x57: {  	_ =	shalt  }
0x58: {  	_ =	shalt  }
0x59: {  	_ =	shalt  }
0x5a: {  	_ =	shalt  }
0x5b: {  	_ =	shalt  }
0x5c: {  	_ =	shalt  }
0x5d: {  	_ =	shalt  }
0x5e: {  	_ =	shalt  }
0x5f: {  	_ =	shalt  }
0x60: {  	_ =	shalt  }
0x61: {  	_ =	shalt  }
0x62: {  	_ =	shalt  }
0x63: {  	_ =	shalt  }
0x64: {  	_ =	shalt  }
0x65: {  	_ =	shalt  }
0x66: {  	_ =	shalt  }
0x67: {  	_ =	shalt  }
0x68: {  	_ =	shalt  }
0x69: {  	_ =	shalt  }
0x6a: {  	_ =	shalt  }
0x6b: {  	_ =	shalt  }
0x6c: {  	_ =	shalt  }
0x6d: {  	_ =	shalt  }
0x6e: {  	_ =	shalt  }
0x6f: {  	_ =	shalt  }
0x70: {  	_ =	shalt  }
0x71: {  	_ =	shalt  }
0x72: {  	_ =	shalt  }
0x73: {  	_ =	shalt  }
0x74: {  	_ =	shalt  }
0x75: {  	_ =	shalt  }
0x76: {  	_ =	shalt  }
0x77: {  	_ =	shalt  }
0x78: {  	_ =	shalt  }
0x79: {  	_ =	shalt  }
0x7a: {  	_ =	shalt  }
0x7b: {  	_ =	shalt  }
0x7c: {  	_ =	shalt  }
0x7d: {  	_ =	shalt  }
0x7e: {  	_ =	shalt  }
0x7f: {  	_ =	shalt  }
0x80: {  	_ =	shalt  }
0x81: {  	_ =	shalt  }
0x82: {  	_ =	shalt  }
0x83: {  	_ =	shalt  }
0x84: {  	_ =	shalt  }
0x85: {  	_ =	shalt  }
0x86: {  	_ =	shalt  }
0x87: {  	_ =	shalt  }
.Lfunc_end0:
.L_simem_size_0:
called_computation.3_lowered:
.L_overlay_start_0:
0x88: {  	s2 =	sld [smem:$0x3FD9]  }
0x89: {  	s3 =	sld [smem:$0x3FFE];
	_ =	sdelay $0x1  }
0x8a: {  	s1 =	srdreg.scid  }
0x8b: {  	s0 =	sand.u32 $0x1, s1  }
0x8c: {  	s17 =	sshll.u32 s0, $0xA;
	s2 =	sadd.s32 s3, s2  }
0x8d: {  	s2 =	sadd.s32 s2, s17  }
0x8e: {  	[smem:$0x3FC4] =	sst s2  }
0x8f: {  	_ = 	snop  }
0x90: {  	s2 =	sld [smem:$0x3FC6];
	(tm) =	ssettm $0x1  }
0x91: {  	s18 =	sld [smem:$0x3FFB];
	_ =	sdelay $0x3  }
0x92: {  	_ =	strace s18  }
0x93: {  	s3 =	sld [smem:$0x3FFC];
	_ =	sdelay $0x3  }
0x94: {  	_ =	strace s3  }
0x95: {  	s3 =	sld [smem:$0x3FFD];
	_ =	sdelay $0x3  }
0x96: {  	_ =	strace s3  }
0x97: {  	_ =	strace $0x8FFFFFFF  }
0x98: {  	s19 =	sld [smem:$0x3FDB];
	_ =	sdelay $0x1  }
0x99: {  	s4 =	simm.s32 $_scs_section_size  }
0x9a: {  	s5 =	simm.s32 $_size__tile_overlayer_lowered;
	s6 =	simm.s32 $_tile_overlayer_lowered  }
0x9b: {  	s22 =	simm.s32 $0x1BFF;
	s21 =	sshll.u32 s6, $0x1;
	s3 =	sadd.s32 s4, s19  }
0x9c: {  	s7 =	simm.s32 $0x0;
	s20 =	sshll.u32 s5, $0x1;
	s5 =	sadd.s32 s21, s3  }
0x9d: {  	[timem:s7], [sflag:s22] =	dma.local [hbm:s5], s20  }
0x9e: {  	_ =	swait.ge [sflag:s22], s20  }
0x9f: {  	s4 =	ssub.s32 $0x0, s20;
	[sflag:s22] =	ssyncset.done $0x0  }
0xa0: {  	[sflag:s22] =	ssyncadd.s32 s4;
	_ =	sdelay $0x1  }
0xa1: {  	s23 =	simm.s32 $0x1B8B  }
0xa2: {  	_ =	swait.ge [sflag:s23], $0x1  }
0xa3: {  	[sflag:s23] =	ssyncset.done $0x0  }
0xa4: {  	s25 =	simm.s32 $0x1B8E;
	s24 =	sld [smem:$0x3FFE];
	[sflag:s23] =	ssyncadd.s32 $0xFFFFFFFF  }
0xa5: {  	s26 =	simm.s32 $execute0_lowered;
	[smem:$0x3FD2] =	sst s25  }
0xa6: {  	s5 =	sshll.u32 s26, $0x1;
	_ =	strace $0x8000004F;
	[dreg:$0x1] =	wrdreg $0xFFFFFFFF  }
0xa7: {  	s28 =	simm.s32 $_size_execute0_lowered;
	s3 =	sadd.s32 s3, s5;
	[dreg:$0x0] =	wrdreg $0x0  }
0xa8: {  	s5 =	sshll.u32 s28, $0x1;
	[dreg:$0x2] =	wrdreg s3  }
0xa9: {  	[dreg:$0x3] =	wrdreg s5  }
0xaa: {  	[dreg:$0x4] =	wrdreg $0xC0  }
0xab: {  	_ =	task [dreg:s7], $0x5FFFF  }
0xac: {  	[dreg:$0x1] =	wrdreg $0xFFFFFFFF  }
0xad: {  	[dreg:$0x0] =	wrdreg $0x60  }
0xae: {  	[dreg:$0x2] =	wrdreg s24  }
0xaf: {  	[dreg:$0x3] =	wrdreg s2  }
0xb0: {  	[dreg:$0x4] =	wrdreg $0x9  }
0xb1: {  	_ =	task.clear_ibuf [dreg:s7], $0x5FFFF;
	_ =	strace $0x9000004F  }
0xb2: {  	s29 =	simm.s32 $0x9;
	_ =	strace $0x80000051  }
0xb3: {  	_ =	swait.ge [sflag:s29], $0x1  }
0xb4: {  	[sflag:s29] =	ssyncadd.s32 $0xFFFFFFFF  }
0xb5: {  	_ =	strace $0x90000051  }
0xb6: {  	_ =	sfence  }
0xb7: {  	s30 =	sld [smem:$0x0];
	_ =	sdelay $0x2  }
0xb8: {  	s31 =	sshll.u32 s1, $0xD;
	s1 =	sshrl.u32 s1, $0x2  }
0xb9: {  	s3 =	sand.u32 $0x4000, s31;
	s1 =	sadd.s32 s1, s30  }
0xba: {  	s0 =	sor.u32 s3, s0;
	s1 =	sshll.u32 s1, $0x11  }
0xbb: {  	s0 =	sor.u32 s1, s0  }
0xbc: {  	s0 =	sadd.s32 $0x8F2B, s0  }
0xbd: {  	[sflag:s0] =	ssyncadd.remote.s32 $0x1  }
0xbe: {  	_ =	sfence.sel $0xFFFF  }
0xbf: {  	[dreg:$0x0] =	wrdreg $0xFFFFFFFF;
	(pc) =	sbr.abs _section_cstart, $3  }
0xc0: {  	[dreg:$0x1] =	wrdreg $0xFFFFFFFF  }
0xc1: {  	_ =	task.clear_ibuf [dreg:s7], $0x2FFFF;
	_ =	strace $0x9FFFFFFF  }
0xc2: {  	(tm) =	ssettm $0x7FFFFFFF  }
0xc3: {  	_ =	shalt  }
tec
execute0_lowered:
.L_overlay_start_1:
0x0: {  	(tag) =	ssettag $0x1  }
0x1: {  	s0 =	srdreg.scid;
	s5 =	rddreg [dreg:$0x0]  }
0x2: {  	s2 =	rddreg [dreg:$0x1];
	s3 =	simm.s32 $0x0;
	s10 =	simm.s32 $0x1  }
0x3: {  	s11 =	simm.s32 $0x1400;
	s12 =	simm.s32 $0x2800;
	s4 =	sand.u32 $0x1, s0  }
0x4: {  	s13 =	simm.s32 $0x3C00;
	s0 =	stileid.u32;
	s1 =	sshll.u32 s4, $0x4  }
0x5: {  	s14 =	simm.s32 $0x6400;
	s15 =	simm.s32 $0x5000;
	s1 =	sor.u32 s0, s1  }
0x6: {  	[smem:$0x7FF] =	sst s3;
	s4 =	ssub.s32 $0x2, s4;
	s6 =	smul.u32 $0x280, s1  }
0x7: {  	s16 =	simm.s32 $0x0;
	s31 =	sshrl.u32 s4, $0x1;
	s1 =	rddreg [dreg:$0x2]  }
0x8: {  	_ =	strace $0x80000050;
	s9 =	ssub.s32 s4, s31;
	s8 =	sadd.s32 s6, s5  }
0x9: {  	s9 =	smax.u32 s9, $0x1;
	s4 =	sadd.s32 $0x15C00, s8;
	s5 =	sadd.s32 $0x1AC00, s8  }
0xa: {  	v0 =	vimm.f32 $1.000000000e+00;
	s6 =	sadd.s32 $0x1FC00, s8;
	s7 =	sadd.s32 $0x29C00, s8;
	s8 =	sadd.s32 $0x24C00, s8  }
.LBB2_1:
0xb: {  	[tilespmem:s3], [sflag:$0x1] =	stream.linear.gather [hbm4b:s4+s3], $0x1400, $0x38;
	[tilespmem:$0x6410] =	vst v63  }
0xc: {  	_ =	swait.ge [sflag:s10], $0x1400  }
0xd: {  	[sflag:s10] =	ssyncset.done $0x0  }
0xe: {  	[sflag:s10] =	ssyncadd.s32 $0xFFFFEC00  }
0xf: {  	[tilespmem:s11], [sflag:$0x1] =	stream.linear.gather [hbm4b:s5+s3], $0x1400, $0x38;
	[tilespmem:$0x6410] =	vst v63  }
0x10: {  	_ =	swait.ge [sflag:s10], $0x1400  }
0x11: {  	[sflag:s10] =	ssyncset.done $0x0  }
0x12: {  	[sflag:s10] =	ssyncadd.s32 $0xFFFFEC00  }
0x13: {  	[tilespmem:s12], [sflag:$0x1] =	stream.linear.gather [hbm4b:s6+s3], $0x1400, $0x38;
	[tilespmem:$0x6410] =	vst v63  }
0x14: {  	_ =	swait.ge [sflag:s10], $0x1400  }
0x15: {  	[sflag:s10] =	ssyncset.done $0x0  }
0x16: {  	[sflag:s10] =	ssyncadd.s32 $0xFFFFEC00  }
0x17: {  	[tilespmem:s13], [sflag:$0x1] =	stream.linear.gather [hbm4b:s7+s3], $0x1400, $0x38;
	[tilespmem:$0x6410] =	vst v63  }
0x18: {  	_ =	swait.ge [sflag:s10], $0x1400  }
0x19: {  	[sflag:s10] =	ssyncset.done $0x0  }
0x1a: {  	[sflag:s10] =	ssyncadd.s32 $0xFFFFEC00  }
0x1b: {  	[tilespmem:s14], [sflag:$0x1] =	stream.linear.gather [hbm4b:s2+s3], $0x10, $0x38;
	[tilespmem:$0x6410] =	vst v63  }
0x1c: {  	_ =	swait.ge [sflag:s10], $0x10  }
0x1d: {  	[sflag:s10] =	ssyncset.done $0x0  }
0x1e: {  	s18 =	simm.s32 $0x0;
	[sflag:s10] =	ssyncadd.s32 $0xFFFFFFF0  }
0x1f: {  	v1 =	vld [tilespmem:s18+$0x3C00]  }
0x20: {  	v2 =	vld [tilespmem:s18+$0x2800];
	_ =	sdelay $0x4  }
0x21: {  	v4 =	vadd.f32 v1, v2;
	_ =	sdelay $0x1  }
0x22: {  	v1 =	vmax.f32 v4, $1.000000000e+00  }
0x23: {  	v2 =	vmul.f32 $3.814697270e-06, v1  }
0x24: {  	vm0 =	vge.f32 v1, $2.621440000e+05  }
0x25: {  	v1 =	vsel vm0, v2, v1  }
0x26: {  	v2 =	vmul.f32 $1.525878910e-05, v1  }
0x27: {  	s17 =	simm.s32 $0x10;
	vm1 =	vge.f32 v1, $6.553600000e+04  }
0x28: {  	v5 =	vld [tilespmem:s17+$0x2800];
	v1 =	vsel vm1, v2, v1  }
0x29: {  	v2 =	vld [tilespmem:s17+$0x3C00];
	v3 =	vmul.f32 $6.103515630e-05, v1  }
0x2a: {  	v15 =	vld [tilespmem:s18+$0x1400];
	vm2 =	vge.f32 v1, $1.638400000e+04  }
0x2b: {  	v17 =	vld [tilespmem:s18+$0x0];
	v6 =	vsel vm0, $0x3B000000, v0;
	v1 =	vsel vm2, v3, v1  }
0x2c: {  	v3 =	vmul.f32 $3.906250000e-03, v6;
	v7 =	vmul.f32 $2.441406250e-04, v1  }
0x2d: {  	vm0 =	vge.f32 v1, $4.096000000e+03  }
0x2e: {  	v3 =	vsel vm1, v3, v6;
	v6 =	vsel vm0, v7, v1;
	v1 =	vadd.f32 v2, v5  }
0x2f: {  	v2 =	vmul.f32 $7.812500000e-03, v3;
	v5 =	vmul.f32 $9.765625000e-04, v6  }
0x30: {  	v15 =	vadd.f32 v15, v17;
	vm3 =	vge.f32 v6, $1.024000000e+03;
	v7 =	vmax.f32 v1, $1.000000000e+00  }
0x31: {  	v2 =	vsel vm2, v2, v3;
	v3 =	vsel vm3, v5, v6;
	v5 =	vmul.f32 $3.814697270e-06, v7  }
0x32: {  	v6 =	vmul.f32 $1.562500000e-02, v2;
	vm1 =	vge.f32 v7, $2.621440000e+05;
	v8 =	vmul.f32 $3.906250000e-03, v3  }
0x33: {  	vm4 =	vge.f32 v3, $2.560000000e+02;
	v9 =	vsel vm1, $0x3B000000, v0;
	v5 =	vsel vm1, v5, v7  }
0x34: {  	v2 =	vsel vm0, v6, v2;
	v6 =	vmul.f32 $1.525878910e-05, v5;
	v3 =	vsel vm4, v8, v3  }
0x35: {  	v7 =	vmul.f32 $3.125000000e-02, v2;
	vm0 =	vge.f32 v5, $6.553600000e+04;
	v8 =	vmul.f32 $1.562500000e-02, v3  }
0x36: {  	vm1 =	vge.f32 v3, $6.400000000e+01;
	v5 =	vsel vm0, v6, v5;
	v6 =	vmul.f32 $3.906250000e-03, v9  }
0x37: {  	v2 =	vsel vm3, v7, v2;
	v10 =	vmul.f32 $6.103515630e-05, v5;
	v3 =	vsel vm1, v8, v3  }
0x38: {  	s19 =	simm.s32 $0x20;
	vm2 =	vge.f32 v5, $1.638400000e+04;
	v7 =	vmul.f32 $6.250000000e-02, v3;
	v6 =	vsel vm0, v6, v9  }
0x39: {  	v8 =	vld [tilespmem:s19+$0x3C00];
	vm3 =	vge.f32 v3, $1.600000000e+01;
	v5 =	vsel vm2, v10, v5;
	v9 =	vmul.f32 $7.812500000e-03, v6  }
0x3a: {  	v11 =	vmul.f32 $6.250000000e-02, v2;
	v10 =	vmul.f32 $2.441406250e-04, v5;
	v3 =	vsel vm3, v7, v3;
	v7 =	vld [tilespmem:s19+$0x2800]  }
0x3b: {  	vm5 =	vge.f32 v5, $4.096000000e+03;
	v12 =	vmul.f32 $2.500000000e-01, v3;
	v6 =	vsel vm2, v9, v6  }
0x3c: {  	vm2 =	vge.f32 v3, $4.000000000e+00;
	v9 =	vsel vm4, v11, v2;
	v5 =	vsel vm5, v10, v5  }
0x3d: {  	v11 =	vmul.f32 $1.562500000e-02, v6;
	v13 =	vmul.f32 $1.250000000e-01, v9;
	v3 =	vsel vm2, v12, v3  }
0x3e: {  	v10 =	vmul.f32 $9.765625000e-04, v5;
	vm4 =	vge.f32 v5, $1.024000000e+03;
	v12 =	vmul.f32 $5.000000000e-01, v3  }
0x3f: {  	vm0 =	vge.f32 v3, $2.000000000e+00;
	v6 =	vsel vm5, v11, v6;
	v2 =	vadd.f32 v8, v7  }
0x40: {  	v5 =	vsel vm4, v10, v5;
	v7 =	vsel vm1, v13, v9;
	v3 =	vsel vm0, v12, v3  }
0x41: {  	v9 =	vmul.f32 $2.500000000e-01, v7;
	v8 =	vmul.f32 $5.000000000e-01, v3;
	v3 =	vmax.f32 v2, $1.000000000e+00  }
0x42: {  	v11 =	vmul.f32 $3.125000000e-02, v6;
	v14 =	vmul.f32 $3.906250000e-03, v5;
	vm1 =	vge.f32 v3, $2.621440000e+05  }
0x43: {  	v10 =	vmul.f32 $3.814697270e-06, v3;
	v7 =	vsel vm3, v9, v7;
	v12 =	vmul.f32 $8.500000230e-01, v8  }
0x44: {  	v6 =	vsel vm4, v11, v6;
	v13 =	vsel vm1, $0x3B000000, v0;
	v11 =	vmul.f32 $5.000000000e-01, v7  }
0x45: {  	v3 =	vsel vm1, v10, v3;
	v9 =	vmul.f32 $3.906250000e-03, v13;
	v10 =	vmul.f32 $8.500000230e-01, v12  }
0x46: {  	vm1 =	vge.f32 v3, $6.553600000e+04;
	v12 =	vmul.f32 $1.525878910e-05, v3;
	v7 =	vsel vm2, v11, v7  }
0x47: {  	vm2 =	vge.f32 v5, $2.560000000e+02;
	v9 =	vsel vm1, v9, v13;
	v10 =	vsub.f32 $1.500000000e+00, v10  }
0x48: {  	v13 =	vmul.f32 $6.250000000e-02, v6;
	v3 =	vsel vm1, v12, v3;
	v11 =	vmul.f32 $7.812500000e-03, v9  }
0x49: {  	v5 =	vsel vm2, v14, v5;
	v12 =	vmul.f32 $6.103515630e-05, v3;
	v10 =	vmul.f32 $8.500000230e-01, v10  }
0x4a: {  	vm1 =	vge.f32 v3, $1.638400000e+04;
	v6 =	vsel vm2, v13, v6;
	v13 =	vmul.f32 $1.562500000e-02, v5  }
0x4b: {  	v9 =	vsel vm1, v11, v9;
	v3 =	vsel vm1, v12, v3;
	v11 =	vmul.f32 v10, v8  }
0x4c: {  	vm5 =	vmmov vm0;
	vm2 =	vge.f32 v5, $6.400000000e+01;
	v12 =	vmul.f32 $2.441406250e-04, v3  }
0x4d: {  	v5 =	vsel vm2, v13, v5;
	vm1 =	vge.f32 v3, $4.096000000e+03;
	v11 =	vmul.f32 v11, v10  }
0x4e: {  	v13 =	vmul.f32 $1.562500000e-02, v9;
	v14 =	vmul.f32 $6.250000000e-02, v5;
	v3 =	vsel vm1, v12, v3  }
0x4f: {  	s20 =	simm.s32 $0x30;
	vm4 =	vge.f32 v5, $1.600000000e+01;
	v12 =	vmul.f32 $9.765625000e-04, v3;
	v11 =	vsub.f32 $1.500000000e+00, v11  }
0x50: {  	v16 =	vld [tilespmem:s20+$0x3C00];
	v9 =	vsel vm1, v13, v9;
	v5 =	vsel vm4, v14, v5;
	vm3 =	vge.f32 v3, $1.024000000e+03  }
0x51: {  	v12 =	vsel vm3, v12, v3;
	v3 =	vmul.f32 $1.250000000e-01, v6;
	v10 =	vmul.f32 v11, v10;
	v11 =	vld [tilespmem:s20+$0x2800]  }
0x52: {  	v14 =	vmul.f32 $3.125000000e-02, v9;
	vm1 =	vgt.f32 v4, $0.0e+00;
	v13 =	vmul.f32 $2.500000000e-01, v5  }
0x53: {  	vm6 =	vge.f32 v5, $4.000000000e+00;
	v3 =	vsel vm2, v3, v6;
	v6 =	vmul.f32 v10, v8  }
0x54: {  	v5 =	vsel vm6, v13, v5;
	v13 =	vmul.f32 $7.071067690e-01, v7;
	v18 =	vmul.f32 $2.500000000e-01, v3  }
0x55: {  	v9 =	vsel vm3, v14, v9;
	v19 =	vmul.f32 $5.000000000e-01, v5;
	v6 =	vmul.f32 v6, v10  }
0x56: {  	vm0 =	vge.f32 v5, $2.000000000e+00;
	v14 =	vsel vm4, v18, v3;
	v3 =	vadd.f32 v16, v11  }
0x57: {  	v7 =	vsel vm5, v13, v7;
	v5 =	vsel vm0, v19, v5;
	v6 =	vsub.f32 $1.500000000e+00, v6  }
0x58: {  	v5 =	vmul.f32 $5.000000000e-01, v5;
	v11 =	vmul.f32 $5.000000000e-01, v14;
	v13 =	vmax.f32 v3, $1.000000000e+00  }
0x59: {  	v16 =	vmul.f32 v6, v10;
	vm2 =	vge.f32 v13, $2.621440000e+05;
	v4 =	vmul.f32 $3.814697270e-06, v13  }
0x5a: {  	v10 =	vmul.f32 $8.500000230e-01, v5;
	v6 =	vsel vm6, v11, v14;
	v17 =	vsel vm2, $0x3B000000, v0  }
0x5b: {  	v8 =	vmul.f32 v16, v8;
	v4 =	vsel vm2, v4, v13;
	v11 =	vmul.f32 $3.906250000e-03, v17  }
0x5c: {  	v10 =	vmul.f32 $8.500000230e-01, v10;
	vm2 =	vge.f32 v4, $6.553600000e+04;
	v13 =	vmul.f32 $1.525878910e-05, v4  }
0x5d: {  	vm4 =	vge.f32 v12, $2.560000000e+02;
	v8 =	vmul.f32 v8, v16;
	v11 =	vsel vm2, v11, v17  }
0x5e: {  	v10 =	vsub.f32 $1.500000000e+00, v10;
	v4 =	vsel vm2, v13, v4;
	v13 =	vmul.f32 $7.812500000e-03, v11  }
0x5f: {  	v17 =	vsub.f32 $1.500000000e+00, v8;
	vm2 =	vge.f32 v4, $1.638400000e+04;
	v63 =	vmul.f32 $6.103515630e-05, v4  }
0x60: {  	v14 =	vmul.f32 $6.250000000e-02, v9;
	v10 =	vmul.f32 $8.500000230e-01, v10;
	v8 =	vsel vm2, v13, v11  }
0x61: {  	v13 =	vmul.f32 $3.906250000e-03, v12;
	v11 =	vmul.f32 v17, v16;
	v4 =	vsel vm2, v63, v4  }
0x62: {  	v16 =	vmul.f32 v10, v5;
	vm3 =	vge.f32 v4, $4.096000000e+03;
	v17 =	vmul.f32 $2.441406250e-04, v4  }
0x63: {  	v12 =	vsel vm4, v13, v12;
	v11 =	vmul.f32 v11, v7;
	v7 =	vsel vm4, v14, v9  }
0x64: {  	v9 =	vmul.f32 v16, v10;
	v16 =	vsel vm3, v17, v4;
	v4 =	vmul.f32 $1.562500000e-02, v12  }
0x65: {  	vm2 =	vge.f32 v12, $6.400000000e+01  }
0x66: {  	v14 =	vsel vm2, v4, v12;
	v4 =	vld [tilespmem:$0x6400]  }
0x67: {  	v11 =	vnsel vm1, $0x0, v11;
	v17 =	vmul.f32 $9.765625000e-04, v16  }
0x68: {  	vm1 =	vge.f32 v16, $1.024000000e+03;
	v13 =	vsub.f32 $1.500000000e+00, v9;
	v11 =	vmul.f32 v11, v15  }
0x69: {  	s21 =	simm.s32 $0x100;
	v12 =	vmul.f32 $1.562500000e-02, v8;
	v9 =	vsel vm1, v17, v16;
	v15 =	vmul.f32 $6.250000000e-02, v14  }
.LBB2_2:
0x6a: {  	v16 =	vmul.f32 $1.250000000e-01, v7  }
0x6b: {  	s22 =	sshra.s32 s21, $0x2;
	p0 =	sne.s32 s21, $0x4FC0;
	s21 =	sadd.s32 $0x40, s21;
	vm4 =	vge.f32 v14, $1.600000000e+01;
	v17 =	vld [tilespmem:s17+$0x1400];
	v11 =	vadd.f32 v11, v4;
	vm5 =	vmmov vm0  }
0x6c: {  	v10 =	vmul.f32 v13, v10;
	v18 =	vld [tilespmem:s22+$0x3C00];
	v8 =	vsel vm3, v12, v8;
	v12 =	vsel vm4, v15, v14  }
0x6d: {  	v13 =	vld [tilespmem:s22+$0x2800];
	vm3 =	vge.f32 v12, $4.000000000e+00;
	v14 =	vmul.f32 $2.500000000e-01, v12;
	v11 =	vmax.f32 v11, $0.0e+00  }
0x6e: {  	v15 =	vmul.f32 $3.125000000e-02, v8;
	v7 =	vsel vm2, v16, v7;
	v16 =	vmul.f32 v10, v5;
	v19 =	vld [tilespmem:s17+$0x0];
	[tilespmem:s18+$0x5000] =	vst v11;
	s18 =	smov.u32 s17;
	s17 =	smov.u32 s19;
	s19 =	smov.u32 s20  }
0x6f: {  	v11 =	vmul.f32 $2.500000000e-01, v7;
	s20 =	smov.u32 s22;
	v12 =	vsel vm3, v14, v12;
	v14 =	vmul.f32 $7.071067690e-01, v6  }
0x70: {  	v16 =	vmul.f32 v16, v10;
	vm0 =	vge.f32 v12, $2.000000000e+00;
	v20 =	vmul.f32 $5.000000000e-01, v12  }
0x71: {  	v15 =	vsel vm1, v15, v8;
	v7 =	vsel vm4, v11, v7;
	v11 =	vsel vm5, v14, v6  }
0x72: {  	v6 =	vadd.f32 v18, v13;
	v8 =	vsel vm0, v20, v12;
	v12 =	vsub.f32 $1.500000000e+00, v16  }
0x73: {  	v13 =	vmul.f32 $5.000000000e-01, v7;
	v8 =	vmul.f32 $5.000000000e-01, v8;
	v16 =	vadd.f32 v17, v19  }
0x74: {  	vm1 =	vgt.f32 v1, $0.0e+00;
	v1 =	vmovc v2;
	v2 =	vmovc v3;
	v14 =	vmax.f32 v6, $1.000000000e+00;
	v12 =	vmul.f32 v12, v10  }
0x75: {  	v3 =	vmovc v6;
	vm2 =	vge.f32 v14, $2.621440000e+05;
	v10 =	vmul.f32 $3.814697270e-06, v14;
	v17 =	vmul.f32 $8.500000230e-01, v8  }
0x76: {  	v6 =	vsel vm3, v13, v7;
	v18 =	vsel vm2, $0x3B000000, v0;
	v7 =	vmul.f32 v12, v5;
	v5 =	vmovc v8  }
0x77: {  	v8 =	vsel vm2, v10, v14;
	v10 =	vmul.f32 $3.906250000e-03, v18;
	v13 =	vmul.f32 $8.500000230e-01, v17  }
0x78: {  	vm2 =	vge.f32 v8, $6.553600000e+04;
	v14 =	vmul.f32 $1.525878910e-05, v8;
	v7 =	vmul.f32 v7, v12  }
0x79: {  	v17 =	vsel vm2, v10, v18;
	v18 =	vmul.f32 $6.250000000e-02, v15;
	v10 =	vsub.f32 $1.500000000e+00, v13  }
0x7a: {  	v13 =	vsel vm2, v14, v8;
	v8 =	vmul.f32 $7.812500000e-03, v17;
	v7 =	vsub.f32 $1.500000000e+00, v7  }
0x7b: {  	vm2 =	vge.f32 v13, $1.638400000e+04;
	v14 =	vmul.f32 $6.103515630e-05, v13;
	v10 =	vmul.f32 $8.500000230e-01, v10  }
0x7c: {  	vm4 =	vge.f32 v9, $2.560000000e+02;
	v8 =	vsel vm2, v8, v17;
	v7 =	vmul.f32 v7, v12  }
0x7d: {  	v12 =	vsel vm2, v14, v13;
	v13 =	vmul.f32 $3.906250000e-03, v9;
	v14 =	vmul.f32 v10, v5  }
0x7e: {  	vm3 =	vge.f32 v12, $4.096000000e+03;
	v17 =	vmul.f32 $2.441406250e-04, v12;
	v11 =	vmul.f32 v7, v11  }
.Ltmp0:
0x7f: {  	v7 =	vsel vm4, v18, v15;
	v9 =	vsel vm4, v13, v9;
	v13 =	vmul.f32 v14, v10;
	(pc) =	sbr.rel @p0 .LBB2_2-.Ltmp0, $4  }
0x80: {  	v15 =	vsel vm3, v17, v12;
	v12 =	vmul.f32 $1.562500000e-02, v9;
	v11 =	vnsel vm1, $0x0, v11  }
0x81: {  	vm2 =	vge.f32 v9, $6.400000000e+01;
	vm1 =	vge.f32 v15, $1.024000000e+03;
	v17 =	vmul.f32 $9.765625000e-04, v15  }
0x82: {  	v13 =	vsub.f32 $1.500000000e+00, v13;
	v11 =	vmul.f32 v11, v16;
	v14 =	vsel vm2, v12, v9  }
0x83: {  	v12 =	vmul.f32 $1.562500000e-02, v8;
	v9 =	vsel vm1, v17, v15;
	v15 =	vmul.f32 $6.250000000e-02, v14  }
0x84: {  	v16 =	vmul.f32 $3.906250000e-03, v9  }
0x85: {  	vm11 =	vge.f32 v9, $2.560000000e+02  }
0x86: {  	v9 =	vsel vm11, v16, v9  }
0x87: {  	v16 =	vmul.f32 $1.562500000e-02, v9  }
0x88: {  	vm9 =	vge.f32 v9, $6.400000000e+01  }
0x89: {  	v9 =	vsel vm9, v16, v9  }
0x8a: {  	vm10 =	vge.f32 v14, $1.600000000e+01;
	v16 =	vmul.f32 $6.250000000e-02, v9  }
0x8b: {  	v14 =	vsel vm10, v15, v14;
	vm8 =	vge.f32 v9, $1.600000000e+01  }
0x8c: {  	v15 =	vmul.f32 $2.500000000e-01, v14;
	v9 =	vsel vm8, v16, v9  }
0x8d: {  	vm7 =	vge.f32 v14, $4.000000000e+00;
	v16 =	vmul.f32 $2.500000000e-01, v9  }
0x8e: {  	v14 =	vsel vm7, v15, v14;
	vm4 =	vge.f32 v9, $4.000000000e+00  }
0x8f: {  	v15 =	vmul.f32 $5.000000000e-01, v14;
	v9 =	vsel vm4, v16, v9  }
0x90: {  	vm6 =	vge.f32 v14, $2.000000000e+00;
	v16 =	vmul.f32 $5.000000000e-01, v9  }
0x91: {  	v35 =	vsel vm6, v15, v14;
	vm5 =	vge.f32 v9, $2.000000000e+00  }
0x92: {  	v10 =	vmul.f32 v13, v10;
	v13 =	vmul.f32 $5.000000000e-01, v35;
	v9 =	vsel vm5, v16, v9  }
0x93: {  	v9 =	vmul.f32 $5.000000000e-01, v9  }
0x94: {  	v37 =	vmul.f32 $8.500000230e-01, v13  }
0x95: {  	v36 =	vmul.f32 v10, v5;
	v38 =	vmul.f32 $8.500000230e-01, v9  }
0x96: {  	v15 =	vmul.f32 $8.500000230e-01, v37  }
0x97: {  	v14 =	vmul.f32 v36, v10;
	v16 =	vmul.f32 $8.500000230e-01, v38  }
0x98: {  	v15 =	vsub.f32 $1.500000000e+00, v15  }
0x99: {  	v14 =	vsub.f32 $1.500000000e+00, v14;
	v39 =	vsub.f32 $1.500000000e+00, v16  }
0x9a: {  	v15 =	vmul.f32 $8.500000230e-01, v15  }
0x9b: {  	v10 =	vmul.f32 v14, v10;
	v14 =	vmul.f32 $8.500000230e-01, v39  }
0x9c: {  	v41 =	vmul.f32 v15, v13  }
0x9d: {  	v8 =	vsel vm3, v12, v8;
	v40 =	vmul.f32 v10, v5;
	v17 =	vmul.f32 v14, v9  }
0x9e: {  	v43 =	vmul.f32 $3.125000000e-02, v8;
	v16 =	vmul.f32 v41, v15  }
0x9f: {  	v5 =	vmul.f32 v40, v10;
	v42 =	vmul.f32 v17, v14  }
0xa0: {  	v46 =	vmul.f32 $7.071067690e-01, v6;
	v16 =	vsub.f32 $1.500000000e+00, v16  }
0xa1: {  	v8 =	vsel vm1, v43, v8;
	v5 =	vsub.f32 $1.500000000e+00, v5;
	v44 =	vsub.f32 $1.500000000e+00, v42  }
0xa2: {  	v45 =	vld [tilespmem:s17+$0x1400];
	v49 =	vmul.f32 $6.250000000e-02, v8;
	v15 =	vmul.f32 v16, v15  }
0xa3: {  	v48 =	vld [tilespmem:s17+$0x0];
	v5 =	vmul.f32 v5, v10;
	v10 =	vmul.f32 v44, v14  }
0xa4: {  	v47 =	vmul.f32 $1.250000000e-01, v7;
	vm0 =	vmmov vm0;
	v18 =	vmul.f32 v15, v13  }
0xa5: {  	vm15 =	vgt.f32 v1, $0.0e+00;
	v8 =	vsel vm11, v49, v8;
	v50 =	vmul.f32 v10, v9  }
0xa6: {  	v6 =	vsel vm0, v46, v6;
	v51 =	vmul.f32 $1.250000000e-01, v8;
	v1 =	vmul.f32 v18, v15  }
0xa7: {  	v11 =	vadd.f32 v11, v4;
	v5 =	vmul.f32 v5, v6;
	v6 =	vmul.f32 v50, v10  }
0xa8: {  	v12 =	vadd.f32 v45, v48;
	v8 =	vsel vm9, v51, v8;
	v1 =	vsub.f32 $1.500000000e+00, v1  }
0xa9: {  	v52 =	vmul.f32 $2.500000000e-01, v8;
	v5 =	vnsel vm15, $0x0, v5;
	v6 =	vsub.f32 $1.500000000e+00, v6  }
0xaa: {  	v7 =	vsel vm2, v47, v7;
	v5 =	vmul.f32 v5, v12;
	v1 =	vmul.f32 v1, v15  }
0xab: {  	v16 =	vmul.f32 $2.500000000e-01, v7;
	v6 =	vmul.f32 v6, v10  }
0xac: {  	v11 =	vmax.f32 v11, $0.0e+00;
	v5 =	vadd.f32 v5, v4;
	v53 =	vmul.f32 v1, v13  }
0xad: {  	[tilespmem:s18+$0x5000] =	vst v11;
	v8 =	vsel vm8, v52, v8;
	v7 =	vsel vm10, v16, v7;
	v9 =	vmul.f32 v6, v9  }
0xae: {  	v55 =	vld [tilespmem:s19+$0x1400];
	v54 =	vmul.f32 $5.000000000e-01, v7;
	v5 =	vmax.f32 v5, $0.0e+00;
	v57 =	vmul.f32 v53, v1  }
0xaf: {  	v56 =	vld [tilespmem:s19+$0x0];
	v58 =	vmul.f32 $5.000000000e-01, v8;
	[tilespmem:s17+$0x5000] =	vst v5;
	v9 =	vmul.f32 v9, v6  }
0xb0: {  	v7 =	vsel vm7, v54, v7;
	v59 =	vld [tilespmem:s20+$0x1400];
	v10 =	vsub.f32 $1.500000000e+00, v57  }
0xb1: {  	v5 =	vsel vm4, v58, v8;
	v60 =	vld [tilespmem:s20+$0x0];
	v12 =	vmul.f32 $7.071067690e-01, v7;
	v9 =	vsub.f32 $1.500000000e+00, v9  }
0xb2: {  	vm12 =	vmmov vm6;
	v61 =	vmul.f32 $7.071067690e-01, v5;
	v1 =	vmul.f32 v10, v1  }
0xb3: {  	vm13 =	vmmov vm5;
	v7 =	vsel vm12, v12, v7;
	v6 =	vmul.f32 v9, v6  }
0xb4: {  	v5 =	vsel vm13, v61, v5;
	v1 =	vmul.f32 v1, v7  }
0xb5: {  	vm14 =	vgt.f32 v2, $0.0e+00;
	v62 =	vadd.f32 v55, v56;
	v2 =	vmul.f32 v6, v5  }
0xb6: {  	vm15 =	vgt.f32 v3, $0.0e+00;
	v63 =	vadd.f32 v59, v60;
	v1 =	vnsel vm14, $0x0, v1  }
0xb7: {  	v1 =	vmul.f32 v1, v62;
	v2 =	vnsel vm15, $0x0, v2  }
0xb8: {  	v2 =	vmul.f32 v2, v63  }
0xb9: {  	v1 =	vadd.f32 v1, v4  }
0xba: {  	v2 =	vadd.f32 v2, v4  }
0xbb: {  	s16 =	sadd.s32 $0x1, s16;
	v1 =	vmax.f32 v1, $0.0e+00  }
0xbc: {  	p0 =	sne.s32 s16, s9;
	[tilespmem:s19+$0x5000] =	vst v1;
	v1 =	vmax.f32 v2, $0.0e+00  }
.Ltmp1:
0xbd: {  	[tilespmem:s20+$0x5000] =	vst v1;
	(pc) =	sbr.rel @p0 .LBB2_1-.Ltmp1, $4  }
0xbe: {  	[hbm4b:s8+s3] =	stream.linear.scatter [tilespmem:s15], [sflag:$0x1], $0x1400, $0x38;
	[tilespmem:$0x6410] =	vst v63  }
0xbf: {  	_ =	swait.ge [sflag:s10], $0x1400  }
0xc0: {  	[sflag:s10] =	ssyncset.done $0x0  }
0xc1: {  	[sflag:s10] =	ssyncadd.s32 $0xFFFFEC00  }
0xc2: {  	_ =	sfence.sel $0x180000  }
0xc3: {  	[bflag:$0x0] =	sbarrier.arrive $0xFFFF  }
0xc4: {  	p0 =	sne.s32 s0, $0x0;
	_ =	strace $0x90000050  }
0xc5: {  	s0 =	sadd.s32 @!p0 $0x100000, s1;
	[bflag:$0x2] =	sbarrier.arrive $0xFFFF  }
0xc6: {  	[sflag:s0] =	ssyncadd.tile.s32 @!p0 $0x1;
	_ =	shalt  }
.Lfunc_end2:
_tile_overlayer_lowered:
.L_overlay_start_2:
0xc7: {  	(tag) =	ssettag $0x2  }
0xc8: {  	s0 =	rddreg [dreg:$0x0];
	s2 =	stileid.u32  }
0xc9: {  	s1 =	rddreg [dreg:$0x1];
	p0 =	sne.s32 s2, $0x0  }
0xca: {  	s3 =	rddreg [dreg:$0x2];
	[bflag:$0x3] =	sbarrier.arrive $0xFFFF;
	s2 =	simm.s32 @!p0 $0x1C01  }
0xcb: {  	[timem:s3], [sflag:s2] =	dma.local @!p0 [hbm:s0], s1  }
0xcc: {  	s0 =	simm.s32 @!p0 $0x1  }
0xcd: {  	_ =	swait.ge @!p0 [sflag:s0], s1  }
0xce: {  	s1 =	ssub.s32 @!p0 $0x0, s1;
	[sflag:s0] =	ssyncset.done @!p0 $0x0  }
0xcf: {  	[sflag:s0] =	ssyncadd.s32 @!p0 s1  }
0xd0: {  	[bflag:$0x3] =	sbarrier.arrive $0xFFFF  }
0xd1: {  	_ =	shalt  }

// kernel: kernel.7.cloned.1.call-start
scs
__scs_entry_jumppad:
0x0: {  	(pc) =	sbr.rel $0x88, $3  }
0x1: {  	(tag) =	ssettag $0x0;
	lr =	simm.s32 $0x1  }
0x2: {  	[smem:$0x3F9D] =	sst lr;
	_ =	strace $0xD0000000  }
0x3: {  	_ = 	snop  }
0x4: {  	_ = 	snop  }
0x5: {  	_ = 	snop  }
0x6: {  	_ = 	snop  }
0x7: {  	_ = 	snop  }
__scs_overlays_trampoline_lowered:
0x8: {  	[smem:$0x3FAC] =	sst s0  }
0x9: {  	[smem:$0x3FAD] =	sst s1  }
0xa: {  	[smem:$0x3FAE] =	sst s2  }
0xb: {  	[smem:$0x3FAF] =	sst s3  }
0xc: {  	[smem:$0x3FB0] =	sst s4  }
0xd: {  	[smem:$0x3FB1] =	sst s5  }
0xe: {  	[smem:$0x3FB2] =	sst s6  }
0xf: {  	[smem:$0x3FB3] =	sst s7  }
0x10: {  	[smem:$0x3FB4] =	sst s8  }
0x11: {  	[smem:$0x3FB5] =	sst s9;
	s0 =	simm.s32 @!p0 $0x0  }
0x12: {  	s1 =	sld [smem:$0x3F9B];
	s0 =	simm.s32 @p0 $0x1  }
0x13: {  	[smem:$0x3FB6] =	sst s0;
	s0 =	simm.s32 @!p1 $0x0  }
0x14: {  	s2 =	sld [smem:$0x3F9A];
	s0 =	simm.s32 @p1 $0x1  }
0x15: {  	[smem:$0x3FB7] =	sst s0;
	s0 =	simm.s32 @!p2 $0x0  }
0x16: {  	s3 =	sld [smem:$0x3FDB];
	s0 =	simm.s32 @p2 $0x1  }
0x17: {  	s4 =	simm.s32 $0x1BF5;
	[smem:$0x3FB9] =	sst s0  }
0x18: {  	s0 =	sld [smem:$0x3F9C];
	_ =	swait.ge [sflag:s4], $0x0  }
0x19: {  	s7 =	sld [smem:$0x3F9D]  }
0x1a: {  	s8 =	sadd.s32 $0xFFFFE003, lr  }
0x1b: {  	s9 =	sadd.s32 $0xFFFFFEF7, lr;
	s5 =	simm.s32 $0xFFFFFFFF;
	p2 =	slt.u32 s8, $0xFFFFF086  }
0x1c: {  	p1 =	slt.u32 s9, $0xF7A;
	s5 =	simm.s32 @!p2 $0x0  }
0x1d: {  	s5 =	simm.s32 @p1 $0x1;
	p0 =	seq.s32 s7, s2  }
0x1e: {  	s7 =	smul.u32 @!p0 $0xF7A, s2;
	p2 =	seq.s32 @!p0 s5, $0x0  }
0x1f: {  	s9 =	smul.u32 $0xF7A, s1;
	s8 =	simm.s32 @!p0 $0x1BF5;
	p2 =	por !p2, p0  }
0x20: {  	[sflag:s8] =	ssyncset.s32 @!p0 $0xFFFFF086;
	s6 =	sadd.s32 @!p0 s3, s7;
	s7 =	simm.s32 @!p0 $0x108  }
0x21: {  	s3 =	sadd.s32 s3, s9;
	s6 =	sadd.s32 @!p0 $0x88, s6;
	s7 =	simm.s32 @p2 $0x1082  }
0x22: {  	[simem:s7], [sflag:s8] =	dma.local @!p0 [hbm:s6], $0xF7A  }
0x23: {  	s9 =	sor.u32 $0xD0000000, s2;
	s6 =	simm.s32 $0x108;
	_ =	swait.ge @!p0 [sflag:s8], $0x0  }
0x24: {  	s3 =	sadd.s32 $0x88, s3;
	s6 =	simm.s32 @!p1 $0x1082;
	[sflag:s4] =	ssyncset.s32 $0xFFFFF086  }
0x25: {  	[simem:s6], [sflag:s4] =	dma.local [hbm:s3], $0xF7A  }
0x26: {  	[smem:$0x3F9D] =	sst s1;
	(tag) =	ssettag s2;
	_ =	strace s9  }
0x27: {  	s1 =	sld [smem:$0x3FAD]  }
0x28: {  	s2 =	sld [smem:$0x3FAE]  }
0x29: {  	s4 =	sld [smem:$0x3FB0]  }
0x2a: {  	p0 =	seq.s32 s5, $0x0;
	s5 =	sld [smem:$0x3FB1]  }
0x2b: {  	s6 =	sld [smem:$0x3FB2]  }
0x2c: {  	s7 =	sld [smem:$0x3FB3]  }
0x2d: {  	s3 =	simm.s32 $0x108;
	s8 =	sld [smem:$0x3FB4]  }
0x2e: {  	s3 =	simm.s32 @!p0 $0x1082;
	s9 =	sld [smem:$0x3FB5]  }
0x2f: {  	lr =	sadd.s32 s0, s3;
	s0 =	sld [smem:$0x3FAC]  }
0x30: {  	s3 =	sld [smem:$0x3FAF]  }
0x31: {  	[smem:$0x3FB8] =	sst s10  }
0x32: {  	s10 =	sld [smem:$0x3FB6];
	_ =	sdelay $0x3  }
0x33: {  	p0 =	seq.s32 s10, $0x1;
	s10 =	sld [smem:$0x3FB8];
	_ =	sdelay $0x3  }
0x34: {  	[smem:$0x3FB8] =	sst s10  }
0x35: {  	s10 =	sld [smem:$0x3FB7];
	_ =	sdelay $0x3  }
0x36: {  	p1 =	seq.s32 s10, $0x1;
	s10 =	sld [smem:$0x3FB8];
	_ =	sdelay $0x3  }
0x37: {  	[smem:$0x3FB8] =	sst s10  }
0x38: {  	s10 =	sld [smem:$0x3FB9]  }
0x39: {  	_ = 	snop;
	(pc) =	sbr.ind lr, $3  }
0x3a: {  	_ = 	snop  }
0x3b: {  	_ = 	snop  }
0x3c: {  	p2 =	seq.s32 s10, $0x1;
	s10 =	sld [smem:$0x3FB8]  }
0x3d: {  	_ =	shalt  }
0x3e: {  	_ =	shalt  }
0x3f: {  	_ =	shalt  }
0x40: {  	_ =	shalt  }
0x41: {  	_ =	shalt  }
0x42: {  	_ =	shalt  }
0x43: {  	_ =	shalt  }
0x44: {  	_ =	shalt  }
0x45: {  	_ =	shalt  }
0x46: {  	_ =	shalt  }
0x47: {  	_ =	shalt  }
0x48: {  	_ =	shalt  }
0x49: {  	_ =	shalt  }
0x4a: {  	_ =	shalt  }
0x4b: {  	_ =	shalt  }
0x4c: {  	_ =	shalt  }
0x4d: {  	_ =	shalt  }
0x4e: {  	_ =	shalt  }
0x4f: {  	_ =	shalt  }
0x50: {  	_ =	shalt  }
0x51: {  	_ =	shalt  }
0x52: {  	_ =	shalt  }
0x53: {  	_ =	shalt  }
0x54: {  	_ =	shalt  }
0x55: {  	_ =	shalt  }
0x56: {  	_ =	shalt  }
0x57: {  	_ =	shalt  }
0x58: {  	_ =	shalt  }
0x59: {  	_ =	shalt  }
0x5a: {  	_ =	shalt  }
0x5b: {  	_ =	shalt  }
0x5c: {  	_ =	shalt  }
0x5d: {  	_ =	shalt  }
0x5e: {  	_ =	shalt  }
0x5f: {  	_ =	shalt  }
0x60: {  	_ =	shalt  }
0x61: {  	_ =	shalt  }
0x62: {  	_ =	shalt  }
0x63: {  	_ =	shalt  }
0x64: {  	_ =	shalt  }
0x65: {  	_ =	shalt  }
0x66: {  	_ =	shalt  }
0x67: {  	_ =	shalt  }
0x68: {  	_ =	shalt  }
0x69: {  	_ =	shalt  }
0x6a: {  	_ =	shalt  }
0x6b: {  	_ =	shalt  }
0x6c: {  	_ =	shalt  }
0x6d: {  	_ =	shalt  }
0x6e: {  	_ =	shalt  }
0x6f: {  	_ =	shalt  }
0x70: {  	_ =	shalt  }
0x71: {  	_ =	shalt  }
0x72: {  	_ =	shalt  }
0x73: {  	_ =	shalt  }
0x74: {  	_ =	shalt  }
0x75: {  	_ =	shalt  }
0x76: {  	_ =	shalt  }
0x77: {  	_ =	shalt  }
0x78: {  	_ =	shalt  }
0x79: {  	_ =	shalt  }
0x7a: {  	_ =	shalt  }
0x7b: {  	_ =	shalt  }
0x7c: {  	_ =	shalt  }
0x7d: {  	_ =	shalt  }
0x7e: {  	_ =	shalt  }
0x7f: {  	_ =	shalt  }
0x80: {  	_ =	shalt  }
0x81: {  	_ =	shalt  }
0x82: {  	_ =	shalt  }
0x83: {  	_ =	shalt  }
0x84: {  	_ =	shalt  }
0x85: {  	_ =	shalt  }
0x86: {  	_ =	shalt  }
0x87: {  	_ =	shalt  }
.Lfunc_end0:
.L_simem_size_0:
called_computation_lowered:
.L_overlay_start_0:
0x88: {  	s2 =	sld [smem:$0x3FD9]  }
0x89: {  	s3 =	sld [smem:$0x3FFE];
	_ =	sdelay $0x1  }
0x8a: {  	s1 =	srdreg.scid  }
0x8b: {  	s0 =	sand.u32 $0x1, s1  }
0x8c: {  	s16 =	sshll.u32 s0, $0xA;
	s2 =	sadd.s32 s3, s2  }
0x8d: {  	s2 =	sadd.s32 s2, s16  }
0x8e: {  	[smem:$0x3FC4] =	sst s2  }
0x8f: {  	_ = 	snop  }
0x90: {  	(tm) =	ssettm $0x1  }
0x91: {  	s17 =	sld [smem:$0x3FFB];
	_ =	sdelay $0x3  }
0x92: {  	_ =	strace s17  }
0x93: {  	s2 =	sld [smem:$0x3FFC];
	_ =	sdelay $0x3  }
0x94: {  	_ =	strace s2  }
0x95: {  	s2 =	sld [smem:$0x3FFD];
	_ =	sdelay $0x3  }
0x96: {  	_ =	strace s2  }
0x97: {  	_ =	strace $0x8FFFFFFF  }
0x98: {  	s18 =	sld [smem:$0x3FDB];
	_ =	sdelay $0x1  }
0x99: {  	s19 =	simm.s32 $_scs_section_size  }
0x9a: {  	s4 =	simm.s32 $_size__tile_overlayer_lowered;
	s5 =	simm.s32 $_tile_overlayer_lowered  }
0x9b: {  	s22 =	simm.s32 $0x1BFF;
	s21 =	sshll.u32 s5, $0x1;
	s2 =	sadd.s32 s19, s18  }
0x9c: {  	s6 =	simm.s32 $0x0;
	s20 =	sshll.u32 s4, $0x1;
	s4 =	sadd.s32 s21, s2  }
0x9d: {  	[timem:s6], [sflag:s22] =	dma.local [hbm:s4], s20  }
0x9e: {  	_ =	swait.ge [sflag:s22], s20  }
0x9f: {  	s3 =	ssub.s32 $0x0, s20;
	[sflag:s22] =	ssyncset.done $0x0  }
0xa0: {  	[sflag:s22] =	ssyncadd.s32 s3;
	_ =	sdelay $0x1  }
0xa1: {  	s23 =	simm.s32 $0x1B8B  }
0xa2: {  	_ =	swait.ge [sflag:s23], $0x1  }
0xa3: {  	[sflag:s23] =	ssyncset.done $0x0  }
0xa4: {  	s25 =	simm.s32 $0x1B8E;
	s24 =	sld [smem:$0x3FFE];
	[sflag:s23] =	ssyncadd.s32 $0xFFFFFFFF  }
0xa5: {  	s26 =	simm.s32 $execute0_lowered;
	[smem:$0x3FD2] =	sst s25  }
0xa6: {  	s4 =	sshll.u32 s26, $0x1;
	_ =	strace $0x80000046;
	[dreg:$0x1] =	wrdreg $0xFFFFFFFF  }
0xa7: {  	s28 =	simm.s32 $_size_execute0_lowered;
	s2 =	sadd.s32 s2, s4;
	[dreg:$0x0] =	wrdreg $0x0  }
0xa8: {  	s4 =	sshll.u32 s28, $0x1;
	[dreg:$0x2] =	wrdreg s2  }
0xa9: {  	[dreg:$0x3] =	wrdreg s4  }
0xaa: {  	[dreg:$0x4] =	wrdreg $0xC0  }
0xab: {  	_ =	task [dreg:s6], $0x5FFFF  }
0xac: {  	[dreg:$0x1] =	wrdreg $0xFFFFFFFF  }
0xad: {  	[dreg:$0x0] =	wrdreg $0x60  }
0xae: {  	[dreg:$0x2] =	wrdreg s24  }
0xaf: {  	[dreg:$0x3] =	wrdreg $0x57800  }
0xb0: {  	[dreg:$0x4] =	wrdreg $0x9  }
0xb1: {  	_ =	task.clear_ibuf [dreg:s6], $0x5FFFF;
	_ =	strace $0x90000046  }
0xb2: {  	s29 =	simm.s32 $0x9;
	_ =	strace $0x80000048  }
0xb3: {  	_ =	swait.ge [sflag:s29], $0x1  }
0xb4: {  	[sflag:s29] =	ssyncadd.s32 $0xFFFFFFFF  }
0xb5: {  	_ =	strace $0x90000048  }
0xb6: {  	_ =	sfence  }
0xb7: {  	s30 =	sld [smem:$0x0];
	_ =	sdelay $0x2  }
0xb8: {  	s31 =	sshll.u32 s1, $0xD;
	s1 =	sshrl.u32 s1, $0x2  }
0xb9: {  	s3 =	sand.u32 $0x4000, s31;
	s1 =	sadd.s32 s1, s30  }
0xba: {  	s0 =	sor.u32 s3, s0;
	s1 =	sshll.u32 s1, $0x11  }
0xbb: {  	s0 =	sor.u32 s1, s0  }
0xbc: {  	s0 =	sadd.s32 $0x8F2B, s0  }
0xbd: {  	[sflag:s0] =	ssyncadd.remote.s32 $0x1  }
0xbe: {  	_ =	sfence.sel $0xFFFF  }
0xbf: {  	[dreg:$0x0] =	wrdreg $0xFFFFFFFF;
	(pc) =	sbr.abs _section_cstart, $3  }
0xc0: {  	[dreg:$0x1] =	wrdreg $0xFFFFFFFF  }
0xc1: {  	_ =	task.clear_ibuf [dreg:s6], $0x2FFFF;
	_ =	strace $0x9FFFFFFF  }
0xc2: {  	(tm) =	ssettm $0x7FFFFFFF  }
0xc3: {  	_ =	shalt  }
tec
execute0_lowered:
.L_overlay_start_1:
0x0: {  	(tag) =	ssettag $0x1  }
0x1: {  	s9 =	rddreg [dreg:$0x0]  }
0x2: {  	s1 =	rddreg [dreg:$0x1]  }
0x3: {  	s0 =	rddreg [dreg:$0x2];
	s3 =	simm.s32 $0x0  }
0x4: {  	s2 =	srdreg.scid;
	s14 =	simm.s32 $0x1AC00;
	s15 =	simm.s32 $0x0  }
0x5: {  	[smem:$0x7FF] =	sst s3;
	s6 =	sand.u32 $0x1, s2;
	s2 =	stileid.u32  }
0x6: {  	s11 =	sadd.s32 $0x2200, s9;
	s5 =	ssub.s32 $0x2, s6;
	s4 =	sshll.u32 s6, $0x4  }
0x7: {  	_ =	strace $0x80000047;
	s8 =	smul.u32 $0x2800, s2;
	s13 =	sshll.u32 s2, $0x4  }
0x8: {  	s31 =	sshll.u32 s2, $0x6;
	s7 =	sshrl.u32 s5, $0x1;
	s10 =	sor.u32 s2, s4  }
0x9: {  	s4 =	simm.s32 $0x4F;
	s13 =	sadd.s32 s13, s11;
	p0 =	slt.u32 s10, $0x4  }
0xa: {  	s12 =	ssub.s32 s5, s7;
	s5 =	sadd.s32 s8, s1;
	s29 =	smul.u32 $0x4E0, s10  }
0xb: {  	s7 =	sadd.s32 $0x9C00, s13;
	s30 =	sshrl.u32 s8, $0x3;
	s13 =	simm.s32 $0x2780  }
0xc: {  	s4 =	simm.s32 @!p0 $0x4E;
	p0 =	seq.s32 s6, $0x1;
	s8 =	smax.u32 s12, $0x1  }
0xd: {  	s12 =	simm.s32 $0x80;
	s6 =	sadd.s32 s11, s29;
	s14 =	simm.s32 @!p0 $0x15C00  }
0xe: {  	p0 =	sgt.u32 s10, $0x3;
	s10 =	simm.s32 $0x2F80;
	s9 =	sadd.s32 s14, s9  }
0xf: {  	v0 =	vimm.f32 $1.000000000e+00;
	v1 =	vimm.f32 $0.0e+00;
	s11 =	simm.s32 $0x1;
	s14 =	sor.u32 $0x1C01, s31;
	s9 =	sadd.s32 s9, s30  }
.LBB2_1:
0x10: {  	s16 =	simm.s32 $0x0  }
.LBB2_2:
0x11: {  	p1 =	sne.s32 s16, $0x1FC0  }
.Ltmp0:
0x12: {  	_ = 	snop;
	(pc) =	sbr.rel @p1 .LBB2_2-.Ltmp0, $4  }
0x13: {  	_ = 	snop  }
0x14: {  	s17 =	sshra.s32 s16, $0x2  }
0x15: {  	[tilespmem:s17+$0x2780] =	vst v0  }
0x16: {  	s16 =	sadd.s32 $0x40, s16;
	[tilespmem:s17+$0x2F80] =	vst v1  }
0x17: {  	s16 =	simm.s32 $0x40;
	s17 =	simm.s32 $0x0  }
.LBB2_4:
0x18: {  	p1 =	sne.s32 s16, $0x7FC0;
	[tilespmem:s17+$0x3780] =	vst v1;
	s17 =	smov.u32 s16;
	s16 =	sadd.s32 $0x40, s16  }
.Ltmp1:
0x19: {  	(pc) =	sbr.rel @p1 .LBB2_4-.Ltmp1, $2  }
0x1a: {  	_ =	sdelay $0x2  }
0x1b: {  	s17 =	sshra.s32 s17, $0x2  }
0x1c: {  	[tilespmem:s17+$0x3780] =	vst v1  }
0x1d: {  	[spmem:s5] =	stream.linear.scatter [tilespmem:s10], [sflag:$0x1], $0x2800, $0x38;
	[tilespmem:$0x7F80] =	vst v63  }
0x1e: {  	_ =	swait.ge [sflag:s11], $0x2800  }
0x1f: {  	[sflag:s11] =	ssyncset.done $0x0  }
0x20: {  	[sflag:s11] =	ssyncadd.s32 $0xFFFFD800  }
0x21: {  	[tilespmem:s3], [sflag:$0x1] =	stream.linear.gather [hbm4b:s6+s3], $0x2700, $0x38;
	[tilespmem:$0x7F80] =	vst v63  }
0x22: {  	_ =	swait.ge [sflag:s11], $0x2700  }
0x23: {  	[sflag:s11] =	ssyncset.done $0x0  }
0x24: {  	s16 =	simm.s32 @!p0 $0x0;
	s17 =	simm.s32 @!p0 $0x2700;
	[sflag:s11] =	ssyncadd.s32 $0xFFFFD900  }
0x25: {  	[tilespmem:s17], [sflag:$0x1] =	stream.linear.gather @!p0 [hbm4b:s7+s16], $0x80, $0x38;
	[tilespmem:$0x7F80] =	vst v63  }
0x26: {  	s16 =	simm.s32 @!p0 $0x1  }
0x27: {  	_ =	swait.ge @!p0 [sflag:s16], $0x80  }
0x28: {  	p1 =	sne.s32 s4, $0x1;
	[sflag:s16] =	ssyncset.done @!p0 $0x0  }
.Ltmp2:
0x29: {  	[sflag:s16] =	ssyncadd.s32 @!p0 $0xFFFFFF80;
	(pc) =	sbr.rel @!p1 .LBB2_7-.Ltmp2, $4  }
0x2a: {  	s16 =	simm.s32 $0x0;
	[bflag:$0x0] =	sbarrier.arrive $0xFFFF  }
0x2b: {  	[spmem:s1] =	stream.indirect.scatter.add.f32 [tilespmem:s13], [sflag:$0x1], $0x10, s16, s12, $0xb8;
	[tilespmem:$0x7F80] =	vst v63  }
0x2c: {  	_ =	swait.ge [sflag:s11], $0x800  }
0x2d: {  	s17 =	sadd.s32 $0xFFFFFFFF, s4;
	[sflag:s11] =	ssyncset.done $0x0  }
.LBB2_6:
0x2e: {  	p1 =	sne.s32 s17, $0x1;
	[sflag:s11] =	ssyncadd.s32 $0xFFFFF800;
	s16 =	sadd.s32 $0x80, s16  }
.Ltmp3:
0x2f: {  	s17 =	sadd.s32 $0xFFFFFFFF, s17;
	(pc) =	sbr.rel @p1 .LBB2_6-.Ltmp3, $4  }
0x30: {  	_ = 	snop  }
0x31: {  	[spmem:s1] =	stream.indirect.scatter.add.f32 [tilespmem:s13], [sflag:$0x1], $0x10, s16, s12, $0xb8;
	[tilespmem:$0x7F80] =	vst v63  }
0x32: {  	_ =	swait.ge [sflag:s11], $0x800  }
0x33: {  	[sflag:s11] =	ssyncset.done $0x0  }
.LBB2_7:
0x34: {  	s15 =	sadd.s32 $0x1, s15  }
0x35: {  	[sflag:s11] =	ssyncadd.s32 $0xFFFFF800;
	p1 =	sne.s32 s15, s8  }
.Ltmp4:
0x36: {  	s16 =	sshrl.u32 s5, $0x3;
	[bflag:$0x0] =	sbarrier.arrive $0xFFFF;
	(pc) =	sbr.rel @p1 .LBB2_1-.Ltmp4, $4  }
0x37: {  	[hbm:s9], [sflag:s14] =	dma.local [spmem:s16], $0x500  }
0x38: {  	_ =	swait.ge [sflag:s11], $0x500  }
0x39: {  	[sflag:s11] =	ssyncset.done $0x0  }
0x3a: {  	[sflag:s11] =	ssyncadd.s32 $0xFFFFFB00  }
0x3b: {  	_ =	sfence.sel $0x180000  }
0x3c: {  	[bflag:$0x0] =	sbarrier.arrive $0xFFFF  }
0x3d: {  	p0 =	sne.s32 s2, $0x0;
	_ =	strace $0x90000047  }
0x3e: {  	s0 =	sadd.s32 @!p0 $0x100000, s0;
	[bflag:$0x2] =	sbarrier.arrive $0xFFFF  }
0x3f: {  	[sflag:s0] =	ssyncadd.tile.s32 @!p0 $0x1;
	_ =	shalt  }
.Lfunc_end2:
_tile_overlayer_lowered:
.L_overlay_start_2:
0x40: {  	(tag) =	ssettag $0x2  }
0x41: {  	s0 =	rddreg [dreg:$0x0];
	s2 =	stileid.u32  }
0x42: {  	s1 =	rddreg [dreg:$0x1];
	p0 =	sne.s32 s2, $0x0  }
0x43: {  	s3 =	rddreg [dreg:$0x2];
	[bflag:$0x3] =	sbarrier.arrive $0xFFFF;
	s2 =	simm.s32 @!p0 $0x1C01  }
0x44: {  	[timem:s3], [sflag:s2] =	dma.local @!p0 [hbm:s0], s1  }
0x45: {  	s0 =	simm.s32 @!p0 $0x1  }
0x46: {  	_ =	swait.ge @!p0 [sflag:s0], s1  }
0x47: {  	s1 =	ssub.s32 @!p0 $0x0, s1;
	[sflag:s0] =	ssyncset.done @!p0 $0x0  }
0x48: {  	[sflag:s0] =	ssyncadd.s32 @!p0 s1  }
0x49: {  	[bflag:$0x3] =	sbarrier.arrive $0xFFFF  }
0x4a: {  	_ =	shalt  }

</sc_bundles>
